<compile_context>
chip_gen: v7x
topology: tpu7x:2x2x1
jax: 0.10.2.dev20260603
libtpu: 0.0.44.dev20260713+nightly
codegen_flags: <defaults>
</compile_context>

<pallas_src>
import functools

import jax
import jax.numpy as jnp
from jax import lax
from jax.experimental import pallas as pl
from jax.experimental.pallas import tpu as pltpu
from jax.experimental.pallas import tpu_sc as plsc



def _oem_merge(lo, hi, r):
    step = r * 2
    if step < hi - lo:
        yield from _oem_merge(lo, hi, step)
        yield from _oem_merge(lo + r, hi, step)
        for i in range(lo + r, hi - r, step):
            yield (i, i + r)
    else:
        yield (lo, lo + r)


def _oem_sort(lo, hi):
    if (hi - lo) >= 1:
        mid = lo + ((hi - lo) // 2)
        yield from _oem_sort(lo, mid)
        yield from _oem_sort(mid + 1, hi)
        yield from _oem_merge(lo, hi, 1)


_SORT32 = tuple(_oem_sort(0, 31))


def _sortnet32(vals):
    vals = list(vals)
    for i, j in _SORT32:
        a, b = vals[i], vals[j]
        vals[i] = jnp.minimum(a, b)
        vals[j] = jnp.maximum(a, b)
    return vals


def _median65(vals):
    A = _sortnet32(vals[0:32])
    Bv = _sortnet32(vals[32:64])
    e = vals[64]
    u31 = jnp.minimum(Bv[31], A[31])
    for i in range(1, 32):
        u31 = jnp.minimum(u31, jnp.maximum(A[i - 1], Bv[31 - i]))
    u32 = jnp.maximum(A[0], Bv[31])
    for i in range(2, 33):
        u32 = jnp.minimum(u32, jnp.maximum(A[i - 1], Bv[32 - i]))
    return jnp.minimum(jnp.maximum(u31, e), u32)


def _bf16_bits_rtne(a):
    u = lax.bitcast_convert_type(a, jnp.int32)
    rounded = u + 0x7FFF + ((u >> 16) & 1)
    return lax.shift_right_logical(rounded, 16)



_MM_BLK = 256


def _matmul_body(s_ref, x_ref, o_ref):
    res = lax.dot_general(
        s_ref[...], x_ref[...], (((0,), (1,)), ((), ())),
        preferred_element_type=jnp.float32,
    )
    half = res.shape[1] // 2
    lo = _bf16_bits_rtne(res[:, :half])
    hi = _bf16_bits_rtne(res[:, half:])
    word = lo | lax.shift_left(hi, 16)
    o_ref[...] = lax.bitcast_convert_type(word, jnp.float32)


def _matmul_call(S0, x2):
    BF, N_ = x2.shape
    grid = (N_ // _MM_BLK,)
    return pl.pallas_call(
        _matmul_body,
        grid=grid,
        in_specs=[
            pl.BlockSpec((N_, _MM_BLK), lambda i: (0, i)),
            pl.BlockSpec((BF, N_), lambda i: (0, 0)),
        ],
        out_specs=pl.BlockSpec((_MM_BLK, BF // 2), lambda i: (i, 0)),
        out_shape=jax.ShapeDtypeStruct((N_, BF // 2), jnp.float32),
    )(S0, x2)



_NC, _NS = 2, 16
_NW = _NC * _NS
_CHUNK = 104


def _make_gather(rows_total, row_len):
    per_w = rows_total // _NW
    nbuf = 4
    nturn = per_w // _CHUNK // nbuf
    mesh = plsc.VectorSubcoreMesh(core_axis_name="c", subcore_axis_name="s")

    @functools.partial(
        pl.kernel,
        out_type=jax.ShapeDtypeStruct((rows_total, row_len), jnp.float32),
        mesh=mesh,
        scratch_types=[
            pltpu.VMEM((per_w,), jnp.int32),
        ] + [pltpu.VMEM((_CHUNK, row_len), jnp.float32)] * nbuf
          + [pltpu.SemaphoreType.DMA] * (2 * nbuf),
    )
    def gather_k(table_hbm, idx_hbm, out_hbm, idx_all, *bufs_sems):
        bufs = bufs_sems[:nbuf]
        sgs = bufs_sems[nbuf:2 * nbuf]
        sss = bufs_sems[2 * nbuf:]
        wid = lax.axis_index("s") * _NC + lax.axis_index("c")
        base = pl.multiple_of(wid * per_w, 8)
        pltpu.sync_copy(idx_hbm.at[pl.ds(base, per_w)], idx_all)

        def g_start(c, b):
            pltpu.async_copy(
                table_hbm.at[idx_all.at[pl.ds(c * _CHUNK, _CHUNK)]],
                bufs[b], sgs[b])

        def g_wait(c, b):
            pltpu.make_async_copy(
                table_hbm.at[idx_all.at[pl.ds(c * _CHUNK, _CHUNK)]],
                bufs[b], sgs[b]).wait()

        def s_start(c, b):
            off = pl.multiple_of(base + c * _CHUNK, 8)
            pltpu.async_copy(bufs[b], out_hbm.at[pl.ds(off, _CHUNK)], sss[b])

        def s_wait(c, b):
            off = pl.multiple_of(base + c * _CHUNK, 8)
            pltpu.make_async_copy(
                bufs[b], out_hbm.at[pl.ds(off, _CHUNK)], sss[b]).wait()

        for b in range(nbuf):
            g_start(b, b)

        def body(i, carry):
            c0 = i * nbuf
            for b in range(nbuf):
                g_wait(c0 + b, b)
                s_start(c0 + b, b)

            @pl.when(i < nturn - 1)
            def _():
                for b in range(nbuf):
                    s_wait(c0 + b, b)
                    g_start(c0 + nbuf + b, b)

            return carry

        lax.fori_loop(0, nturn, body, 0)
        for b in range(nbuf):
            s_wait((nturn - 1) * nbuf + b, b)

    return gather_k



_MED_SUB = 64
_MED_OUT = 128
_MED_INNER = _MED_OUT // _MED_SUB

_HI_MASK = -65536


def _median_body(w_ref, g_ref, x_ref, o_ref, acc_w):
    j = pl.program_id(1)
    vals = [pltpu.bitcast(g_ref[0, d], jnp.bfloat16)
            for d in range(65)]
    med16 = _median65(vals)
    acc_w[pl.ds(j * _MED_SUB, _MED_SUB), :] = pltpu.bitcast(med16, jnp.int32)

    @pl.when(j == _MED_INNER - 1)
    def _():
        w0 = w_ref[0, 0]
        w1 = w_ref[0, 1]
        half = x_ref.shape[0] // 2
        w = acc_w[...]
        med_lo = lax.bitcast_convert_type(lax.shift_left(w, 16), jnp.float32)
        med_hi = lax.bitcast_convert_type(w & _HI_MASK, jnp.float32)
        o_ref[:half, :] = (w0 * jnp.maximum(x_ref[:half, :], 0.0)
                           + w1 * med_lo.T)
        o_ref[half:, :] = (w0 * jnp.maximum(x_ref[half:, :], 0.0)
                           + w1 * med_hi.T)


def _median_call(weight, Gw, x2):
    NB, Kp1, _, BFH = Gw.shape
    BF = BFH * 2
    N_ = NB * _MED_SUB
    grid = (N_ // _MED_OUT, _MED_INNER)
    return pl.pallas_call(
        _median_body,
        grid=grid,
        in_specs=[
            pl.BlockSpec((1, 2), lambda i, j: (0, 0)),
            pl.BlockSpec((1, Kp1, _MED_SUB, BFH),
                         lambda i, j: (i * _MED_INNER + j, 0, 0, 0)),
            pl.BlockSpec((BF, _MED_OUT), lambda i, j: (0, i)),
        ],
        out_specs=pl.BlockSpec((BF, _MED_OUT), lambda i, j: (0, i)),
        out_shape=jax.ShapeDtypeStruct((BF, N_), jnp.float32),
        scratch_shapes=[
            pltpu.VMEM((_MED_OUT, BFH), jnp.int32),
        ],
    )(weight, Gw, x2)




_NSLAB = 2


def kernel(x, S, weight, neigh_idx):
    B_, F_, N_ = x.shape
    BF = B_ * F_
    Dp1 = neigh_idx.shape[1]

    x2 = x.reshape(BF, N_)
    table = _matmul_call(S[0], x2)
    idx_flat = neigh_idx.reshape(N_ // _MED_SUB, _MED_SUB, Dp1)
    idx_flat = idx_flat.transpose(0, 2, 1).reshape(-1)
    n_slab = N_ // _NSLAB
    rows_slab = Dp1 * n_slab
    gather_k = _make_gather(rows_slab, BF // 2)
    outs = []
    for sl in range(_NSLAB):
        idx_s = lax.slice(idx_flat, (sl * rows_slab,), ((sl + 1) * rows_slab,))
        Gw = gather_k(table, idx_s)
        Gw = Gw.reshape(n_slab // _MED_SUB, Dp1, _MED_SUB, BF // 2)
        x2_s = lax.slice(x2, (0, sl * n_slab), (BF, (sl + 1) * n_slab))
        outs.append(_median_call(weight, Gw, x2_s))
    out2 = jnp.concatenate(outs, axis=1)
    return out2.reshape(B_, F_, N_)

# --- scband reference (transcript-rebuilt; emitter-appended) ---
"""Pipeline reference for scband-median-gaactivation-506806141066 (READ-ONLY COPY).

The authoritative reference and input builder live on the scoring server;
editing this copy changes nothing except your own understanding.
"""

import jax, jax.numpy as jnp
import numpy as np

B, F, N, K, D = 2, 128, 2048, 1, 64


def setup_inputs(seed: int = 0) -> dict:
    key = jax.random.key(seed)
    k1, k2 = jax.random.split(key)
    x = jax.random.normal(k1, (B, F, N), dtype=jnp.float32)
    rng = np.random.default_rng(0)
    neigh = rng.integers(0, N, size=(N, D))
    # neighborhood matrix: node itself first, then D random neighbors (padded/fixed-width,
    # mirroring graphTools.computeNeighborhood(outputType='matrix'))
    neigh_idx = np.concatenate([np.arange(N)[:, None], neigh], axis=1).astype(np.int32)  # [N, D+1]
    S = np.zeros((N, N), dtype=np.float32)
    S[np.arange(N)[:, None], neigh] = 1.0 / D
    S = S[None, :, :]  # [1, N, N] as required by addGSO
    stdv = 1.0 / np.sqrt(K)
    weight = jax.random.uniform(k2, (1, K + 1), minval=-stdv, maxval=stdv, dtype=jnp.float32)
    return {"x": x, "S": jnp.asarray(S), "weight": weight, "neigh_idx": jnp.asarray(neigh_idx)}


def reference(x, S, weight, neigh_idx):
    B_, F_, N_ = x.shape
    Kp1 = weight.shape[1]
    Sr = S.reshape(1, 1, N_, N_)
    # xK starts as ReLU(x)
    xK = jax.nn.relu(x)[..., None]  # [B, F, N, 1]
    cur = x
    for _ in range(Kp1 - 1):
        # graph shift: x <- x @ S
        cur = jnp.matmul(cur.reshape(B_, 1, F_, N_), Sr).reshape(B_, F_, N_)
        # gather each node's k-hop neighborhood and take the median (torch.median = lower median)
        xN = cur[:, :, neigh_idx]  # [B, F, N, D+1]
        xs = jnp.sort(xN, axis=3)
        m = (xN.shape[3] - 1) // 2
        med = xs[..., m]  # [B, F, N]
        xK = jnp.concatenate([xK, med[..., None]], axis=3)
    # out = xK @ weight^T  (weight [1, K+1] -> [1, 1, K+1, 1])
    out = jnp.matmul(xK, weight.reshape(1, 1, Kp1, 1)).reshape(B_, F_, N_)
    return out

if __name__ == "__main__":
    import jax
    _d = setup_inputs()
    print(jax.jit(kernel)(*tuple(_d.values())))

</pallas_src>

<mosaic_0001>
#map = affine_map<(d0, d1) -> (0, 0)>
#map1 = affine_map<(d0, d1) -> (0)>
module attributes {stable_mosaic.version = 14 : i64} {
  func.func @gather_k(%arg0: i32, %arg1: i32, %arg2: memref<2048x128xf32, #tpu.memory_space<hbm>>, %arg3: memref<66560xi32, #tpu.memory_space<hbm>>, %arg4: memref<66560x128xf32, #tpu.memory_space<hbm>>, %arg5: memref<2080xi32, #tpu.memory_space<vmem>>, %arg6: memref<104x128xf32, #tpu.memory_space<vmem>>, %arg7: memref<104x128xf32, #tpu.memory_space<vmem>>, %arg8: memref<104x128xf32, #tpu.memory_space<vmem>>, %arg9: memref<104x128xf32, #tpu.memory_space<vmem>>, %arg10: memref<!tpu.dma_semaphore, #tpu.memory_space<semaphore_mem>>, %arg11: memref<!tpu.dma_semaphore, #tpu.memory_space<semaphore_mem>>, %arg12: memref<!tpu.dma_semaphore, #tpu.memory_space<semaphore_mem>>, %arg13: memref<!tpu.dma_semaphore, #tpu.memory_space<semaphore_mem>>, %arg14: memref<!tpu.dma_semaphore, #tpu.memory_space<semaphore_mem>>, %arg15: memref<!tpu.dma_semaphore, #tpu.memory_space<semaphore_mem>>, %arg16: memref<!tpu.dma_semaphore, #tpu.memory_space<semaphore_mem>>, %arg17: memref<!tpu.dma_semaphore, #tpu.memory_space<semaphore_mem>>) attributes {dimension_semantics = [#tpu.dimension_semantics<core_parallel>, #tpu.dimension_semantics<subcore_parallel>], iteration_bounds = array<i64: 2, 16>, scalar_prefetch = 0 : i64, scratch_operands = 13 : i64, tpu.core_type = #tpu.core_type<sc_vector_subcore>, window_params = [{transform_indices = #map}, {transform_indices = #map1}, {transform_indices = #map}]} {
    %mul3A = arith.constant 2 : i32
    %mul3A_0 = arith.muli %arg1, %mul3A : i32
    %add3A = arith.addi %mul3A_0, %arg0 : i32
    %mul3A_1 = arith.constant 2080 : i32
    %mul3A_2 = arith.muli %add3A, %mul3A_1 : i32
    %multiple_of3A = tpu.assume_multiple %mul3A_2, 8 : i32
    "tpu.region"() ({
      %run_scoped3A = tpu.sem_alloc : memref<!tpu.dma_semaphore, #tpu.memory_space<semaphore_mem>>
      %dma_start3A_54 = tpu.memref_slice %arg3[%multiple_of3A] : memref<66560xi32, #tpu.memory_space<hbm>> -> memref<2080xi32, #tpu.memory_space<hbm>>
      %dma_start3A_55 = tpu.memref_slice %arg3[%multiple_of3A] : memref<66560xi32, #tpu.memory_space<hbm>> -> memref<2080xi32, #tpu.memory_space<hbm>>
      tpu.enqueue_dma source(%dma_start3A_55 : memref<2080xi32, #tpu.memory_space<hbm>>) target(%arg5 : memref<2080xi32, #tpu.memory_space<vmem>>) target_semaphore(%run_scoped3A : memref<!tpu.dma_semaphore, #tpu.memory_space<semaphore_mem>>)
      %dma_wait3A_56 = tpu.memref_slice %arg3[%multiple_of3A] : memref<66560xi32, #tpu.memory_space<hbm>> -> memref<2080xi32, #tpu.memory_space<hbm>>
      %dma_wait3A_57 = tpu.memref_slice %arg3[%multiple_of3A] : memref<66560xi32, #tpu.memory_space<hbm>> -> memref<2080xi32, #tpu.memory_space<hbm>>
      tpu.wait_dma2 semaphore(%run_scoped3A : memref<!tpu.dma_semaphore, #tpu.memory_space<semaphore_mem>>) src(%dma_wait3A_57 : memref<2080xi32, #tpu.memory_space<hbm>>) dst(%arg5 : memref<2080xi32, #tpu.memory_space<vmem>>)
      tpu.yield
    }) : () -> ()
    %dma_start3A = arith.constant 0 : i32
    %dma_start3A_3 = tpu.memref_slice %arg5[%dma_start3A] : memref<2080xi32, #tpu.memory_space<vmem>> -> memref<104xi32, #tpu.memory_space<vmem>>
    %dma_start3A_4 = arith.constant 0 : i32
    %dma_start3A_5 = arith.constant 0 : i32
    %dma_start3A_6 = tpu.memref_slice %arg2[%dma_start3A_4, %dma_start3A_5] : memref<2048x128xf32, #tpu.memory_space<hbm>> -> memref<2048x128xf32, #tpu.memory_space<hbm>>
    tpu.enqueue_indirect_dma source(%dma_start3A_6 : memref<2048x128xf32, #tpu.memory_space<hbm>>) target(%arg6 : memref<104x128xf32, #tpu.memory_space<vmem>>) offsets(%dma_start3A_3 : memref<104xi32, #tpu.memory_space<vmem>>) semaphore(%arg10 : memref<!tpu.dma_semaphore, #tpu.memory_space<semaphore_mem>>)
    %dma_start3A_7 = arith.constant 104 : i32
    %dma_start3A_8 = tpu.memref_slice %arg5[%dma_start3A_7] : memref<2080xi32, #tpu.memory_space<vmem>> -> memref<104xi32, #tpu.memory_space<vmem>>
    %dma_start3A_9 = arith.constant 0 : i32
    %dma_start3A_10 = arith.constant 0 : i32
    %dma_start3A_11 = tpu.memref_slice %arg2[%dma_start3A_9, %dma_start3A_10] : memref<2048x128xf32, #tpu.memory_space<hbm>> -> memref<2048x128xf32, #tpu.memory_space<hbm>>
    tpu.enqueue_indirect_dma source(%dma_start3A_11 : memref<2048x128xf32, #tpu.memory_space<hbm>>) target(%arg7 : memref<104x128xf32, #tpu.memory_space<vmem>>) offsets(%dma_start3A_8 : memref<104xi32, #tpu.memory_space<vmem>>) semaphore(%arg11 : memref<!tpu.dma_semaphore, #tpu.memory_space<semaphore_mem>>)
    %dma_start3A_12 = arith.constant 208 : i32
    %dma_start3A_13 = tpu.memref_slice %arg5[%dma_start3A_12] : memref<2080xi32, #tpu.memory_space<vmem>> -> memref<104xi32, #tpu.memory_space<vmem>>
    %dma_start3A_14 = arith.constant 0 : i32
    %dma_start3A_15 = arith.constant 0 : i32
    %dma_start3A_16 = tpu.memref_slice %arg2[%dma_start3A_14, %dma_start3A_15] : memref<2048x128xf32, #tpu.memory_space<hbm>> -> memref<2048x128xf32, #tpu.memory_space<hbm>>
    tpu.enqueue_indirect_dma source(%dma_start3A_16 : memref<2048x128xf32, #tpu.memory_space<hbm>>) target(%arg8 : memref<104x128xf32, #tpu.memory_space<vmem>>) offsets(%dma_start3A_13 : memref<104xi32, #tpu.memory_space<vmem>>) semaphore(%arg12 : memref<!tpu.dma_semaphore, #tpu.memory_space<semaphore_mem>>)
    %dma_start3A_17 = arith.constant 312 : i32
    %dma_start3A_18 = tpu.memref_slice %arg5[%dma_start3A_17] : memref<2080xi32, #tpu.memory_space<vmem>> -> memref<104xi32, #tpu.memory_space<vmem>>
    %dma_start3A_19 = arith.constant 0 : i32
    %dma_start3A_20 = arith.constant 0 : i32
    %dma_start3A_21 = tpu.memref_slice %arg2[%dma_start3A_19, %dma_start3A_20] : memref<2048x128xf32, #tpu.memory_space<hbm>> -> memref<2048x128xf32, #tpu.memory_space<hbm>>
    tpu.enqueue_indirect_dma source(%dma_start3A_21 : memref<2048x128xf32, #tpu.memory_space<hbm>>) target(%arg9 : memref<104x128xf32, #tpu.memory_space<vmem>>) offsets(%dma_start3A_18 : memref<104xi32, #tpu.memory_space<vmem>>) semaphore(%arg13 : memref<!tpu.dma_semaphore, #tpu.memory_space<semaphore_mem>>)
    %scan3A = arith.constant 0 : i32
    %scan3A_22 = arith.constant 0 : i32
    %scan3A_23 = arith.constant 5 : i32
    %scan3A_24 = arith.addi %scan3A_22, %scan3A_23 : i32
    %scan3A_25 = arith.constant 1 : i32
    scf.for %scan3A_54 = %scan3A_22 to %scan3A_24 step %scan3A_25  : i32 {
      %mul3A_55 = arith.constant 4 : i32
      %mul3A_56 = arith.muli %scan3A_54, %mul3A_55 : i32
      %add3A_57 = arith.constant 0 : i32
      %add3A_58 = arith.addi %mul3A_56, %add3A_57 : i32
      %mul3A_59 = arith.constant 104 : i32
      %mul3A_60 = arith.muli %add3A_58, %mul3A_59 : i32
      %dma_wait3A_61 = tpu.memref_slice %arg5[%mul3A_60] : memref<2080xi32, #tpu.memory_space<vmem>> -> memref<104xi32, #tpu.memory_space<vmem>>
      %dma_wait3A_62 = arith.constant 0 : i32
      %dma_wait3A_63 = arith.constant 0 : i32
      %dma_wait3A_64 = tpu.memref_slice %arg2[%dma_wait3A_62, %dma_wait3A_63] : memref<2048x128xf32, #tpu.memory_space<hbm>> -> memref<2048x128xf32, #tpu.memory_space<hbm>>
      tpu.wait_indirect_dma semaphore(%arg10 : memref<!tpu.dma_semaphore, #tpu.memory_space<semaphore_mem>>) src(%dma_wait3A_64 : memref<2048x128xf32, #tpu.memory_space<hbm>>) dst(%arg6 : memref<104x128xf32, #tpu.memory_space<vmem>>)
      %add3A_65 = arith.constant 0 : i32
      %add3A_66 = arith.addi %mul3A_56, %add3A_65 : i32
      %mul3A_67 = arith.constant 104 : i32
      %mul3A_68 = arith.muli %add3A_66, %mul3A_67 : i32
      %add3A_69 = arith.addi %multiple_of3A, %mul3A_68 : i32
      %multiple_of3A_70 = tpu.assume_multiple %add3A_69, 8 : i32
      %dma_start3A_71 = arith.constant 0 : i32
      %dma_start3A_72 = tpu.memref_slice %arg4[%multiple_of3A_70, %dma_start3A_71] : memref<66560x128xf32, #tpu.memory_space<hbm>> -> memref<104x128xf32, #tpu.memory_space<hbm>>
      %dma_start3A_73 = arith.constant 0 : i32
      %dma_start3A_74 = tpu.memref_slice %arg4[%multiple_of3A_70, %dma_start3A_73] : memref<66560x128xf32, #tpu.memory_space<hbm>> -> memref<104x128xf32, #tpu.memory_space<hbm>>
      tpu.enqueue_dma source(%arg6 : memref<104x128xf32, #tpu.memory_space<vmem>>) target(%dma_start3A_74 : memref<104x128xf32, #tpu.memory_space<hbm>>) target_semaphore(%arg14 : memref<!tpu.dma_semaphore, #tpu.memory_space<semaphore_mem>>)
      %add3A_75 = arith.constant 1 : i32
      %add3A_76 = arith.addi %mul3A_56, %add3A_75 : i32
      %mul3A_77 = arith.constant 104 : i32
      %mul3A_78 = arith.muli %add3A_76, %mul3A_77 : i32
      %dma_wait3A_79 = tpu.memref_slice %arg5[%mul3A_78] : memref<2080xi32, #tpu.memory_space<vmem>> -> memref<104xi32, #tpu.memory_space<vmem>>
      %dma_wait3A_80 = arith.constant 0 : i32
      %dma_wait3A_81 = arith.constant 0 : i32
      %dma_wait3A_82 = tpu.memref_slice %arg2[%dma_wait3A_80, %dma_wait3A_81] : memref<2048x128xf32, #tpu.memory_space<hbm>> -> memref<2048x128xf32, #tpu.memory_space<hbm>>
      tpu.wait_indirect_dma semaphore(%arg11 : memref<!tpu.dma_semaphore, #tpu.memory_space<semaphore_mem>>) src(%dma_wait3A_82 : memref<2048x128xf32, #tpu.memory_space<hbm>>) dst(%arg7 : memref<104x128xf32, #tpu.memory_space<vmem>>)
      %add3A_83 = arith.constant 1 : i32
      %add3A_84 = arith.addi %mul3A_56, %add3A_83 : i32
      %mul3A_85 = arith.constant 104 : i32
      %mul3A_86 = arith.muli %add3A_84, %mul3A_85 : i32
      %add3A_87 = arith.addi %multiple_of3A, %mul3A_86 : i32
      %multiple_of3A_88 = tpu.assume_multiple %add3A_87, 8 : i32
      %dma_start3A_89 = arith.constant 0 : i32
      %dma_start3A_90 = tpu.memref_slice %arg4[%multiple_of3A_88, %dma_start3A_89] : memref<66560x128xf32, #tpu.memory_space<hbm>> -> memref<104x128xf32, #tpu.memory_space<hbm>>
      %dma_start3A_91 = arith.constant 0 : i32
      %dma_start3A_92 = tpu.memref_slice %arg4[%multiple_of3A_88, %dma_start3A_91] : memref<66560x128xf32, #tpu.memory_space<hbm>> -> memref<104x128xf32, #tpu.memory_space<hbm>>
      tpu.enqueue_dma source(%arg7 : memref<104x128xf32, #tpu.memory_space<vmem>>) target(%dma_start3A_92 : memref<104x128xf32, #tpu.memory_space<hbm>>) target_semaphore(%arg15 : memref<!tpu.dma_semaphore, #tpu.memory_space<semaphore_mem>>)
      %add3A_93 = arith.constant 2 : i32
      %add3A_94 = arith.addi %mul3A_56, %add3A_93 : i32
      %mul3A_95 = arith.constant 104 : i32
      %mul3A_96 = arith.muli %add3A_94, %mul3A_95 : i32
      %dma_wait3A_97 = tpu.memref_slice %arg5[%mul3A_96] : memref<2080xi32, #tpu.memory_space<vmem>> -> memref<104xi32, #tpu.memory_space<vmem>>
      %dma_wait3A_98 = arith.constant 0 : i32
      %dma_wait3A_99 = arith.constant 0 : i32
      %dma_wait3A_100 = tpu.memref_slice %arg2[%dma_wait3A_98, %dma_wait3A_99] : memref<2048x128xf32, #tpu.memory_space<hbm>> -> memref<2048x128xf32, #tpu.memory_space<hbm>>
      tpu.wait_indirect_dma semaphore(%arg12 : memref<!tpu.dma_semaphore, #tpu.memory_space<semaphore_mem>>) src(%dma_wait3A_100 : memref<2048x128xf32, #tpu.memory_space<hbm>>) dst(%arg8 : memref<104x128xf32, #tpu.memory_space<vmem>>)
      %add3A_101 = arith.constant 2 : i32
      %add3A_102 = arith.addi %mul3A_56, %add3A_101 : i32
      %mul3A_103 = arith.constant 104 : i32
      %mul3A_104 = arith.muli %add3A_102, %mul3A_103 : i32
      %add3A_105 = arith.addi %multiple_of3A, %mul3A_104 : i32
      %multiple_of3A_106 = tpu.assume_multiple %add3A_105, 8 : i32
      %dma_start3A_107 = arith.constant 0 : i32
      %dma_start3A_108 = tpu.memref_slice %arg4[%multiple_of3A_106, %dma_start3A_107] : memref<66560x128xf32, #tpu.memory_space<hbm>> -> memref<104x128xf32, #tpu.memory_space<hbm>>
      %dma_start3A_109 = arith.constant 0 : i32
      %dma_start3A_110 = tpu.memref_slice %arg4[%multiple_of3A_106, %dma_start3A_109] : memref<66560x128xf32, #tpu.memory_space<hbm>> -> memref<104x128xf32, #tpu.memory_space<hbm>>
      tpu.enqueue_dma source(%arg8 : memref<104x128xf32, #tpu.memory_space<vmem>>) target(%dma_start3A_110 : memref<104x128xf32, #tpu.memory_space<hbm>>) target_semaphore(%arg16 : memref<!tpu.dma_semaphore, #tpu.memory_space<semaphore_mem>>)
      %add3A_111 = arith.constant 3 : i32
      %add3A_112 = arith.addi %mul3A_56, %add3A_111 : i32
      %mul3A_113 = arith.constant 104 : i32
      %mul3A_114 = arith.muli %add3A_112, %mul3A_113 : i32
      %dma_wait3A_115 = tpu.memref_slice %arg5[%mul3A_114] : memref<2080xi32, #tpu.memory_space<vmem>> -> memref<104xi32, #tpu.memory_space<vmem>>
      %dma_wait3A_116 = arith.constant 0 : i32
      %dma_wait3A_117 = arith.constant 0 : i32
      %dma_wait3A_118 = tpu.memref_slice %arg2[%dma_wait3A_116, %dma_wait3A_117] : memref<2048x128xf32, #tpu.memory_space<hbm>> -> memref<2048x128xf32, #tpu.memory_space<hbm>>
      tpu.wait_indirect_dma semaphore(%arg13 : memref<!tpu.dma_semaphore, #tpu.memory_space<semaphore_mem>>) src(%dma_wait3A_118 : memref<2048x128xf32, #tpu.memory_space<hbm>>) dst(%arg9 : memref<104x128xf32, #tpu.memory_space<vmem>>)
      %add3A_119 = arith.constant 3 : i32
      %add3A_120 = arith.addi %mul3A_56, %add3A_119 : i32
      %mul3A_121 = arith.constant 104 : i32
      %mul3A_122 = arith.muli %add3A_120, %mul3A_121 : i32
      %add3A_123 = arith.addi %multiple_of3A, %mul3A_122 : i32
      %multiple_of3A_124 = tpu.assume_multiple %add3A_123, 8 : i32
      %dma_start3A_125 = arith.constant 0 : i32
      %dma_start3A_126 = tpu.memref_slice %arg4[%multiple_of3A_124, %dma_start3A_125] : memref<66560x128xf32, #tpu.memory_space<hbm>> -> memref<104x128xf32, #tpu.memory_space<hbm>>
      %dma_start3A_127 = arith.constant 0 : i32
      %dma_start3A_128 = tpu.memref_slice %arg4[%multiple_of3A_124, %dma_start3A_127] : memref<66560x128xf32, #tpu.memory_space<hbm>> -> memref<104x128xf32, #tpu.memory_space<hbm>>
      tpu.enqueue_dma source(%arg9 : memref<104x128xf32, #tpu.memory_space<vmem>>) target(%dma_start3A_128 : memref<104x128xf32, #tpu.memory_space<hbm>>) target_semaphore(%arg17 : memref<!tpu.dma_semaphore, #tpu.memory_space<semaphore_mem>>)
      %lt3A = arith.constant 4 : i32
      %lt3A_129 = arith.cmpi slt, %scan3A_54, %lt3A : i32
      %convert_element_type3A = arith.extui %lt3A_129 : i1 to i32
      %cond3A = arith.constant 0 : i32
      %cond3A_130 = arith.cmpi ne, %convert_element_type3A, %cond3A : i32
      scf.if %cond3A_130 {
        %add3A_131 = arith.constant 0 : i32
        %add3A_132 = arith.addi %mul3A_56, %add3A_131 : i32
        %mul3A_133 = arith.constant 104 : i32
        %mul3A_134 = arith.muli %add3A_132, %mul3A_133 : i32
        %add3A_135 = arith.addi %multiple_of3A, %mul3A_134 : i32
        %multiple_of3A_136 = tpu.assume_multiple %add3A_135, 8 : i32
        %dma_wait3A_137 = arith.constant 0 : i32
        %dma_wait3A_138 = tpu.memref_slice %arg4[%multiple_of3A_136, %dma_wait3A_137] : memref<66560x128xf32, #tpu.memory_space<hbm>> -> memref<104x128xf32, #tpu.memory_space<hbm>>
        %dma_wait3A_139 = arith.constant 0 : i32
        %dma_wait3A_140 = tpu.memref_slice %arg4[%multiple_of3A_136, %dma_wait3A_139] : memref<66560x128xf32, #tpu.memory_space<hbm>> -> memref<104x128xf32, #tpu.memory_space<hbm>>
        tpu.wait_dma2 semaphore(%arg14 : memref<!tpu.dma_semaphore, #tpu.memory_space<semaphore_mem>>) src(%arg6 : memref<104x128xf32, #tpu.memory_space<vmem>>) dst(%dma_wait3A_140 : memref<104x128xf32, #tpu.memory_space<hbm>>)
        %add3A_141 = arith.constant 4 : i32
        %add3A_142 = arith.addi %mul3A_56, %add3A_141 : i32
        %add3A_143 = arith.constant 0 : i32
        %add3A_144 = arith.addi %add3A_142, %add3A_143 : i32
        %mul3A_145 = arith.constant 104 : i32
        %mul3A_146 = arith.muli %add3A_144, %mul3A_145 : i32
        %dma_start3A_147 = tpu.memref_slice %arg5[%mul3A_146] : memref<2080xi32, #tpu.memory_space<vmem>> -> memref<104xi32, #tpu.memory_space<vmem>>
        %dma_start3A_148 = arith.constant 0 : i32
        %dma_start3A_149 = arith.constant 0 : i32
        %dma_start3A_150 = tpu.memref_slice %arg2[%dma_start3A_148, %dma_start3A_149] : memref<2048x128xf32, #tpu.memory_space<hbm>> -> memref<2048x128xf32, #tpu.memory_space<hbm>>
        tpu.enqueue_indirect_dma source(%dma_start3A_150 : memref<2048x128xf32, #tpu.memory_space<hbm>>) target(%arg6 : memref<104x128xf32, #tpu.memory_space<vmem>>) offsets(%dma_start3A_147 : memref<104xi32, #tpu.memory_space<vmem>>) semaphore(%arg10 : memref<!tpu.dma_semaphore, #tpu.memory_space<semaphore_mem>>)
        %add3A_151 = arith.constant 1 : i32
        %add3A_152 = arith.addi %mul3A_56, %add3A_151 : i32
        %mul3A_153 = arith.constant 104 : i32
        %mul3A_154 = arith.muli %add3A_152, %mul3A_153 : i32
        %add3A_155 = arith.addi %multiple_of3A, %mul3A_154 : i32
        %multiple_of3A_156 = tpu.assume_multiple %add3A_155, 8 : i32
        %dma_wait3A_157 = arith.constant 0 : i32
        %dma_wait3A_158 = tpu.memref_slice %arg4[%multiple_of3A_156, %dma_wait3A_157] : memref<66560x128xf32, #tpu.memory_space<hbm>> -> memref<104x128xf32, #tpu.memory_space<hbm>>
        %dma_wait3A_159 = arith.constant 0 : i32
        %dma_wait3A_160 = tpu.memref_slice %arg4[%multiple_of3A_156, %dma_wait3A_159] : memref<66560x128xf32, #tpu.memory_space<hbm>> -> memref<104x128xf32, #tpu.memory_space<hbm>>
        tpu.wait_dma2 semaphore(%arg15 : memref<!tpu.dma_semaphore, #tpu.memory_space<semaphore_mem>>) src(%arg7 : memref<104x128xf32, #tpu.memory_space<vmem>>) dst(%dma_wait3A_160 : memref<104x128xf32, #tpu.memory_space<hbm>>)
        %add3A_161 = arith.constant 4 : i32
        %add3A_162 = arith.addi %mul3A_56, %add3A_161 : i32
        %add3A_163 = arith.constant 1 : i32
        %add3A_164 = arith.addi %add3A_162, %add3A_163 : i32
        %mul3A_165 = arith.constant 104 : i32
        %mul3A_166 = arith.muli %add3A_164, %mul3A_165 : i32
        %dma_start3A_167 = tpu.memref_slice %arg5[%mul3A_166] : memref<2080xi32, #tpu.memory_space<vmem>> -> memref<104xi32, #tpu.memory_space<vmem>>
        %dma_start3A_168 = arith.constant 0 : i32
        %dma_start3A_169 = arith.constant 0 : i32
        %dma_start3A_170 = tpu.memref_slice %arg2[%dma_start3A_168, %dma_start3A_169] : memref<2048x128xf32, #tpu.memory_space<hbm>> -> memref<2048x128xf32, #tpu.memory_space<hbm>>
        tpu.enqueue_indirect_dma source(%dma_start3A_170 : memref<2048x128xf32, #tpu.memory_space<hbm>>) target(%arg7 : memref<104x128xf32, #tpu.memory_space<vmem>>) offsets(%dma_start3A_167 : memref<104xi32, #tpu.memory_space<vmem>>) semaphore(%arg11 : memref<!tpu.dma_semaphore, #tpu.memory_space<semaphore_mem>>)
        %add3A_171 = arith.constant 2 : i32
        %add3A_172 = arith.addi %mul3A_56, %add3A_171 : i32
        %mul3A_173 = arith.constant 104 : i32
        %mul3A_174 = arith.muli %add3A_172, %mul3A_173 : i32
        %add3A_175 = arith.addi %multiple_of3A, %mul3A_174 : i32
        %multiple_of3A_176 = tpu.assume_multiple %add3A_175, 8 : i32
        %dma_wait3A_177 = arith.constant 0 : i32
        %dma_wait3A_178 = tpu.memref_slice %arg4[%multiple_of3A_176, %dma_wait3A_177] : memref<66560x128xf32, #tpu.memory_space<hbm>> -> memref<104x128xf32, #tpu.memory_space<hbm>>
        %dma_wait3A_179 = arith.constant 0 : i32
        %dma_wait3A_180 = tpu.memref_slice %arg4[%multiple_of3A_176, %dma_wait3A_179] : memref<66560x128xf32, #tpu.memory_space<hbm>> -> memref<104x128xf32, #tpu.memory_space<hbm>>
        tpu.wait_dma2 semaphore(%arg16 : memref<!tpu.dma_semaphore, #tpu.memory_space<semaphore_mem>>) src(%arg8 : memref<104x128xf32, #tpu.memory_space<vmem>>) dst(%dma_wait3A_180 : memref<104x128xf32, #tpu.memory_space<hbm>>)
        %add3A_181 = arith.constant 4 : i32
        %add3A_182 = arith.addi %mul3A_56, %add3A_181 : i32
        %add3A_183 = arith.constant 2 : i32
        %add3A_184 = arith.addi %add3A_182, %add3A_183 : i32
        %mul3A_185 = arith.constant 104 : i32
        %mul3A_186 = arith.muli %add3A_184, %mul3A_185 : i32
        %dma_start3A_187 = tpu.memref_slice %arg5[%mul3A_186] : memref<2080xi32, #tpu.memory_space<vmem>> -> memref<104xi32, #tpu.memory_space<vmem>>
        %dma_start3A_188 = arith.constant 0 : i32
        %dma_start3A_189 = arith.constant 0 : i32
        %dma_start3A_190 = tpu.memref_slice %arg2[%dma_start3A_188, %dma_start3A_189] : memref<2048x128xf32, #tpu.memory_space<hbm>> -> memref<2048x128xf32, #tpu.memory_space<hbm>>
        tpu.enqueue_indirect_dma source(%dma_start3A_190 : memref<2048x128xf32, #tpu.memory_space<hbm>>) target(%arg8 : memref<104x128xf32, #tpu.memory_space<vmem>>) offsets(%dma_start3A_187 : memref<104xi32, #tpu.memory_space<vmem>>) semaphore(%arg12 : memref<!tpu.dma_semaphore, #tpu.memory_space<semaphore_mem>>)
        %add3A_191 = arith.constant 3 : i32
        %add3A_192 = arith.addi %mul3A_56, %add3A_191 : i32
        %mul3A_193 = arith.constant 104 : i32
        %mul3A_194 = arith.muli %add3A_192, %mul3A_193 : i32
        %add3A_195 = arith.addi %multiple_of3A, %mul3A_194 : i32
        %multiple_of3A_196 = tpu.assume_multiple %add3A_195, 8 : i32
        %dma_wait3A_197 = arith.constant 0 : i32
        %dma_wait3A_198 = tpu.memref_slice %arg4[%multiple_of3A_196, %dma_wait3A_197] : memref<66560x128xf32, #tpu.memory_space<hbm>> -> memref<104x128xf32, #tpu.memory_space<hbm>>
        %dma_wait3A_199 = arith.constant 0 : i32
        %dma_wait3A_200 = tpu.memref_slice %arg4[%multiple_of3A_196, %dma_wait3A_199] : memref<66560x128xf32, #tpu.memory_space<hbm>> -> memref<104x128xf32, #tpu.memory_space<hbm>>
        tpu.wait_dma2 semaphore(%arg17 : memref<!tpu.dma_semaphore, #tpu.memory_space<semaphore_mem>>) src(%arg9 : memref<104x128xf32, #tpu.memory_space<vmem>>) dst(%dma_wait3A_200 : memref<104x128xf32, #tpu.memory_space<hbm>>)
        %add3A_201 = arith.constant 4 : i32
        %add3A_202 = arith.addi %mul3A_56, %add3A_201 : i32
        %add3A_203 = arith.constant 3 : i32
        %add3A_204 = arith.addi %add3A_202, %add3A_203 : i32
        %mul3A_205 = arith.constant 104 : i32
        %mul3A_206 = arith.muli %add3A_204, %mul3A_205 : i32
        %dma_start3A_207 = tpu.memref_slice %arg5[%mul3A_206] : memref<2080xi32, #tpu.memory_space<vmem>> -> memref<104xi32, #tpu.memory_space<vmem>>
        %dma_start3A_208 = arith.constant 0 : i32
        %dma_start3A_209 = arith.constant 0 : i32
        %dma_start3A_210 = tpu.memref_slice %arg2[%dma_start3A_208, %dma_start3A_209] : memref<2048x128xf32, #tpu.memory_space<hbm>> -> memref<2048x128xf32, #tpu.memory_space<hbm>>
        tpu.enqueue_indirect_dma source(%dma_start3A_210 : memref<2048x128xf32, #tpu.memory_space<hbm>>) target(%arg9 : memref<104x128xf32, #tpu.memory_space<vmem>>) offsets(%dma_start3A_207 : memref<104xi32, #tpu.memory_space<vmem>>) semaphore(%arg13 : memref<!tpu.dma_semaphore, #tpu.memory_space<semaphore_mem>>)
      } else {
      }
    }
    %scan3A_26 = arith.constant 5 : i32
    %add3A_27 = arith.constant 1664 : i32
    %add3A_28 = arith.addi %multiple_of3A, %add3A_27 : i32
    %multiple_of3A_29 = tpu.assume_multiple %add3A_28, 8 : i32
    %dma_wait3A = arith.constant 0 : i32
    %dma_wait3A_30 = tpu.memref_slice %arg4[%multiple_of3A_29, %dma_wait3A] : memref<66560x128xf32, #tpu.memory_space<hbm>> -> memref<104x128xf32, #tpu.memory_space<hbm>>
    %dma_wait3A_31 = arith.constant 0 : i32
    %dma_wait3A_32 = tpu.memref_slice %arg4[%multiple_of3A_29, %dma_wait3A_31] : memref<66560x128xf32, #tpu.memory_space<hbm>> -> memref<104x128xf32, #tpu.memory_space<hbm>>
    tpu.wait_dma2 semaphore(%arg14 : memref<!tpu.dma_semaphore, #tpu.memory_space<semaphore_mem>>) src(%arg6 : memref<104x128xf32, #tpu.memory_space<vmem>>) dst(%dma_wait3A_32 : memref<104x128xf32, #tpu.memory_space<hbm>>)
    %add3A_33 = arith.constant 1768 : i32
    %add3A_34 = arith.addi %multiple_of3A, %add3A_33 : i32
    %multiple_of3A_35 = tpu.assume_multiple %add3A_34, 8 : i32
    %dma_wait3A_36 = arith.constant 0 : i32
    %dma_wait3A_37 = tpu.memref_slice %arg4[%multiple_of3A_35, %dma_wait3A_36] : memref<66560x128xf32, #tpu.memory_space<hbm>> -> memref<104x128xf32, #tpu.memory_space<hbm>>
    %dma_wait3A_38 = arith.constant 0 : i32
    %dma_wait3A_39 = tpu.memref_slice %arg4[%multiple_of3A_35, %dma_wait3A_38] : memref<66560x128xf32, #tpu.memory_space<hbm>> -> memref<104x128xf32, #tpu.memory_space<hbm>>
    tpu.wait_dma2 semaphore(%arg15 : memref<!tpu.dma_semaphore, #tpu.memory_space<semaphore_mem>>) src(%arg7 : memref<104x128xf32, #tpu.memory_space<vmem>>) dst(%dma_wait3A_39 : memref<104x128xf32, #tpu.memory_space<hbm>>)
    %add3A_40 = arith.constant 1872 : i32
    %add3A_41 = arith.addi %multiple_of3A, %add3A_40 : i32
    %multiple_of3A_42 = tpu.assume_multiple %add3A_41, 8 : i32
    %dma_wait3A_43 = arith.constant 0 : i32
    %dma_wait3A_44 = tpu.memref_slice %arg4[%multiple_of3A_42, %dma_wait3A_43] : memref<66560x128xf32, #tpu.memory_space<hbm>> -> memref<104x128xf32, #tpu.memory_space<hbm>>
    %dma_wait3A_45 = arith.constant 0 : i32
    %dma_wait3A_46 = tpu.memref_slice %arg4[%multiple_of3A_42, %dma_wait3A_45] : memref<66560x128xf32, #tpu.memory_space<hbm>> -> memref<104x128xf32, #tpu.memory_space<hbm>>
    tpu.wait_dma2 semaphore(%arg16 : memref<!tpu.dma_semaphore, #tpu.memory_space<semaphore_mem>>) src(%arg8 : memref<104x128xf32, #tpu.memory_space<vmem>>) dst(%dma_wait3A_46 : memref<104x128xf32, #tpu.memory_space<hbm>>)
    %add3A_47 = arith.constant 1976 : i32
    %add3A_48 = arith.addi %multiple_of3A, %add3A_47 : i32
    %multiple_of3A_49 = tpu.assume_multiple %add3A_48, 8 : i32
    %dma_wait3A_50 = arith.constant 0 : i32
    %dma_wait3A_51 = tpu.memref_slice %arg4[%multiple_of3A_49, %dma_wait3A_50] : memref<66560x128xf32, #tpu.memory_space<hbm>> -> memref<104x128xf32, #tpu.memory_space<hbm>>
    %dma_wait3A_52 = arith.constant 0 : i32
    %dma_wait3A_53 = tpu.memref_slice %arg4[%multiple_of3A_49, %dma_wait3A_52] : memref<66560x128xf32, #tpu.memory_space<hbm>> -> memref<104x128xf32, #tpu.memory_space<hbm>>
    tpu.wait_dma2 semaphore(%arg17 : memref<!tpu.dma_semaphore, #tpu.memory_space<semaphore_mem>>) src(%arg9 : memref<104x128xf32, #tpu.memory_space<vmem>>) dst(%dma_wait3A_53 : memref<104x128xf32, #tpu.memory_space<hbm>>)
    return
  }
}

#map = affine_map<(d0, d1) -> (0, 0)>
#map1 = affine_map<(d0, d1) -> (0)>
module attributes {stable_mosaic.version = 14 : i64} {
  func.func @gather_k(%arg0: i32, %arg1: i32, %arg2: memref<2048x128xf32, #tpu.memory_space<hbm>>, %arg3: memref<66560xi32, #tpu.memory_space<hbm>>, %arg4: memref<66560x128xf32, #tpu.memory_space<hbm>>, %arg5: memref<2080xi32, #tpu.memory_space<vmem>>, %arg6: memref<104x128xf32, #tpu.memory_space<vmem>>, %arg7: memref<104x128xf32, #tpu.memory_space<vmem>>, %arg8: memref<104x128xf32, #tpu.memory_space<vmem>>, %arg9: memref<104x128xf32, #tpu.memory_space<vmem>>, %arg10: memref<!tpu.dma_semaphore, #tpu.memory_space<semaphore_mem>>, %arg11: memref<!tpu.dma_semaphore, #tpu.memory_space<semaphore_mem>>, %arg12: memref<!tpu.dma_semaphore, #tpu.memory_space<semaphore_mem>>, %arg13: memref<!tpu.dma_semaphore, #tpu.memory_space<semaphore_mem>>, %arg14: memref<!tpu.dma_semaphore, #tpu.memory_space<semaphore_mem>>, %arg15: memref<!tpu.dma_semaphore, #tpu.memory_space<semaphore_mem>>, %arg16: memref<!tpu.dma_semaphore, #tpu.memory_space<semaphore_mem>>, %arg17: memref<!tpu.dma_semaphore, #tpu.memory_space<semaphore_mem>>) attributes {dimension_semantics = [#tpu.dimension_semantics<core_parallel>, #tpu.dimension_semantics<subcore_parallel>], iteration_bounds = array<i64: 2, 16>, scalar_prefetch = 0 : i64, scratch_operands = 13 : i64, tpu.core_type = #tpu.core_type<sc_vector_subcore>, window_params = [{transform_indices = #map}, {transform_indices = #map1}, {transform_indices = #map}]} {
    %mul3A = arith.constant 2 : i32
    %mul3A_0 = arith.muli %arg1, %mul3A : i32
    %add3A = arith.addi %mul3A_0, %arg0 : i32
    %mul3A_1 = arith.constant 2080 : i32
    %mul3A_2 = arith.muli %add3A, %mul3A_1 : i32
    %multiple_of3A = tpu.assume_multiple %mul3A_2, 8 : i32
    "tpu.region"() ({
      %run_scoped3A = tpu.sem_alloc : memref<!tpu.dma_semaphore, #tpu.memory_space<semaphore_mem>>
      %dma_start3A_54 = tpu.memref_slice %arg3[%multiple_of3A] : memref<66560xi32, #tpu.memory_space<hbm>> -> memref<2080xi32, #tpu.memory_space<hbm>>
      %dma_start3A_55 = tpu.memref_slice %arg3[%multiple_of3A] : memref<66560xi32, #tpu.memory_space<hbm>> -> memref<2080xi32, #tpu.memory_space<hbm>>
      tpu.enqueue_dma source(%dma_start3A_55 : memref<2080xi32, #tpu.memory_space<hbm>>) target(%arg5 : memref<2080xi32, #tpu.memory_space<vmem>>) target_semaphore(%run_scoped3A : memref<!tpu.dma_semaphore, #tpu.memory_space<semaphore_mem>>)
      %dma_wait3A_56 = tpu.memref_slice %arg3[%multiple_of3A] : memref<66560xi32, #tpu.memory_space<hbm>> -> memref<2080xi32, #tpu.memory_space<hbm>>
      %dma_wait3A_57 = tpu.memref_slice %arg3[%multiple_of3A] : memref<66560xi32, #tpu.memory_space<hbm>> -> memref<2080xi32, #tpu.memory_space<hbm>>
      tpu.wait_dma2 semaphore(%run_scoped3A : memref<!tpu.dma_semaphore, #tpu.memory_space<semaphore_mem>>) src(%dma_wait3A_57 : memref<2080xi32, #tpu.memory_space<hbm>>) dst(%arg5 : memref<2080xi32, #tpu.memory_space<vmem>>)
      tpu.yield
    }) : () -> ()
    %dma_start3A = arith.constant 0 : i32
    %dma_start3A_3 = tpu.memref_slice %arg5[%dma_start3A] : memref<2080xi32, #tpu.memory_space<vmem>> -> memref<104xi32, #tpu.memory_space<vmem>>
    %dma_start3A_4 = arith.constant 0 : i32
    %dma_start3A_5 = arith.constant 0 : i32
    %dma_start3A_6 = tpu.memref_slice %arg2[%dma_start3A_4, %dma_start3A_5] : memref<2048x128xf32, #tpu.memory_space<hbm>> -> memref<2048x128xf32, #tpu.memory_space<hbm>>
    tpu.enqueue_indirect_dma source(%dma_start3A_6 : memref<2048x128xf32, #tpu.memory_space<hbm>>) target(%arg6 : memref<104x128xf32, #tpu.memory_space<vmem>>) offsets(%dma_start3A_3 : memref<104xi32, #tpu.memory_space<vmem>>) semaphore(%arg10 : memref<!tpu.dma_semaphore, #tpu.memory_space<semaphore_mem>>)
    %dma_start3A_7 = arith.constant 104 : i32
    %dma_start3A_8 = tpu.memref_slice %arg5[%dma_start3A_7] : memref<2080xi32, #tpu.memory_space<vmem>> -> memref<104xi32, #tpu.memory_space<vmem>>
    %dma_start3A_9 = arith.constant 0 : i32
    %dma_start3A_10 = arith.constant 0 : i32
    %dma_start3A_11 = tpu.memref_slice %arg2[%dma_start3A_9, %dma_start3A_10] : memref<2048x128xf32, #tpu.memory_space<hbm>> -> memref<2048x128xf32, #tpu.memory_space<hbm>>
    tpu.enqueue_indirect_dma source(%dma_start3A_11 : memref<2048x128xf32, #tpu.memory_space<hbm>>) target(%arg7 : memref<104x128xf32, #tpu.memory_space<vmem>>) offsets(%dma_start3A_8 : memref<104xi32, #tpu.memory_space<vmem>>) semaphore(%arg11 : memref<!tpu.dma_semaphore, #tpu.memory_space<semaphore_mem>>)
    %dma_start3A_12 = arith.constant 208 : i32
    %dma_start3A_13 = tpu.memref_slice %arg5[%dma_start3A_12] : memref<2080xi32, #tpu.memory_space<vmem>> -> memref<104xi32, #tpu.memory_space<vmem>>
    %dma_start3A_14 = arith.constant 0 : i32
    %dma_start3A_15 = arith.constant 0 : i32
    %dma_start3A_16 = tpu.memref_slice %arg2[%dma_start3A_14, %dma_start3A_15] : memref<2048x128xf32, #tpu.memory_space<hbm>> -> memref<2048x128xf32, #tpu.memory_space<hbm>>
    tpu.enqueue_indirect_dma source(%dma_start3A_16 : memref<2048x128xf32, #tpu.memory_space<hbm>>) target(%arg8 : memref<104x128xf32, #tpu.memory_space<vmem>>) offsets(%dma_start3A_13 : memref<104xi32, #tpu.memory_space<vmem>>) semaphore(%arg12 : memref<!tpu.dma_semaphore, #tpu.memory_space<semaphore_mem>>)
    %dma_start3A_17 = arith.constant 312 : i32
    %dma_start3A_18 = tpu.memref_slice %arg5[%dma_start3A_17] : memref<2080xi32, #tpu.memory_space<vmem>> -> memref<104xi32, #tpu.memory_space<vmem>>
    %dma_start3A_19 = arith.constant 0 : i32
    %dma_start3A_20 = arith.constant 0 : i32
    %dma_start3A_21 = tpu.memref_slice %arg2[%dma_start3A_19, %dma_start3A_20] : memref<2048x128xf32, #tpu.memory_space<hbm>> -> memref<2048x128xf32, #tpu.memory_space<hbm>>
    tpu.enqueue_indirect_dma source(%dma_start3A_21 : memref<2048x128xf32, #tpu.memory_space<hbm>>) target(%arg9 : memref<104x128xf32, #tpu.memory_space<vmem>>) offsets(%dma_start3A_18 : memref<104xi32, #tpu.memory_space<vmem>>) semaphore(%arg13 : memref<!tpu.dma_semaphore, #tpu.memory_space<semaphore_mem>>)
    %scan3A = arith.constant 0 : i32
    %scan3A_22 = arith.constant 0 : i32
    %scan3A_23 = arith.constant 5 : i32
    %scan3A_24 = arith.addi %scan3A_22, %scan3A_23 : i32
    %scan3A_25 = arith.constant 1 : i32
    scf.for %scan3A_54 = %scan3A_22 to %scan3A_24 step %scan3A_25  : i32 {
      %mul3A_55 = arith.constant 4 : i32
      %mul3A_56 = arith.muli %scan3A_54, %mul3A_55 : i32
      %add3A_57 = arith.constant 0 : i32
      %add3A_58 = arith.addi %mul3A_56, %add3A_57 : i32
      %mul3A_59 = arith.constant 104 : i32
      %mul3A_60 = arith.muli %add3A_58, %mul3A_59 : i32
      %dma_wait3A_61 = tpu.memref_slice %arg5[%mul3A_60] : memref<2080xi32, #tpu.memory_space<vmem>> -> memref<104xi32, #tpu.memory_space<vmem>>
      %dma_wait3A_62 = arith.constant 0 : i32
      %dma_wait3A_63 = arith.constant 0 : i32
      %dma_wait3A_64 = tpu.memref_slice %arg2[%dma_wait3A_62, %dma_wait3A_63] : memref<2048x128xf32, #tpu.memory_space<hbm>> -> memref<2048x128xf32, #tpu.memory_space<hbm>>
      tpu.wait_indirect_dma semaphore(%arg10 : memref<!tpu.dma_semaphore, #tpu.memory_space<semaphore_mem>>) src(%dma_wait3A_64 : memref<2048x128xf32, #tpu.memory_space<hbm>>) dst(%arg6 : memref<104x128xf32, #tpu.memory_space<vmem>>)
      %add3A_65 = arith.constant 0 : i32
      %add3A_66 = arith.addi %mul3A_56, %add3A_65 : i32
      %mul3A_67 = arith.constant 104 : i32
      %mul3A_68 = arith.muli %add3A_66, %mul3A_67 : i32
      %add3A_69 = arith.addi %multiple_of3A, %mul3A_68 : i32
      %multiple_of3A_70 = tpu.assume_multiple %add3A_69, 8 : i32
      %dma_start3A_71 = arith.constant 0 : i32
      %dma_start3A_72 = tpu.memref_slice %arg4[%multiple_of3A_70, %dma_start3A_71] : memref<66560x128xf32, #tpu.memory_space<hbm>> -> memref<104x128xf32, #tpu.memory_space<hbm>>
      %dma_start3A_73 = arith.constant 0 : i32
      %dma_start3A_74 = tpu.memref_slice %arg4[%multiple_of3A_70, %dma_start3A_73] : memref<66560x128xf32, #tpu.memory_space<hbm>> -> memref<104x128xf32, #tpu.memory_space<hbm>>
      tpu.enqueue_dma source(%arg6 : memref<104x128xf32, #tpu.memory_space<vmem>>) target(%dma_start3A_74 : memref<104x128xf32, #tpu.memory_space<hbm>>) target_semaphore(%arg14 : memref<!tpu.dma_semaphore, #tpu.memory_space<semaphore_mem>>)
      %add3A_75 = arith.constant 1 : i32
      %add3A_76 = arith.addi %mul3A_56, %add3A_75 : i32
      %mul3A_77 = arith.constant 104 : i32
      %mul3A_78 = arith.muli %add3A_76, %mul3A_77 : i32
      %dma_wait3A_79 = tpu.memref_slice %arg5[%mul3A_78] : memref<2080xi32, #tpu.memory_space<vmem>> -> memref<104xi32, #tpu.memory_space<vmem>>
      %dma_wait3A_80 = arith.constant 0 : i32
      %dma_wait3A_81 = arith.constant 0 : i32
      %dma_wait3A_82 = tpu.memref_slice %arg2[%dma_wait3A_80, %dma_wait3A_81] : memref<2048x128xf32, #tpu.memory_space<hbm>> -> memref<2048x128xf32, #tpu.memory_space<hbm>>
      tpu.wait_indirect_dma semaphore(%arg11 : memref<!tpu.dma_semaphore, #tpu.memory_space<semaphore_mem>>) src(%dma_wait3A_82 : memref<2048x128xf32, #tpu.memory_space<hbm>>) dst(%arg7 : memref<104x128xf32, #tpu.memory_space<vmem>>)
      %add3A_83 = arith.constant 1 : i32
      %add3A_84 = arith.addi %mul3A_56, %add3A_83 : i32
      %mul3A_85 = arith.constant 104 : i32
      %mul3A_86 = arith.muli %add3A_84, %mul3A_85 : i32
      %add3A_87 = arith.addi %multiple_of3A, %mul3A_86 : i32
      %multiple_of3A_88 = tpu.assume_multiple %add3A_87, 8 : i32
      %dma_start3A_89 = arith.constant 0 : i32
      %dma_start3A_90 = tpu.memref_slice %arg4[%multiple_of3A_88, %dma_start3A_89] : memref<66560x128xf32, #tpu.memory_space<hbm>> -> memref<104x128xf32, #tpu.memory_space<hbm>>
      %dma_start3A_91 = arith.constant 0 : i32
      %dma_start3A_92 = tpu.memref_slice %arg4[%multiple_of3A_88, %dma_start3A_91] : memref<66560x128xf32, #tpu.memory_space<hbm>> -> memref<104x128xf32, #tpu.memory_space<hbm>>
      tpu.enqueue_dma source(%arg7 : memref<104x128xf32, #tpu.memory_space<vmem>>) target(%dma_start3A_92 : memref<104x128xf32, #tpu.memory_space<hbm>>) target_semaphore(%arg15 : memref<!tpu.dma_semaphore, #tpu.memory_space<semaphore_mem>>)
      %add3A_93 = arith.constant 2 : i32
      %add3A_94 = arith.addi %mul3A_56, %add3A_93 : i32
      %mul3A_95 = arith.constant 104 : i32
      %mul3A_96 = arith.muli %add3A_94, %mul3A_95 : i32
      %dma_wait3A_97 = tpu.memref_slice %arg5[%mul3A_96] : memref<2080xi32, #tpu.memory_space<vmem>> -> memref<104xi32, #tpu.memory_space<vmem>>
      %dma_wait3A_98 = arith.constant 0 : i32
      %dma_wait3A_99 = arith.constant 0 : i32
      %dma_wait3A_100 = tpu.memref_slice %arg2[%dma_wait3A_98, %dma_wait3A_99] : memref<2048x128xf32, #tpu.memory_space<hbm>> -> memref<2048x128xf32, #tpu.memory_space<hbm>>
      tpu.wait_indirect_dma semaphore(%arg12 : memref<!tpu.dma_semaphore, #tpu.memory_space<semaphore_mem>>) src(%dma_wait3A_100 : memref<2048x128xf32, #tpu.memory_space<hbm>>) dst(%arg8 : memref<104x128xf32, #tpu.memory_space<vmem>>)
      %add3A_101 = arith.constant 2 : i32
      %add3A_102 = arith.addi %mul3A_56, %add3A_101 : i32
      %mul3A_103 = arith.constant 104 : i32
      %mul3A_104 = arith.muli %add3A_102, %mul3A_103 : i32
      %add3A_105 = arith.addi %multiple_of3A, %mul3A_104 : i32
      %multiple_of3A_106 = tpu.assume_multiple %add3A_105, 8 : i32
      %dma_start3A_107 = arith.constant 0 : i32
      %dma_start3A_108 = tpu.memref_slice %arg4[%multiple_of3A_106, %dma_start3A_107] : memref<66560x128xf32, #tpu.memory_space<hbm>> -> memref<104x128xf32, #tpu.memory_space<hbm>>
      %dma_start3A_109 = arith.constant 0 : i32
      %dma_start3A_110 = tpu.memref_slice %arg4[%multiple_of3A_106, %dma_start3A_109] : memref<66560x128xf32, #tpu.memory_space<hbm>> -> memref<104x128xf32, #tpu.memory_space<hbm>>
      tpu.enqueue_dma source(%arg8 : memref<104x128xf32, #tpu.memory_space<vmem>>) target(%dma_start3A_110 : memref<104x128xf32, #tpu.memory_space<hbm>>) target_semaphore(%arg16 : memref<!tpu.dma_semaphore, #tpu.memory_space<semaphore_mem>>)
      %add3A_111 = arith.constant 3 : i32
      %add3A_112 = arith.addi %mul3A_56, %add3A_111 : i32
      %mul3A_113 = arith.constant 104 : i32
      %mul3A_114 = arith.muli %add3A_112, %mul3A_113 : i32
      %dma_wait3A_115 = tpu.memref_slice %arg5[%mul3A_114] : memref<2080xi32, #tpu.memory_space<vmem>> -> memref<104xi32, #tpu.memory_space<vmem>>
      %dma_wait3A_116 = arith.constant 0 : i32
      %dma_wait3A_117 = arith.constant 0 : i32
      %dma_wait3A_118 = tpu.memref_slice %arg2[%dma_wait3A_116, %dma_wait3A_117] : memref<2048x128xf32, #tpu.memory_space<hbm>> -> memref<2048x128xf32, #tpu.memory_space<hbm>>
      tpu.wait_indirect_dma semaphore(%arg13 : memref<!tpu.dma_semaphore, #tpu.memory_space<semaphore_mem>>) src(%dma_wait3A_118 : memref<2048x128xf32, #tpu.memory_space<hbm>>) dst(%arg9 : memref<104x128xf32, #tpu.memory_space<vmem>>)
      %add3A_119 = arith.constant 3 : i32
      %add3A_120 = arith.addi %mul3A_56, %add3A_119 : i32
      %mul3A_121 = arith.constant 104 : i32
      %mul3A_122 = arith.muli %add3A_120, %mul3A_121 : i32
      %add3A_123 = arith.addi %multiple_of3A, %mul3A_122 : i32
      %multiple_of3A_124 = tpu.assume_multiple %add3A_123, 8 : i32
      %dma_start3A_125 = arith.constant 0 : i32
      %dma_start3A_126 = tpu.memref_slice %arg4[%multiple_of3A_124, %dma_start3A_125] : memref<66560x128xf32, #tpu.memory_space<hbm>> -> memref<104x128xf32, #tpu.memory_space<hbm>>
      %dma_start3A_127 = arith.constant 0 : i32
      %dma_start3A_128 = tpu.memref_slice %arg4[%multiple_of3A_124, %dma_start3A_127] : memref<66560x128xf32, #tpu.memory_space<hbm>> -> memref<104x128xf32, #tpu.memory_space<hbm>>
      tpu.enqueue_dma source(%arg9 : memref<104x128xf32, #tpu.memory_space<vmem>>) target(%dma_start3A_128 : memref<104x128xf32, #tpu.memory_space<hbm>>) target_semaphore(%arg17 : memref<!tpu.dma_semaphore, #tpu.memory_space<semaphore_mem>>)
      %lt3A = arith.constant 4 : i32
      %lt3A_129 = arith.cmpi slt, %scan3A_54, %lt3A : i32
      %convert_element_type3A = arith.extui %lt3A_129 : i1 to i32
      %cond3A = arith.constant 0 : i32
      %cond3A_130 = arith.cmpi ne, %convert_element_type3A, %cond3A : i32
      scf.if %cond3A_130 {
        %add3A_131 = arith.constant 0 : i32
        %add3A_132 = arith.addi %mul3A_56, %add3A_131 : i32
        %mul3A_133 = arith.constant 104 : i32
        %mul3A_134 = arith.muli %add3A_132, %mul3A_133 : i32
        %add3A_135 = arith.addi %multiple_of3A, %mul3A_134 : i32
        %multiple_of3A_136 = tpu.assume_multiple %add3A_135, 8 : i32
        %dma_wait3A_137 = arith.constant 0 : i32
        %dma_wait3A_138 = tpu.memref_slice %arg4[%multiple_of3A_136, %dma_wait3A_137] : memref<66560x128xf32, #tpu.memory_space<hbm>> -> memref<104x128xf32, #tpu.memory_space<hbm>>
        %dma_wait3A_139 = arith.constant 0 : i32
        %dma_wait3A_140 = tpu.memref_slice %arg4[%multiple_of3A_136, %dma_wait3A_139] : memref<66560x128xf32, #tpu.memory_space<hbm>> -> memref<104x128xf32, #tpu.memory_space<hbm>>
        tpu.wait_dma2 semaphore(%arg14 : memref<!tpu.dma_semaphore, #tpu.memory_space<semaphore_mem>>) src(%arg6 : memref<104x128xf32, #tpu.memory_space<vmem>>) dst(%dma_wait3A_140 : memref<104x128xf32, #tpu.memory_space<hbm>>)
        %add3A_141 = arith.constant 4 : i32
        %add3A_142 = arith.addi %mul3A_56, %add3A_141 : i32
        %add3A_143 = arith.constant 0 : i32
        %add3A_144 = arith.addi %add3A_142, %add3A_143 : i32
        %mul3A_145 = arith.constant 104 : i32
        %mul3A_146 = arith.muli %add3A_144, %mul3A_145 : i32
        %dma_start3A_147 = tpu.memref_slice %arg5[%mul3A_146] : memref<2080xi32, #tpu.memory_space<vmem>> -> memref<104xi32, #tpu.memory_space<vmem>>
        %dma_start3A_148 = arith.constant 0 : i32
        %dma_start3A_149 = arith.constant 0 : i32
        %dma_start3A_150 = tpu.memref_slice %arg2[%dma_start3A_148, %dma_start3A_149] : memref<2048x128xf32, #tpu.memory_space<hbm>> -> memref<2048x128xf32, #tpu.memory_space<hbm>>
        tpu.enqueue_indirect_dma source(%dma_start3A_150 : memref<2048x128xf32, #tpu.memory_space<hbm>>) target(%arg6 : memref<104x128xf32, #tpu.memory_space<vmem>>) offsets(%dma_start3A_147 : memref<104xi32, #tpu.memory_space<vmem>>) semaphore(%arg10 : memref<!tpu.dma_semaphore, #tpu.memory_space<semaphore_mem>>)
        %add3A_151 = arith.constant 1 : i32
        %add3A_152 = arith.addi %mul3A_56, %add3A_151 : i32
        %mul3A_153 = arith.constant 104 : i32
        %mul3A_154 = arith.muli %add3A_152, %mul3A_153 : i32
        %add3A_155 = arith.addi %multiple_of3A, %mul3A_154 : i32
        %multiple_of3A_156 = tpu.assume_multiple %add3A_155, 8 : i32
        %dma_wait3A_157 = arith.constant 0 : i32
        %dma_wait3A_158 = tpu.memref_slice %arg4[%multiple_of3A_156, %dma_wait3A_157] : memref<66560x128xf32, #tpu.memory_space<hbm>> -> memref<104x128xf32, #tpu.memory_space<hbm>>
        %dma_wait3A_159 = arith.constant 0 : i32
        %dma_wait3A_160 = tpu.memref_slice %arg4[%multiple_of3A_156, %dma_wait3A_159] : memref<66560x128xf32, #tpu.memory_space<hbm>> -> memref<104x128xf32, #tpu.memory_space<hbm>>
        tpu.wait_dma2 semaphore(%arg15 : memref<!tpu.dma_semaphore, #tpu.memory_space<semaphore_mem>>) src(%arg7 : memref<104x128xf32, #tpu.memory_space<vmem>>) dst(%dma_wait3A_160 : memref<104x128xf32, #tpu.memory_space<hbm>>)
        %add3A_161 = arith.constant 4 : i32
        %add3A_162 = arith.addi %mul3A_56, %add3A_161 : i32
        %add3A_163 = arith.constant 1 : i32
        %add3A_164 = arith.addi %add3A_162, %add3A_163 : i32
        %mul3A_165 = arith.constant 104 : i32
        %mul3A_166 = arith.muli %add3A_164, %mul3A_165 : i32
        %dma_start3A_167 = tpu.memref_slice %arg5[%mul3A_166] : memref<2080xi32, #tpu.memory_space<vmem>> -> memref<104xi32, #tpu.memory_space<vmem>>
        %dma_start3A_168 = arith.constant 0 : i32
        %dma_start3A_169 = arith.constant 0 : i32
        %dma_start3A_170 = tpu.memref_slice %arg2[%dma_start3A_168, %dma_start3A_169] : memref<2048x128xf32, #tpu.memory_space<hbm>> -> memref<2048x128xf32, #tpu.memory_space<hbm>>
        tpu.enqueue_indirect_dma source(%dma_start3A_170 : memref<2048x128xf32, #tpu.memory_space<hbm>>) target(%arg7 : memref<104x128xf32, #tpu.memory_space<vmem>>) offsets(%dma_start3A_167 : memref<104xi32, #tpu.memory_space<vmem>>) semaphore(%arg11 : memref<!tpu.dma_semaphore, #tpu.memory_space<semaphore_mem>>)
        %add3A_171 = arith.constant 2 : i32
        %add3A_172 = arith.addi %mul3A_56, %add3A_171 : i32
        %mul3A_173 = arith.constant 104 : i32
        %mul3A_174 = arith.muli %add3A_172, %mul3A_173 : i32
        %add3A_175 = arith.addi %multiple_of3A, %mul3A_174 : i32
        %multiple_of3A_176 = tpu.assume_multiple %add3A_175, 8 : i32
        %dma_wait3A_177 = arith.constant 0 : i32
        %dma_wait3A_178 = tpu.memref_slice %arg4[%multiple_of3A_176, %dma_wait3A_177] : memref<66560x128xf32, #tpu.memory_space<hbm>> -> memref<104x128xf32, #tpu.memory_space<hbm>>
        %dma_wait3A_179 = arith.constant 0 : i32
        %dma_wait3A_180 = tpu.memref_slice %arg4[%multiple_of3A_176, %dma_wait3A_179] : memref<66560x128xf32, #tpu.memory_space<hbm>> -> memref<104x128xf32, #tpu.memory_space<hbm>>
        tpu.wait_dma2 semaphore(%arg16 : memref<!tpu.dma_semaphore, #tpu.memory_space<semaphore_mem>>) src(%arg8 : memref<104x128xf32, #tpu.memory_space<vmem>>) dst(%dma_wait3A_180 : memref<104x128xf32, #tpu.memory_space<hbm>>)
        %add3A_181 = arith.constant 4 : i32
        %add3A_182 = arith.addi %mul3A_56, %add3A_181 : i32
        %add3A_183 = arith.constant 2 : i32
        %add3A_184 = arith.addi %add3A_182, %add3A_183 : i32
        %mul3A_185 = arith.constant 104 : i32
        %mul3A_186 = arith.muli %add3A_184, %mul3A_185 : i32
        %dma_start3A_187 = tpu.memref_slice %arg5[%mul3A_186] : memref<2080xi32, #tpu.memory_space<vmem>> -> memref<104xi32, #tpu.memory_space<vmem>>
        %dma_start3A_188 = arith.constant 0 : i32
        %dma_start3A_189 = arith.constant 0 : i32
        %dma_start3A_190 = tpu.memref_slice %arg2[%dma_start3A_188, %dma_start3A_189] : memref<2048x128xf32, #tpu.memory_space<hbm>> -> memref<2048x128xf32, #tpu.memory_space<hbm>>
        tpu.enqueue_indirect_dma source(%dma_start3A_190 : memref<2048x128xf32, #tpu.memory_space<hbm>>) target(%arg8 : memref<104x128xf32, #tpu.memory_space<vmem>>) offsets(%dma_start3A_187 : memref<104xi32, #tpu.memory_space<vmem>>) semaphore(%arg12 : memref<!tpu.dma_semaphore, #tpu.memory_space<semaphore_mem>>)
        %add3A_191 = arith.constant 3 : i32
        %add3A_192 = arith.addi %mul3A_56, %add3A_191 : i32
        %mul3A_193 = arith.constant 104 : i32
        %mul3A_194 = arith.muli %add3A_192, %mul3A_193 : i32
        %add3A_195 = arith.addi %multiple_of3A, %mul3A_194 : i32
        %multiple_of3A_196 = tpu.assume_multiple %add3A_195, 8 : i32
        %dma_wait3A_197 = arith.constant 0 : i32
        %dma_wait3A_198 = tpu.memref_slice %arg4[%multiple_of3A_196, %dma_wait3A_197] : memref<66560x128xf32, #tpu.memory_space<hbm>> -> memref<104x128xf32, #tpu.memory_space<hbm>>
        %dma_wait3A_199 = arith.constant 0 : i32
        %dma_wait3A_200 = tpu.memref_slice %arg4[%multiple_of3A_196, %dma_wait3A_199] : memref<66560x128xf32, #tpu.memory_space<hbm>> -> memref<104x128xf32, #tpu.memory_space<hbm>>
        tpu.wait_dma2 semaphore(%arg17 : memref<!tpu.dma_semaphore, #tpu.memory_space<semaphore_mem>>) src(%arg9 : memref<104x128xf32, #tpu.memory_space<vmem>>) dst(%dma_wait3A_200 : memref<104x128xf32, #tpu.memory_space<hbm>>)
        %add3A_201 = arith.constant 4 : i32
        %add3A_202 = arith.addi %mul3A_56, %add3A_201 : i32
        %add3A_203 = arith.constant 3 : i32
        %add3A_204 = arith.addi %add3A_202, %add3A_203 : i32
        %mul3A_205 = arith.constant 104 : i32
        %mul3A_206 = arith.muli %add3A_204, %mul3A_205 : i32
        %dma_start3A_207 = tpu.memref_slice %arg5[%mul3A_206] : memref<2080xi32, #tpu.memory_space<vmem>> -> memref<104xi32, #tpu.memory_space<vmem>>
        %dma_start3A_208 = arith.constant 0 : i32
        %dma_start3A_209 = arith.constant 0 : i32
        %dma_start3A_210 = tpu.memref_slice %arg2[%dma_start3A_208, %dma_start3A_209] : memref<2048x128xf32, #tpu.memory_space<hbm>> -> memref<2048x128xf32, #tpu.memory_space<hbm>>
        tpu.enqueue_indirect_dma source(%dma_start3A_210 : memref<2048x128xf32, #tpu.memory_space<hbm>>) target(%arg9 : memref<104x128xf32, #tpu.memory_space<vmem>>) offsets(%dma_start3A_207 : memref<104xi32, #tpu.memory_space<vmem>>) semaphore(%arg13 : memref<!tpu.dma_semaphore, #tpu.memory_space<semaphore_mem>>)
      } else {
      }
    }
    %scan3A_26 = arith.constant 5 : i32
    %add3A_27 = arith.constant 1664 : i32
    %add3A_28 = arith.addi %multiple_of3A, %add3A_27 : i32
    %multiple_of3A_29 = tpu.assume_multiple %add3A_28, 8 : i32
    %dma_wait3A = arith.constant 0 : i32
    %dma_wait3A_30 = tpu.memref_slice %arg4[%multiple_of3A_29, %dma_wait3A] : memref<66560x128xf32, #tpu.memory_space<hbm>> -> memref<104x128xf32, #tpu.memory_space<hbm>>
    %dma_wait3A_31 = arith.constant 0 : i32
    %dma_wait3A_32 = tpu.memref_slice %arg4[%multiple_of3A_29, %dma_wait3A_31] : memref<66560x128xf32, #tpu.memory_space<hbm>> -> memref<104x128xf32, #tpu.memory_space<hbm>>
    tpu.wait_dma2 semaphore(%arg14 : memref<!tpu.dma_semaphore, #tpu.memory_space<semaphore_mem>>) src(%arg6 : memref<104x128xf32, #tpu.memory_space<vmem>>) dst(%dma_wait3A_32 : memref<104x128xf32, #tpu.memory_space<hbm>>)
    %add3A_33 = arith.constant 1768 : i32
    %add3A_34 = arith.addi %multiple_of3A, %add3A_33 : i32
    %multiple_of3A_35 = tpu.assume_multiple %add3A_34, 8 : i32
    %dma_wait3A_36 = arith.constant 0 : i32
    %dma_wait3A_37 = tpu.memref_slice %arg4[%multiple_of3A_35, %dma_wait3A_36] : memref<66560x128xf32, #tpu.memory_space<hbm>> -> memref<104x128xf32, #tpu.memory_space<hbm>>
    %dma_wait3A_38 = arith.constant 0 : i32
    %dma_wait3A_39 = tpu.memref_slice %arg4[%multiple_of3A_35, %dma_wait3A_38] : memref<66560x128xf32, #tpu.memory_space<hbm>> -> memref<104x128xf32, #tpu.memory_space<hbm>>
    tpu.wait_dma2 semaphore(%arg15 : memref<!tpu.dma_semaphore, #tpu.memory_space<semaphore_mem>>) src(%arg7 : memref<104x128xf32, #tpu.memory_space<vmem>>) dst(%dma_wait3A_39 : memref<104x128xf32, #tpu.memory_space<hbm>>)
    %add3A_40 = arith.constant 1872 : i32
    %add3A_41 = arith.addi %multiple_of3A, %add3A_40 : i32
    %multiple_of3A_42 = tpu.assume_multiple %add3A_41, 8 : i32
    %dma_wait3A_43 = arith.constant 0 : i32
    %dma_wait3A_44 = tpu.memref_slice %arg4[%multiple_of3A_42, %dma_wait3A_43] : memref<66560x128xf32, #tpu.memory_space<hbm>> -> memref<104x128xf32, #tpu.memory_space<hbm>>
    %dma_wait3A_45 = arith.constant 0 : i32
    %dma_wait3A_46 = tpu.memref_slice %arg4[%multiple_of3A_42, %dma_wait3A_45] : memref<66560x128xf32, #tpu.memory_space<hbm>> -> memref<104x128xf32, #tpu.memory_space<hbm>>
    tpu.wait_dma2 semaphore(%arg16 : memref<!tpu.dma_semaphore, #tpu.memory_space<semaphore_mem>>) src(%arg8 : memref<104x128xf32, #tpu.memory_space<vmem>>) dst(%dma_wait3A_46 : memref<104x128xf32, #tpu.memory_space<hbm>>)
    %add3A_47 = arith.constant 1976 : i32
    %add3A_48 = arith.addi %multiple_of3A, %add3A_47 : i32
    %multiple_of3A_49 = tpu.assume_multiple %add3A_48, 8 : i32
    %dma_wait3A_50 = arith.constant 0 : i32
    %dma_wait3A_51 = tpu.memref_slice %arg4[%multiple_of3A_49, %dma_wait3A_50] : memref<66560x128xf32, #tpu.memory_space<hbm>> -> memref<104x128xf32, #tpu.memory_space<hbm>>
    %dma_wait3A_52 = arith.constant 0 : i32
    %dma_wait3A_53 = tpu.memref_slice %arg4[%multiple_of3A_49, %dma_wait3A_52] : memref<66560x128xf32, #tpu.memory_space<hbm>> -> memref<104x128xf32, #tpu.memory_space<hbm>>
    tpu.wait_dma2 semaphore(%arg17 : memref<!tpu.dma_semaphore, #tpu.memory_space<semaphore_mem>>) src(%arg9 : memref<104x128xf32, #tpu.memory_space<vmem>>) dst(%dma_wait3A_53 : memref<104x128xf32, #tpu.memory_space<hbm>>)
    return
  }
}

module attributes {stable_mosaic.version = 14 : i64} {
  func.func @_matmul_body(%arg0: i32, %arg1: memref<2048x256xf32, #tpu.memory_space<vmem>>, %arg2: memref<256x2048xf32, #tpu.memory_space<vmem>>, %arg3: memref<256x128xf32, #tpu.memory_space<vmem>>) attributes {dimension_semantics = [#tpu.dimension_semantics<arbitrary>], iteration_bounds = array<i64: 8>, scalar_prefetch = 0 : i64, scratch_operands = 0 : i64, tpu.core_type = #tpu.core_type<tc>, window_params = [{transform_indices = @transform_0, window_bounds = array<i64: 2048, 256>}, {pipeline_mode = #tpu.pipeline_mode<synchronous>, transform_indices = @transform_1, window_bounds = array<i64: 256, 2048>}, {transform_indices = @transform_2, window_bounds = array<i64: 256, 128>}]} {
    %get3A = arith.constant 0 : index
    %get3A_0 = arith.constant 0 : index
    %get3A_1 = vector.load %arg1[%get3A, %get3A_0] : memref<2048x256xf32, #tpu.memory_space<vmem>>, vector<2048x256xf32>
    %get3A_2 = arith.constant 0 : index
    %get3A_3 = arith.constant 0 : index
    %get3A_4 = vector.load %arg2[%get3A_2, %get3A_3] : memref<256x2048xf32, #tpu.memory_space<vmem>>, vector<256x2048xf32>
    %dot_general3A = arith.constant dense<0.000000e+00> : vector<256x256xf32>
    %dot_general3A_5 = tpu.matmul %get3A_1, %get3A_4, %dot_general3A {dimension_numbers = #tpu.dot_dimension_numbers<[0], [1], [1], [0], [0, 1, 1, 0], [], []>, transpose_lhs_hint = false} : vector<2048x256xf32>, vector<256x2048xf32>, vector<256x256xf32> -> vector<256x256xf32>
    %slice3A = vector.extract_strided_slice %dot_general3A_5 {offsets = [0, 0], sizes = [256, 128], strides = [1, 1]} : vector<256x256xf32> to vector<256x128xf32>
    %bitcast_convert_type3A = tpu.bitcast %slice3A : vector<256x128xf32> -> vector<256x128xi32>
    %add3A = arith.constant 32767 : i32
    %add3A_6 = vector.broadcast %add3A : i32 to vector<256x128xi32>
    %add3A_7 = arith.addi %bitcast_convert_type3A, %add3A_6 : vector<256x128xi32>
    %shift_right_arithmetic3A = arith.constant 16 : i32
    %shift_right_arithmetic3A_8 = vector.broadcast %shift_right_arithmetic3A : i32 to vector<256x128xi32>
    %shift_right_arithmetic3A_9 = arith.shrsi %bitcast_convert_type3A, %shift_right_arithmetic3A_8 : vector<256x128xi32>
    %and3A = arith.constant 1 : i32
    %and3A_10 = vector.broadcast %and3A : i32 to vector<256x128xi32>
    %and3A_11 = arith.andi %shift_right_arithmetic3A_9, %and3A_10 : vector<256x128xi32>
    %add3A_12 = arith.addi %add3A_7, %and3A_11 : vector<256x128xi32>
    %shift_right_logical3A = arith.constant 16 : i32
    %shift_right_logical3A_13 = vector.broadcast %shift_right_logical3A : i32 to vector<256x128xi32>
    %shift_right_logical3A_14 = arith.shrui %add3A_12, %shift_right_logical3A_13 : vector<256x128xi32>
    %slice3A_15 = vector.extract_strided_slice %dot_general3A_5 {offsets = [0, 128], sizes = [256, 128], strides = [1, 1]} : vector<256x256xf32> to vector<256x128xf32>
    %bitcast_convert_type3A_16 = tpu.bitcast %slice3A_15 : vector<256x128xf32> -> vector<256x128xi32>
    %add3A_17 = arith.constant 32767 : i32
    %add3A_18 = vector.broadcast %add3A_17 : i32 to vector<256x128xi32>
    %add3A_19 = arith.addi %bitcast_convert_type3A_16, %add3A_18 : vector<256x128xi32>
    %shift_right_arithmetic3A_20 = arith.constant 16 : i32
    %shift_right_arithmetic3A_21 = vector.broadcast %shift_right_arithmetic3A_20 : i32 to vector<256x128xi32>
    %shift_right_arithmetic3A_22 = arith.shrsi %bitcast_convert_type3A_16, %shift_right_arithmetic3A_21 : vector<256x128xi32>
    %and3A_23 = arith.constant 1 : i32
    %and3A_24 = vector.broadcast %and3A_23 : i32 to vector<256x128xi32>
    %and3A_25 = arith.andi %shift_right_arithmetic3A_22, %and3A_24 : vector<256x128xi32>
    %add3A_26 = arith.addi %add3A_19, %and3A_25 : vector<256x128xi32>
    %shift_right_logical3A_27 = arith.constant 16 : i32
    %shift_right_logical3A_28 = vector.broadcast %shift_right_logical3A_27 : i32 to vector<256x128xi32>
    %shift_right_logical3A_29 = arith.shrui %add3A_26, %shift_right_logical3A_28 : vector<256x128xi32>
    %shift_left3A = arith.constant 16 : i32
    %shift_left3A_30 = vector.broadcast %shift_left3A : i32 to vector<256x128xi32>
    %shift_left3A_31 = arith.shli %shift_right_logical3A_29, %shift_left3A_30 : vector<256x128xi32>
    %or3A = arith.ori %shift_right_logical3A_14, %shift_left3A_31 : vector<256x128xi32>
    %bitcast_convert_type3A_32 = tpu.bitcast %or3A : vector<256x128xi32> -> vector<256x128xf32>
    %swap3A = arith.constant 0 : index
    %swap3A_33 = arith.constant 0 : index
    %swap3A_34 = vector.load %arg3[%swap3A, %swap3A_33] : memref<256x128xf32, #tpu.memory_space<vmem>>, vector<256x128xf32>
    tpu.vector_store %arg3[%swap3A, %swap3A_33], %bitcast_convert_type3A_32 {strides = array<i32>} : memref<256x128xf32, #tpu.memory_space<vmem>>, vector<256x128xf32>,
    return
  }
  func.func @transform_0(%arg0: i32) -> (i32, i32) {
    %c0_i32 = arith.constant 0 : i32
    %c0_i32_0 = arith.constant 0 : i32
    return %c0_i32, %arg0 : i32, i32
  }
  func.func @transform_1(%arg0: i32) -> (i32, i32) {
    %c0_i32 = arith.constant 0 : i32
    %c0_i32_0 = arith.constant 0 : i32
    %c0_i32_1 = arith.constant 0 : i32
    return %c0_i32, %c0_i32_0 : i32, i32
  }
  func.func @transform_2(%arg0: i32) -> (i32, i32) {
    %c0_i32 = arith.constant 0 : i32
    %c0_i32_0 = arith.constant 0 : i32
    return %arg0, %c0_i32 : i32, i32
  }
}

module attributes {stable_mosaic.version = 14 : i64} {
  func.func @_median_body(%arg0: i32, %arg1: i32, %arg2: memref<1x2xf32, #tpu.memory_space<vmem>>, %arg3: memref<1x65x64x128xf32, #tpu.memory_space<vmem>>, %arg4: memref<256x128xf32, #tpu.memory_space<vmem>>, %arg5: memref<256x128xf32, #tpu.memory_space<vmem>>, %arg6: memref<128x128xi32, #tpu.memory_space<vmem>>) attributes {dimension_semantics = [#tpu.dimension_semantics<arbitrary>, #tpu.dimension_semantics<arbitrary>], iteration_bounds = array<i64: 8, 2>, scalar_prefetch = 0 : i64, scratch_operands = 1 : i64, tpu.core_type = #tpu.core_type<tc>, window_params = [{pipeline_mode = #tpu.pipeline_mode<synchronous>, transform_indices = @transform_0, window_bounds = array<i64: 1, 2>}, {transform_indices = @transform_1, window_bounds = array<i64: 1, 65, 64, 128>}, {transform_indices = @transform_2, window_bounds = array<i64: 256, 128>}, {transform_indices = @transform_3, window_bounds = array<i64: 256, 128>}]} {
    %get3A = arith.constant 0 : index
    %get3A_0 = arith.constant 0 : index
    %get3A_1 = arith.constant 0 : index
    %get3A_2 = arith.constant 0 : index
    %get3A_3 = vector.load %arg3[%get3A, %get3A_0, %get3A_1, %get3A_2] : memref<1x65x64x128xf32, #tpu.memory_space<vmem>>, vector<1x1x64x128xf32>
    %get3A_4 = vector.shape_cast %get3A_3 : vector<1x1x64x128xf32> to vector<64x128xf32>
    %bitcast3A = tpu.bitcast %get3A_4 : vector<64x128xf32> -> vector<128x128xbf16>
    %get3A_5 = arith.constant 0 : index
    %get3A_6 = arith.constant 1 : index
    %get3A_7 = arith.constant 0 : index
    %get3A_8 = arith.constant 0 : index
    %get3A_9 = vector.load %arg3[%get3A_5, %get3A_6, %get3A_7, %get3A_8] : memref<1x65x64x128xf32, #tpu.memory_space<vmem>>, vector<1x1x64x128xf32>
    %get3A_10 = vector.shape_cast %get3A_9 : vector<1x1x64x128xf32> to vector<64x128xf32>
    %bitcast3A_11 = tpu.bitcast %get3A_10 : vector<64x128xf32> -> vector<128x128xbf16>
    %get3A_12 = arith.constant 0 : index
    %get3A_13 = arith.constant 2 : index
    %get3A_14 = arith.constant 0 : index
    %get3A_15 = arith.constant 0 : index
    %get3A_16 = vector.load %arg3[%get3A_12, %get3A_13, %get3A_14, %get3A_15] : memref<1x65x64x128xf32, #tpu.memory_space<vmem>>, vector<1x1x64x128xf32>
    %get3A_17 = vector.shape_cast %get3A_16 : vector<1x1x64x128xf32> to vector<64x128xf32>
    %bitcast3A_18 = tpu.bitcast %get3A_17 : vector<64x128xf32> -> vector<128x128xbf16>
    %get3A_19 = arith.constant 0 : index
    %get3A_20 = arith.constant 3 : index
    %get3A_21 = arith.constant 0 : index
    %get3A_22 = arith.constant 0 : index
    %get3A_23 = vector.load %arg3[%get3A_19, %get3A_20, %get3A_21, %get3A_22] : memref<1x65x64x128xf32, #tpu.memory_space<vmem>>, vector<1x1x64x128xf32>
    %get3A_24 = vector.shape_cast %get3A_23 : vector<1x1x64x128xf32> to vector<64x128xf32>
    %bitcast3A_25 = tpu.bitcast %get3A_24 : vector<64x128xf32> -> vector<128x128xbf16>
    %get3A_26 = arith.constant 0 : index
    %get3A_27 = arith.constant 4 : index
    %get3A_28 = arith.constant 0 : index
    %get3A_29 = arith.constant 0 : index
    %get3A_30 = vector.load %arg3[%get3A_26, %get3A_27, %get3A_28, %get3A_29] : memref<1x65x64x128xf32, #tpu.memory_space<vmem>>, vector<1x1x64x128xf32>
    %get3A_31 = vector.shape_cast %get3A_30 : vector<1x1x64x128xf32> to vector<64x128xf32>
    %bitcast3A_32 = tpu.bitcast %get3A_31 : vector<64x128xf32> -> vector<128x128xbf16>
    %get3A_33 = arith.constant 0 : index
    %get3A_34 = arith.constant 5 : index
    %get3A_35 = arith.constant 0 : index
    %get3A_36 = arith.constant 0 : index
    %get3A_37 = vector.load %arg3[%get3A_33, %get3A_34, %get3A_35, %get3A_36] : memref<1x65x64x128xf32, #tpu.memory_space<vmem>>, vector<1x1x64x128xf32>
    %get3A_38 = vector.shape_cast %get3A_37 : vector<1x1x64x128xf32> to vector<64x128xf32>
    %bitcast3A_39 = tpu.bitcast %get3A_38 : vector<64x128xf32> -> vector<128x128xbf16>
    %get3A_40 = arith.constant 0 : index
    %get3A_41 = arith.constant 6 : index
    %get3A_42 = arith.constant 0 : index
    %get3A_43 = arith.constant 0 : index
    %get3A_44 = vector.load %arg3[%get3A_40, %get3A_41, %get3A_42, %get3A_43] : memref<1x65x64x128xf32, #tpu.memory_space<vmem>>, vector<1x1x64x128xf32>
    %get3A_45 = vector.shape_cast %get3A_44 : vector<1x1x64x128xf32> to vector<64x128xf32>
    %bitcast3A_46 = tpu.bitcast %get3A_45 : vector<64x128xf32> -> vector<128x128xbf16>
    %get3A_47 = arith.constant 0 : index
    %get3A_48 = arith.constant 7 : index
    %get3A_49 = arith.constant 0 : index
    %get3A_50 = arith.constant 0 : index
    %get3A_51 = vector.load %arg3[%get3A_47, %get3A_48, %get3A_49, %get3A_50] : memref<1x65x64x128xf32, #tpu.memory_space<vmem>>, vector<1x1x64x128xf32>
    %get3A_52 = vector.shape_cast %get3A_51 : vector<1x1x64x128xf32> to vector<64x128xf32>
    %bitcast3A_53 = tpu.bitcast %get3A_52 : vector<64x128xf32> -> vector<128x128xbf16>
    %get3A_54 = arith.constant 0 : index
    %get3A_55 = arith.constant 8 : index
    %get3A_56 = arith.constant 0 : index
    %get3A_57 = arith.constant 0 : index
    %get3A_58 = vector.load %arg3[%get3A_54, %get3A_55, %get3A_56, %get3A_57] : memref<1x65x64x128xf32, #tpu.memory_space<vmem>>, vector<1x1x64x128xf32>
    %get3A_59 = vector.shape_cast %get3A_58 : vector<1x1x64x128xf32> to vector<64x128xf32>
    %bitcast3A_60 = tpu.bitcast %get3A_59 : vector<64x128xf32> -> vector<128x128xbf16>
    %get3A_61 = arith.constant 0 : index
    %get3A_62 = arith.constant 9 : index
    %get3A_63 = arith.constant 0 : index
    %get3A_64 = arith.constant 0 : index
    %get3A_65 = vector.load %arg3[%get3A_61, %get3A_62, %get3A_63, %get3A_64] : memref<1x65x64x128xf32, #tpu.memory_space<vmem>>, vector<1x1x64x128xf32>
    %get3A_66 = vector.shape_cast %get3A_65 : vector<1x1x64x128xf32> to vector<64x128xf32>
    %bitcast3A_67 = tpu.bitcast %get3A_66 : vector<64x128xf32> -> vector<128x128xbf16>
    %get3A_68 = arith.constant 0 : index
    %get3A_69 = arith.constant 10 : index
    %get3A_70 = arith.constant 0 : index
    %get3A_71 = arith.constant 0 : index
    %get3A_72 = vector.load %arg3[%get3A_68, %get3A_69, %get3A_70, %get3A_71] : memref<1x65x64x128xf32, #tpu.memory_space<vmem>>, vector<1x1x64x128xf32>
    %get3A_73 = vector.shape_cast %get3A_72 : vector<1x1x64x128xf32> to vector<64x128xf32>
    %bitcast3A_74 = tpu.bitcast %get3A_73 : vector<64x128xf32> -> vector<128x128xbf16>
    %get3A_75 = arith.constant 0 : index
    %get3A_76 = arith.constant 11 : index
    %get3A_77 = arith.constant 0 : index
    %get3A_78 = arith.constant 0 : index
    %get3A_79 = vector.load %arg3[%get3A_75, %get3A_76, %get3A_77, %get3A_78] : memref<1x65x64x128xf32, #tpu.memory_space<vmem>>, vector<1x1x64x128xf32>
    %get3A_80 = vector.shape_cast %get3A_79 : vector<1x1x64x128xf32> to vector<64x128xf32>
    %bitcast3A_81 = tpu.bitcast %get3A_80 : vector<64x128xf32> -> vector<128x128xbf16>
    %get3A_82 = arith.constant 0 : index
    %get3A_83 = arith.constant 12 : index
    %get3A_84 = arith.constant 0 : index
    %get3A_85 = arith.constant 0 : index
    %get3A_86 = vector.load %arg3[%get3A_82, %get3A_83, %get3A_84, %get3A_85] : memref<1x65x64x128xf32, #tpu.memory_space<vmem>>, vector<1x1x64x128xf32>
    %get3A_87 = vector.shape_cast %get3A_86 : vector<1x1x64x128xf32> to vector<64x128xf32>
    %bitcast3A_88 = tpu.bitcast %get3A_87 : vector<64x128xf32> -> vector<128x128xbf16>
    %get3A_89 = arith.constant 0 : index
    %get3A_90 = arith.constant 13 : index
    %get3A_91 = arith.constant 0 : index
    %get3A_92 = arith.constant 0 : index
    %get3A_93 = vector.load %arg3[%get3A_89, %get3A_90, %get3A_91, %get3A_92] : memref<1x65x64x128xf32, #tpu.memory_space<vmem>>, vector<1x1x64x128xf32>
    %get3A_94 = vector.shape_cast %get3A_93 : vector<1x1x64x128xf32> to vector<64x128xf32>
    %bitcast3A_95 = tpu.bitcast %get3A_94 : vector<64x128xf32> -> vector<128x128xbf16>
    %get3A_96 = arith.constant 0 : index
    %get3A_97 = arith.constant 14 : index
    %get3A_98 = arith.constant 0 : index
    %get3A_99 = arith.constant 0 : index
    %get3A_100 = vector.load %arg3[%get3A_96, %get3A_97, %get3A_98, %get3A_99] : memref<1x65x64x128xf32, #tpu.memory_space<vmem>>, vector<1x1x64x128xf32>
    %get3A_101 = vector.shape_cast %get3A_100 : vector<1x1x64x128xf32> to vector<64x128xf32>
    %bitcast3A_102 = tpu.bitcast %get3A_101 : vector<64x128xf32> -> vector<128x128xbf16>
    %get3A_103 = arith.constant 0 : index
    %get3A_104 = arith.constant 15 : index
    %get3A_105 = arith.constant 0 : index
    %get3A_106 = arith.constant 0 : index
    %get3A_107 = vector.load %arg3[%get3A_103, %get3A_104, %get3A_105, %get3A_106] : memref<1x65x64x128xf32, #tpu.memory_space<vmem>>, vector<1x1x64x128xf32>
    %get3A_108 = vector.shape_cast %get3A_107 : vector<1x1x64x128xf32> to vector<64x128xf32>
    %bitcast3A_109 = tpu.bitcast %get3A_108 : vector<64x128xf32> -> vector<128x128xbf16>
    %get3A_110 = arith.constant 0 : index
    %get3A_111 = arith.constant 16 : index
    %get3A_112 = arith.constant 0 : index
    %get3A_113 = arith.constant 0 : index
    %get3A_114 = vector.load %arg3[%get3A_110, %get3A_111, %get3A_112, %get3A_113] : memref<1x65x64x128xf32, #tpu.memory_space<vmem>>, vector<1x1x64x128xf32>
    %get3A_115 = vector.shape_cast %get3A_114 : vector<1x1x64x128xf32> to vector<64x128xf32>
    %bitcast3A_116 = tpu.bitcast %get3A_115 : vector<64x128xf32> -> vector<128x128xbf16>
    %get3A_117 = arith.constant 0 : index
    %get3A_118 = arith.constant 17 : index
    %get3A_119 = arith.constant 0 : index
    %get3A_120 = arith.constant 0 : index
    %get3A_121 = vector.load %arg3[%get3A_117, %get3A_118, %get3A_119, %get3A_120] : memref<1x65x64x128xf32, #tpu.memory_space<vmem>>, vector<1x1x64x128xf32>
    %get3A_122 = vector.shape_cast %get3A_121 : vector<1x1x64x128xf32> to vector<64x128xf32>
    %bitcast3A_123 = tpu.bitcast %get3A_122 : vector<64x128xf32> -> vector<128x128xbf16>
    %get3A_124 = arith.constant 0 : index
    %get3A_125 = arith.constant 18 : index
    %get3A_126 = arith.constant 0 : index
    %get3A_127 = arith.constant 0 : index
    %get3A_128 = vector.load %arg3[%get3A_124, %get3A_125, %get3A_126, %get3A_127] : memref<1x65x64x128xf32, #tpu.memory_space<vmem>>, vector<1x1x64x128xf32>
    %get3A_129 = vector.shape_cast %get3A_128 : vector<1x1x64x128xf32> to vector<64x128xf32>
    %bitcast3A_130 = tpu.bitcast %get3A_129 : vector<64x128xf32> -> vector<128x128xbf16>
    %get3A_131 = arith.constant 0 : index
    %get3A_132 = arith.constant 19 : index
    %get3A_133 = arith.constant 0 : index
    %get3A_134 = arith.constant 0 : index
    %get3A_135 = vector.load %arg3[%get3A_131, %get3A_132, %get3A_133, %get3A_134] : memref<1x65x64x128xf32, #tpu.memory_space<vmem>>, vector<1x1x64x128xf32>
    %get3A_136 = vector.shape_cast %get3A_135 : vector<1x1x64x128xf32> to vector<64x128xf32>
    %bitcast3A_137 = tpu.bitcast %get3A_136 : vector<64x128xf32> -> vector<128x128xbf16>
    %get3A_138 = arith.constant 0 : index
    %get3A_139 = arith.constant 20 : index
    %get3A_140 = arith.constant 0 : index
    %get3A_141 = arith.constant 0 : index
    %get3A_142 = vector.load %arg3[%get3A_138, %get3A_139, %get3A_140, %get3A_141] : memref<1x65x64x128xf32, #tpu.memory_space<vmem>>, vector<1x1x64x128xf32>
    %get3A_143 = vector.shape_cast %get3A_142 : vector<1x1x64x128xf32> to vector<64x128xf32>
    %bitcast3A_144 = tpu.bitcast %get3A_143 : vector<64x128xf32> -> vector<128x128xbf16>
    %get3A_145 = arith.constant 0 : index
    %get3A_146 = arith.constant 21 : index
    %get3A_147 = arith.constant 0 : index
    %get3A_148 = arith.constant 0 : index
    %get3A_149 = vector.load %arg3[%get3A_145, %get3A_146, %get3A_147, %get3A_148] : memref<1x65x64x128xf32, #tpu.memory_space<vmem>>, vector<1x1x64x128xf32>
    %get3A_150 = vector.shape_cast %get3A_149 : vector<1x1x64x128xf32> to vector<64x128xf32>
    %bitcast3A_151 = tpu.bitcast %get3A_150 : vector<64x128xf32> -> vector<128x128xbf16>
    %get3A_152 = arith.constant 0 : index
    %get3A_153 = arith.constant 22 : index
    %get3A_154 = arith.constant 0 : index
    %get3A_155 = arith.constant 0 : index
    %get3A_156 = vector.load %arg3[%get3A_152, %get3A_153, %get3A_154, %get3A_155] : memref<1x65x64x128xf32, #tpu.memory_space<vmem>>, vector<1x1x64x128xf32>
    %get3A_157 = vector.shape_cast %get3A_156 : vector<1x1x64x128xf32> to vector<64x128xf32>
    %bitcast3A_158 = tpu.bitcast %get3A_157 : vector<64x128xf32> -> vector<128x128xbf16>
    %get3A_159 = arith.constant 0 : index
    %get3A_160 = arith.constant 23 : index
    %get3A_161 = arith.constant 0 : index
    %get3A_162 = arith.constant 0 : index
    %get3A_163 = vector.load %arg3[%get3A_159, %get3A_160, %get3A_161, %get3A_162] : memref<1x65x64x128xf32, #tpu.memory_space<vmem>>, vector<1x1x64x128xf32>
    %get3A_164 = vector.shape_cast %get3A_163 : vector<1x1x64x128xf32> to vector<64x128xf32>
    %bitcast3A_165 = tpu.bitcast %get3A_164 : vector<64x128xf32> -> vector<128x128xbf16>
    %get3A_166 = arith.constant 0 : index
    %get3A_167 = arith.constant 24 : index
    %get3A_168 = arith.constant 0 : index
    %get3A_169 = arith.constant 0 : index
    %get3A_170 = vector.load %arg3[%get3A_166, %get3A_167, %get3A_168, %get3A_169] : memref<1x65x64x128xf32, #tpu.memory_space<vmem>>, vector<1x1x64x128xf32>
    %get3A_171 = vector.shape_cast %get3A_170 : vector<1x1x64x128xf32> to vector<64x128xf32>
    %bitcast3A_172 = tpu.bitcast %get3A_171 : vector<64x128xf32> -> vector<128x128xbf16>
    %get3A_173 = arith.constant 0 : index
    %get3A_174 = arith.constant 25 : index
    %get3A_175 = arith.constant 0 : index
    %get3A_176 = arith.constant 0 : index
    %get3A_177 = vector.load %arg3[%get3A_173, %get3A_174, %get3A_175, %get3A_176] : memref<1x65x64x128xf32, #tpu.memory_space<vmem>>, vector<1x1x64x128xf32>
    %get3A_178 = vector.shape_cast %get3A_177 : vector<1x1x64x128xf32> to vector<64x128xf32>
    %bitcast3A_179 = tpu.bitcast %get3A_178 : vector<64x128xf32> -> vector<128x128xbf16>
    %get3A_180 = arith.constant 0 : index
    %get3A_181 = arith.constant 26 : index
    %get3A_182 = arith.constant 0 : index
    %get3A_183 = arith.constant 0 : index
    %get3A_184 = vector.load %arg3[%get3A_180, %get3A_181, %get3A_182, %get3A_183] : memref<1x65x64x128xf32, #tpu.memory_space<vmem>>, vector<1x1x64x128xf32>
    %get3A_185 = vector.shape_cast %get3A_184 : vector<1x1x64x128xf32> to vector<64x128xf32>
    %bitcast3A_186 = tpu.bitcast %get3A_185 : vector<64x128xf32> -> vector<128x128xbf16>
    %get3A_187 = arith.constant 0 : index
    %get3A_188 = arith.constant 27 : index
    %get3A_189 = arith.constant 0 : index
    %get3A_190 = arith.constant 0 : index
    %get3A_191 = vector.load %arg3[%get3A_187, %get3A_188, %get3A_189, %get3A_190] : memref<1x65x64x128xf32, #tpu.memory_space<vmem>>, vector<1x1x64x128xf32>
    %get3A_192 = vector.shape_cast %get3A_191 : vector<1x1x64x128xf32> to vector<64x128xf32>
    %bitcast3A_193 = tpu.bitcast %get3A_192 : vector<64x128xf32> -> vector<128x128xbf16>
    %get3A_194 = arith.constant 0 : index
    %get3A_195 = arith.constant 28 : index
    %get3A_196 = arith.constant 0 : index
    %get3A_197 = arith.constant 0 : index
    %get3A_198 = vector.load %arg3[%get3A_194, %get3A_195, %get3A_196, %get3A_197] : memref<1x65x64x128xf32, #tpu.memory_space<vmem>>, vector<1x1x64x128xf32>
    %get3A_199 = vector.shape_cast %get3A_198 : vector<1x1x64x128xf32> to vector<64x128xf32>
    %bitcast3A_200 = tpu.bitcast %get3A_199 : vector<64x128xf32> -> vector<128x128xbf16>
    %get3A_201 = arith.constant 0 : index
    %get3A_202 = arith.constant 29 : index
    %get3A_203 = arith.constant 0 : index
    %get3A_204 = arith.constant 0 : index
    %get3A_205 = vector.load %arg3[%get3A_201, %get3A_202, %get3A_203, %get3A_204] : memref<1x65x64x128xf32, #tpu.memory_space<vmem>>, vector<1x1x64x128xf32>
    %get3A_206 = vector.shape_cast %get3A_205 : vector<1x1x64x128xf32> to vector<64x128xf32>
    %bitcast3A_207 = tpu.bitcast %get3A_206 : vector<64x128xf32> -> vector<128x128xbf16>
    %get3A_208 = arith.constant 0 : index
    %get3A_209 = arith.constant 30 : index
    %get3A_210 = arith.constant 0 : index
    %get3A_211 = arith.constant 0 : index
    %get3A_212 = vector.load %arg3[%get3A_208, %get3A_209, %get3A_210, %get3A_211] : memref<1x65x64x128xf32, #tpu.memory_space<vmem>>, vector<1x1x64x128xf32>
    %get3A_213 = vector.shape_cast %get3A_212 : vector<1x1x64x128xf32> to vector<64x128xf32>
    %bitcast3A_214 = tpu.bitcast %get3A_213 : vector<64x128xf32> -> vector<128x128xbf16>
    %get3A_215 = arith.constant 0 : index
    %get3A_216 = arith.constant 31 : index
    %get3A_217 = arith.constant 0 : index
    %get3A_218 = arith.constant 0 : index
    %get3A_219 = vector.load %arg3[%get3A_215, %get3A_216, %get3A_217, %get3A_218] : memref<1x65x64x128xf32, #tpu.memory_space<vmem>>, vector<1x1x64x128xf32>
    %get3A_220 = vector.shape_cast %get3A_219 : vector<1x1x64x128xf32> to vector<64x128xf32>
    %bitcast3A_221 = tpu.bitcast %get3A_220 : vector<64x128xf32> -> vector<128x128xbf16>
    %get3A_222 = arith.constant 0 : index
    %get3A_223 = arith.constant 32 : index
    %get3A_224 = arith.constant 0 : index
    %get3A_225 = arith.constant 0 : index
    %get3A_226 = vector.load %arg3[%get3A_222, %get3A_223, %get3A_224, %get3A_225] : memref<1x65x64x128xf32, #tpu.memory_space<vmem>>, vector<1x1x64x128xf32>
    %get3A_227 = vector.shape_cast %get3A_226 : vector<1x1x64x128xf32> to vector<64x128xf32>
    %bitcast3A_228 = tpu.bitcast %get3A_227 : vector<64x128xf32> -> vector<128x128xbf16>
    %get3A_229 = arith.constant 0 : index
    %get3A_230 = arith.constant 33 : index
    %get3A_231 = arith.constant 0 : index
    %get3A_232 = arith.constant 0 : index
    %get3A_233 = vector.load %arg3[%get3A_229, %get3A_230, %get3A_231, %get3A_232] : memref<1x65x64x128xf32, #tpu.memory_space<vmem>>, vector<1x1x64x128xf32>
    %get3A_234 = vector.shape_cast %get3A_233 : vector<1x1x64x128xf32> to vector<64x128xf32>
    %bitcast3A_235 = tpu.bitcast %get3A_234 : vector<64x128xf32> -> vector<128x128xbf16>
    %get3A_236 = arith.constant 0 : index
    %get3A_237 = arith.constant 34 : index
    %get3A_238 = arith.constant 0 : index
    %get3A_239 = arith.constant 0 : index
    %get3A_240 = vector.load %arg3[%get3A_236, %get3A_237, %get3A_238, %get3A_239] : memref<1x65x64x128xf32, #tpu.memory_space<vmem>>, vector<1x1x64x128xf32>
    %get3A_241 = vector.shape_cast %get3A_240 : vector<1x1x64x128xf32> to vector<64x128xf32>
    %bitcast3A_242 = tpu.bitcast %get3A_241 : vector<64x128xf32> -> vector<128x128xbf16>
    %get3A_243 = arith.constant 0 : index
    %get3A_244 = arith.constant 35 : index
    %get3A_245 = arith.constant 0 : index
    %get3A_246 = arith.constant 0 : index
    %get3A_247 = vector.load %arg3[%get3A_243, %get3A_244, %get3A_245, %get3A_246] : memref<1x65x64x128xf32, #tpu.memory_space<vmem>>, vector<1x1x64x128xf32>
    %get3A_248 = vector.shape_cast %get3A_247 : vector<1x1x64x128xf32> to vector<64x128xf32>
    %bitcast3A_249 = tpu.bitcast %get3A_248 : vector<64x128xf32> -> vector<128x128xbf16>
    %get3A_250 = arith.constant 0 : index
    %get3A_251 = arith.constant 36 : index
    %get3A_252 = arith.constant 0 : index
    %get3A_253 = arith.constant 0 : index
    %get3A_254 = vector.load %arg3[%get3A_250, %get3A_251, %get3A_252, %get3A_253] : memref<1x65x64x128xf32, #tpu.memory_space<vmem>>, vector<1x1x64x128xf32>
    %get3A_255 = vector.shape_cast %get3A_254 : vector<1x1x64x128xf32> to vector<64x128xf32>
    %bitcast3A_256 = tpu.bitcast %get3A_255 : vector<64x128xf32> -> vector<128x128xbf16>
    %get3A_257 = arith.constant 0 : index
    %get3A_258 = arith.constant 37 : index
    %get3A_259 = arith.constant 0 : index
    %get3A_260 = arith.constant 0 : index
    %get3A_261 = vector.load %arg3[%get3A_257, %get3A_258, %get3A_259, %get3A_260] : memref<1x65x64x128xf32, #tpu.memory_space<vmem>>, vector<1x1x64x128xf32>
    %get3A_262 = vector.shape_cast %get3A_261 : vector<1x1x64x128xf32> to vector<64x128xf32>
    %bitcast3A_263 = tpu.bitcast %get3A_262 : vector<64x128xf32> -> vector<128x128xbf16>
    %get3A_264 = arith.constant 0 : index
    %get3A_265 = arith.constant 38 : index
    %get3A_266 = arith.constant 0 : index
    %get3A_267 = arith.constant 0 : index
    %get3A_268 = vector.load %arg3[%get3A_264, %get3A_265, %get3A_266, %get3A_267] : memref<1x65x64x128xf32, #tpu.memory_space<vmem>>, vector<1x1x64x128xf32>
    %get3A_269 = vector.shape_cast %get3A_268 : vector<1x1x64x128xf32> to vector<64x128xf32>
    %bitcast3A_270 = tpu.bitcast %get3A_269 : vector<64x128xf32> -> vector<128x128xbf16>
    %get3A_271 = arith.constant 0 : index
    %get3A_272 = arith.constant 39 : index
    %get3A_273 = arith.constant 0 : index
    %get3A_274 = arith.constant 0 : index
    %get3A_275 = vector.load %arg3[%get3A_271, %get3A_272, %get3A_273, %get3A_274] : memref<1x65x64x128xf32, #tpu.memory_space<vmem>>, vector<1x1x64x128xf32>
    %get3A_276 = vector.shape_cast %get3A_275 : vector<1x1x64x128xf32> to vector<64x128xf32>
    %bitcast3A_277 = tpu.bitcast %get3A_276 : vector<64x128xf32> -> vector<128x128xbf16>
    %get3A_278 = arith.constant 0 : index
    %get3A_279 = arith.constant 40 : index
    %get3A_280 = arith.constant 0 : index
    %get3A_281 = arith.constant 0 : index
    %get3A_282 = vector.load %arg3[%get3A_278, %get3A_279, %get3A_280, %get3A_281] : memref<1x65x64x128xf32, #tpu.memory_space<vmem>>, vector<1x1x64x128xf32>
    %get3A_283 = vector.shape_cast %get3A_282 : vector<1x1x64x128xf32> to vector<64x128xf32>
    %bitcast3A_284 = tpu.bitcast %get3A_283 : vector<64x128xf32> -> vector<128x128xbf16>
    %get3A_285 = arith.constant 0 : index
    %get3A_286 = arith.constant 41 : index
    %get3A_287 = arith.constant 0 : index
    %get3A_288 = arith.constant 0 : index
    %get3A_289 = vector.load %arg3[%get3A_285, %get3A_286, %get3A_287, %get3A_288] : memref<1x65x64x128xf32, #tpu.memory_space<vmem>>, vector<1x1x64x128xf32>
    %get3A_290 = vector.shape_cast %get3A_289 : vector<1x1x64x128xf32> to vector<64x128xf32>
    %bitcast3A_291 = tpu.bitcast %get3A_290 : vector<64x128xf32> -> vector<128x128xbf16>
    %get3A_292 = arith.constant 0 : index
    %get3A_293 = arith.constant 42 : index
    %get3A_294 = arith.constant 0 : index
    %get3A_295 = arith.constant 0 : index
    %get3A_296 = vector.load %arg3[%get3A_292, %get3A_293, %get3A_294, %get3A_295] : memref<1x65x64x128xf32, #tpu.memory_space<vmem>>, vector<1x1x64x128xf32>
    %get3A_297 = vector.shape_cast %get3A_296 : vector<1x1x64x128xf32> to vector<64x128xf32>
    %bitcast3A_298 = tpu.bitcast %get3A_297 : vector<64x128xf32> -> vector<128x128xbf16>
    %get3A_299 = arith.constant 0 : index
    %get3A_300 = arith.constant 43 : index
    %get3A_301 = arith.constant 0 : index
    %get3A_302 = arith.constant 0 : index
    %get3A_303 = vector.load %arg3[%get3A_299, %get3A_300, %get3A_301, %get3A_302] : memref<1x65x64x128xf32, #tpu.memory_space<vmem>>, vector<1x1x64x128xf32>
    %get3A_304 = vector.shape_cast %get3A_303 : vector<1x1x64x128xf32> to vector<64x128xf32>
    %bitcast3A_305 = tpu.bitcast %get3A_304 : vector<64x128xf32> -> vector<128x128xbf16>
    %get3A_306 = arith.constant 0 : index
    %get3A_307 = arith.constant 44 : index
    %get3A_308 = arith.constant 0 : index
    %get3A_309 = arith.constant 0 : index
    %get3A_310 = vector.load %arg3[%get3A_306, %get3A_307, %get3A_308, %get3A_309] : memref<1x65x64x128xf32, #tpu.memory_space<vmem>>, vector<1x1x64x128xf32>
    %get3A_311 = vector.shape_cast %get3A_310 : vector<1x1x64x128xf32> to vector<64x128xf32>
    %bitcast3A_312 = tpu.bitcast %get3A_311 : vector<64x128xf32> -> vector<128x128xbf16>
    %get3A_313 = arith.constant 0 : index
    %get3A_314 = arith.constant 45 : index
    %get3A_315 = arith.constant 0 : index
    %get3A_316 = arith.constant 0 : index
    %get3A_317 = vector.load %arg3[%get3A_313, %get3A_314, %get3A_315, %get3A_316] : memref<1x65x64x128xf32, #tpu.memory_space<vmem>>, vector<1x1x64x128xf32>
    %get3A_318 = vector.shape_cast %get3A_317 : vector<1x1x64x128xf32> to vector<64x128xf32>
    %bitcast3A_319 = tpu.bitcast %get3A_318 : vector<64x128xf32> -> vector<128x128xbf16>
    %get3A_320 = arith.constant 0 : index
    %get3A_321 = arith.constant 46 : index
    %get3A_322 = arith.constant 0 : index
    %get3A_323 = arith.constant 0 : index
    %get3A_324 = vector.load %arg3[%get3A_320, %get3A_321, %get3A_322, %get3A_323] : memref<1x65x64x128xf32, #tpu.memory_space<vmem>>, vector<1x1x64x128xf32>
    %get3A_325 = vector.shape_cast %get3A_324 : vector<1x1x64x128xf32> to vector<64x128xf32>
    %bitcast3A_326 = tpu.bitcast %get3A_325 : vector<64x128xf32> -> vector<128x128xbf16>
    %get3A_327 = arith.constant 0 : index
    %get3A_328 = arith.constant 47 : index
    %get3A_329 = arith.constant 0 : index
    %get3A_330 = arith.constant 0 : index
    %get3A_331 = vector.load %arg3[%get3A_327, %get3A_328, %get3A_329, %get3A_330] : memref<1x65x64x128xf32, #tpu.memory_space<vmem>>, vector<1x1x64x128xf32>
    %get3A_332 = vector.shape_cast %get3A_331 : vector<1x1x64x128xf32> to vector<64x128xf32>
    %bitcast3A_333 = tpu.bitcast %get3A_332 : vector<64x128xf32> -> vector<128x128xbf16>
    %get3A_334 = arith.constant 0 : index
    %get3A_335 = arith.constant 48 : index
    %get3A_336 = arith.constant 0 : index
    %get3A_337 = arith.constant 0 : index
    %get3A_338 = vector.load %arg3[%get3A_334, %get3A_335, %get3A_336, %get3A_337] : memref<1x65x64x128xf32, #tpu.memory_space<vmem>>, vector<1x1x64x128xf32>
    %get3A_339 = vector.shape_cast %get3A_338 : vector<1x1x64x128xf32> to vector<64x128xf32>
    %bitcast3A_340 = tpu.bitcast %get3A_339 : vector<64x128xf32> -> vector<128x128xbf16>
    %get3A_341 = arith.constant 0 : index
    %get3A_342 = arith.constant 49 : index
    %get3A_343 = arith.constant 0 : index
    %get3A_344 = arith.constant 0 : index
    %get3A_345 = vector.load %arg3[%get3A_341, %get3A_342, %get3A_343, %get3A_344] : memref<1x65x64x128xf32, #tpu.memory_space<vmem>>, vector<1x1x64x128xf32>
    %get3A_346 = vector.shape_cast %get3A_345 : vector<1x1x64x128xf32> to vector<64x128xf32>
    %bitcast3A_347 = tpu.bitcast %get3A_346 : vector<64x128xf32> -> vector<128x128xbf16>
    %get3A_348 = arith.constant 0 : index
    %get3A_349 = arith.constant 50 : index
    %get3A_350 = arith.constant 0 : index
    %get3A_351 = arith.constant 0 : index
    %get3A_352 = vector.load %arg3[%get3A_348, %get3A_349, %get3A_350, %get3A_351] : memref<1x65x64x128xf32, #tpu.memory_space<vmem>>, vector<1x1x64x128xf32>
    %get3A_353 = vector.shape_cast %get3A_352 : vector<1x1x64x128xf32> to vector<64x128xf32>
    %bitcast3A_354 = tpu.bitcast %get3A_353 : vector<64x128xf32> -> vector<128x128xbf16>
    %get3A_355 = arith.constant 0 : index
    %get3A_356 = arith.constant 51 : index
    %get3A_357 = arith.constant 0 : index
    %get3A_358 = arith.constant 0 : index
    %get3A_359 = vector.load %arg3[%get3A_355, %get3A_356, %get3A_357, %get3A_358] : memref<1x65x64x128xf32, #tpu.memory_space<vmem>>, vector<1x1x64x128xf32>
    %get3A_360 = vector.shape_cast %get3A_359 : vector<1x1x64x128xf32> to vector<64x128xf32>
    %bitcast3A_361 = tpu.bitcast %get3A_360 : vector<64x128xf32> -> vector<128x128xbf16>
    %get3A_362 = arith.constant 0 : index
    %get3A_363 = arith.constant 52 : index
    %get3A_364 = arith.constant 0 : index
    %get3A_365 = arith.constant 0 : index
    %get3A_366 = vector.load %arg3[%get3A_362, %get3A_363, %get3A_364, %get3A_365] : memref<1x65x64x128xf32, #tpu.memory_space<vmem>>, vector<1x1x64x128xf32>
    %get3A_367 = vector.shape_cast %get3A_366 : vector<1x1x64x128xf32> to vector<64x128xf32>
    %bitcast3A_368 = tpu.bitcast %get3A_367 : vector<64x128xf32> -> vector<128x128xbf16>
    %get3A_369 = arith.constant 0 : index
    %get3A_370 = arith.constant 53 : index
    %get3A_371 = arith.constant 0 : index
    %get3A_372 = arith.constant 0 : index
    %get3A_373 = vector.load %arg3[%get3A_369, %get3A_370, %get3A_371, %get3A_372] : memref<1x65x64x128xf32, #tpu.memory_space<vmem>>, vector<1x1x64x128xf32>
    %get3A_374 = vector.shape_cast %get3A_373 : vector<1x1x64x128xf32> to vector<64x128xf32>
    %bitcast3A_375 = tpu.bitcast %get3A_374 : vector<64x128xf32> -> vector<128x128xbf16>
    %get3A_376 = arith.constant 0 : index
    %get3A_377 = arith.constant 54 : index
    %get3A_378 = arith.constant 0 : index
    %get3A_379 = arith.constant 0 : index
    %get3A_380 = vector.load %arg3[%get3A_376, %get3A_377, %get3A_378, %get3A_379] : memref<1x65x64x128xf32, #tpu.memory_space<vmem>>, vector<1x1x64x128xf32>
    %get3A_381 = vector.shape_cast %get3A_380 : vector<1x1x64x128xf32> to vector<64x128xf32>
    %bitcast3A_382 = tpu.bitcast %get3A_381 : vector<64x128xf32> -> vector<128x128xbf16>
    %get3A_383 = arith.constant 0 : index
    %get3A_384 = arith.constant 55 : index
    %get3A_385 = arith.constant 0 : index
    %get3A_386 = arith.constant 0 : index
    %get3A_387 = vector.load %arg3[%get3A_383, %get3A_384, %get3A_385, %get3A_386] : memref<1x65x64x128xf32, #tpu.memory_space<vmem>>, vector<1x1x64x128xf32>
    %get3A_388 = vector.shape_cast %get3A_387 : vector<1x1x64x128xf32> to vector<64x128xf32>
    %bitcast3A_389 = tpu.bitcast %get3A_388 : vector<64x128xf32> -> vector<128x128xbf16>
    %get3A_390 = arith.constant 0 : index
    %get3A_391 = arith.constant 56 : index
    %get3A_392 = arith.constant 0 : index
    %get3A_393 = arith.constant 0 : index
    %get3A_394 = vector.load %arg3[%get3A_390, %get3A_391, %get3A_392, %get3A_393] : memref<1x65x64x128xf32, #tpu.memory_space<vmem>>, vector<1x1x64x128xf32>
    %get3A_395 = vector.shape_cast %get3A_394 : vector<1x1x64x128xf32> to vector<64x128xf32>
    %bitcast3A_396 = tpu.bitcast %get3A_395 : vector<64x128xf32> -> vector<128x128xbf16>
    %get3A_397 = arith.constant 0 : index
    %get3A_398 = arith.constant 57 : index
    %get3A_399 = arith.constant 0 : index
    %get3A_400 = arith.constant 0 : index
    %get3A_401 = vector.load %arg3[%get3A_397, %get3A_398, %get3A_399, %get3A_400] : memref<1x65x64x128xf32, #tpu.memory_space<vmem>>, vector<1x1x64x128xf32>
    %get3A_402 = vector.shape_cast %get3A_401 : vector<1x1x64x128xf32> to vector<64x128xf32>
    %bitcast3A_403 = tpu.bitcast %get3A_402 : vector<64x128xf32> -> vector<128x128xbf16>
    %get3A_404 = arith.constant 0 : index
    %get3A_405 = arith.constant 58 : index
    %get3A_406 = arith.constant 0 : index
    %get3A_407 = arith.constant 0 : index
    %get3A_408 = vector.load %arg3[%get3A_404, %get3A_405, %get3A_406, %get3A_407] : memref<1x65x64x128xf32, #tpu.memory_space<vmem>>, vector<1x1x64x128xf32>
    %get3A_409 = vector.shape_cast %get3A_408 : vector<1x1x64x128xf32> to vector<64x128xf32>
    %bitcast3A_410 = tpu.bitcast %get3A_409 : vector<64x128xf32> -> vector<128x128xbf16>
    %get3A_411 = arith.constant 0 : index
    %get3A_412 = arith.constant 59 : index
    %get3A_413 = arith.constant 0 : index
    %get3A_414 = arith.constant 0 : index
    %get3A_415 = vector.load %arg3[%get3A_411, %get3A_412, %get3A_413, %get3A_414] : memref<1x65x64x128xf32, #tpu.memory_space<vmem>>, vector<1x1x64x128xf32>
    %get3A_416 = vector.shape_cast %get3A_415 : vector<1x1x64x128xf32> to vector<64x128xf32>
    %bitcast3A_417 = tpu.bitcast %get3A_416 : vector<64x128xf32> -> vector<128x128xbf16>
    %get3A_418 = arith.constant 0 : index
    %get3A_419 = arith.constant 60 : index
    %get3A_420 = arith.constant 0 : index
    %get3A_421 = arith.constant 0 : index
    %get3A_422 = vector.load %arg3[%get3A_418, %get3A_419, %get3A_420, %get3A_421] : memref<1x65x64x128xf32, #tpu.memory_space<vmem>>, vector<1x1x64x128xf32>
    %get3A_423 = vector.shape_cast %get3A_422 : vector<1x1x64x128xf32> to vector<64x128xf32>
    %bitcast3A_424 = tpu.bitcast %get3A_423 : vector<64x128xf32> -> vector<128x128xbf16>
    %get3A_425 = arith.constant 0 : index
    %get3A_426 = arith.constant 61 : index
    %get3A_427 = arith.constant 0 : index
    %get3A_428 = arith.constant 0 : index
    %get3A_429 = vector.load %arg3[%get3A_425, %get3A_426, %get3A_427, %get3A_428] : memref<1x65x64x128xf32, #tpu.memory_space<vmem>>, vector<1x1x64x128xf32>
    %get3A_430 = vector.shape_cast %get3A_429 : vector<1x1x64x128xf32> to vector<64x128xf32>
    %bitcast3A_431 = tpu.bitcast %get3A_430 : vector<64x128xf32> -> vector<128x128xbf16>
    %get3A_432 = arith.constant 0 : index
    %get3A_433 = arith.constant 62 : index
    %get3A_434 = arith.constant 0 : index
    %get3A_435 = arith.constant 0 : index
    %get3A_436 = vector.load %arg3[%get3A_432, %get3A_433, %get3A_434, %get3A_435] : memref<1x65x64x128xf32, #tpu.memory_space<vmem>>, vector<1x1x64x128xf32>
    %get3A_437 = vector.shape_cast %get3A_436 : vector<1x1x64x128xf32> to vector<64x128xf32>
    %bitcast3A_438 = tpu.bitcast %get3A_437 : vector<64x128xf32> -> vector<128x128xbf16>
    %get3A_439 = arith.constant 0 : index
    %get3A_440 = arith.constant 63 : index
    %get3A_441 = arith.constant 0 : index
    %get3A_442 = arith.constant 0 : index
    %get3A_443 = vector.load %arg3[%get3A_439, %get3A_440, %get3A_441, %get3A_442] : memref<1x65x64x128xf32, #tpu.memory_space<vmem>>, vector<1x1x64x128xf32>
    %get3A_444 = vector.shape_cast %get3A_443 : vector<1x1x64x128xf32> to vector<64x128xf32>
    %bitcast3A_445 = tpu.bitcast %get3A_444 : vector<64x128xf32> -> vector<128x128xbf16>
    %get3A_446 = arith.constant 0 : index
    %get3A_447 = arith.constant 64 : index
    %get3A_448 = arith.constant 0 : index
    %get3A_449 = arith.constant 0 : index
    %get3A_450 = vector.load %arg3[%get3A_446, %get3A_447, %get3A_448, %get3A_449] : memref<1x65x64x128xf32, #tpu.memory_space<vmem>>, vector<1x1x64x128xf32>
    %get3A_451 = vector.shape_cast %get3A_450 : vector<1x1x64x128xf32> to vector<64x128xf32>
    %bitcast3A_452 = tpu.bitcast %get3A_451 : vector<64x128xf32> -> vector<128x128xbf16>
    %min3A = arith.minimumf %bitcast3A, %bitcast3A_11 : vector<128x128xbf16>
    %max3A = arith.maximumf %bitcast3A, %bitcast3A_11 : vector<128x128xbf16>
    %min3A_453 = arith.minimumf %bitcast3A_18, %bitcast3A_25 : vector<128x128xbf16>
    %max3A_454 = arith.maximumf %bitcast3A_18, %bitcast3A_25 : vector<128x128xbf16>
    %min3A_455 = arith.minimumf %min3A, %min3A_453 : vector<128x128xbf16>
    %max3A_456 = arith.maximumf %min3A, %min3A_453 : vector<128x128xbf16>
    %min3A_457 = arith.minimumf %max3A, %max3A_454 : vector<128x128xbf16>
    %max3A_458 = arith.maximumf %max3A, %max3A_454 : vector<128x128xbf16>
    %min3A_459 = arith.minimumf %min3A_457, %max3A_456 : vector<128x128xbf16>
    %max3A_460 = arith.maximumf %min3A_457, %max3A_456 : vector<128x128xbf16>
    %min3A_461 = arith.minimumf %bitcast3A_32, %bitcast3A_39 : vector<128x128xbf16>
    %max3A_462 = arith.maximumf %bitcast3A_32, %bitcast3A_39 : vector<128x128xbf16>
    %min3A_463 = arith.minimumf %bitcast3A_46, %bitcast3A_53 : vector<128x128xbf16>
    %max3A_464 = arith.maximumf %bitcast3A_46, %bitcast3A_53 : vector<128x128xbf16>
    %min3A_465 = arith.minimumf %min3A_461, %min3A_463 : vector<128x128xbf16>
    %max3A_466 = arith.maximumf %min3A_461, %min3A_463 : vector<128x128xbf16>
    %min3A_467 = arith.minimumf %max3A_462, %max3A_464 : vector<128x128xbf16>
    %max3A_468 = arith.maximumf %max3A_462, %max3A_464 : vector<128x128xbf16>
    %min3A_469 = arith.minimumf %min3A_467, %max3A_466 : vector<128x128xbf16>
    %max3A_470 = arith.maximumf %min3A_467, %max3A_466 : vector<128x128xbf16>
    %min3A_471 = arith.minimumf %min3A_455, %min3A_465 : vector<128x128xbf16>
    %max3A_472 = arith.maximumf %min3A_455, %min3A_465 : vector<128x128xbf16>
    %min3A_473 = arith.minimumf %max3A_460, %max3A_470 : vector<128x128xbf16>
    %max3A_474 = arith.maximumf %max3A_460, %max3A_470 : vector<128x128xbf16>
    %min3A_475 = arith.minimumf %min3A_473, %max3A_472 : vector<128x128xbf16>
    %max3A_476 = arith.maximumf %min3A_473, %max3A_472 : vector<128x128xbf16>
    %min3A_477 = arith.minimumf %min3A_459, %min3A_469 : vector<128x128xbf16>
    %max3A_478 = arith.maximumf %min3A_459, %min3A_469 : vector<128x128xbf16>
    %min3A_479 = arith.minimumf %max3A_458, %max3A_468 : vector<128x128xbf16>
    %max3A_480 = arith.maximumf %max3A_458, %max3A_468 : vector<128x128xbf16>
    %min3A_481 = arith.minimumf %min3A_479, %max3A_478 : vector<128x128xbf16>
    %max3A_482 = arith.maximumf %min3A_479, %max3A_478 : vector<128x128xbf16>
    %min3A_483 = arith.minimumf %min3A_477, %min3A_475 : vector<128x128xbf16>
    %max3A_484 = arith.maximumf %min3A_477, %min3A_475 : vector<128x128xbf16>
    %min3A_485 = arith.minimumf %min3A_481, %max3A_476 : vector<128x128xbf16>
    %max3A_486 = arith.maximumf %min3A_481, %max3A_476 : vector<128x128xbf16>
    %min3A_487 = arith.minimumf %max3A_482, %max3A_474 : vector<128x128xbf16>
    %max3A_488 = arith.maximumf %max3A_482, %max3A_474 : vector<128x128xbf16>
    %min3A_489 = arith.minimumf %bitcast3A_60, %bitcast3A_67 : vector<128x128xbf16>
    %max3A_490 = arith.maximumf %bitcast3A_60, %bitcast3A_67 : vector<128x128xbf16>
    %min3A_491 = arith.minimumf %bitcast3A_74, %bitcast3A_81 : vector<128x128xbf16>
    %max3A_492 = arith.maximumf %bitcast3A_74, %bitcast3A_81 : vector<128x128xbf16>
    %min3A_493 = arith.minimumf %min3A_489, %min3A_491 : vector<128x128xbf16>
    %max3A_494 = arith.maximumf %min3A_489, %min3A_491 : vector<128x128xbf16>
    %min3A_495 = arith.minimumf %max3A_490, %max3A_492 : vector<128x128xbf16>
    %max3A_496 = arith.maximumf %max3A_490, %max3A_492 : vector<128x128xbf16>
    %min3A_497 = arith.minimumf %min3A_495, %max3A_494 : vector<128x128xbf16>
    %max3A_498 = arith.maximumf %min3A_495, %max3A_494 : vector<128x128xbf16>
    %min3A_499 = arith.minimumf %bitcast3A_88, %bitcast3A_95 : vector<128x128xbf16>
    %max3A_500 = arith.maximumf %bitcast3A_88, %bitcast3A_95 : vector<128x128xbf16>
    %min3A_501 = arith.minimumf %bitcast3A_102, %bitcast3A_109 : vector<128x128xbf16>
    %max3A_502 = arith.maximumf %bitcast3A_102, %bitcast3A_109 : vector<128x128xbf16>
    %min3A_503 = arith.minimumf %min3A_499, %min3A_501 : vector<128x128xbf16>
    %max3A_504 = arith.maximumf %min3A_499, %min3A_501 : vector<128x128xbf16>
    %min3A_505 = arith.minimumf %max3A_500, %max3A_502 : vector<128x128xbf16>
    %max3A_506 = arith.maximumf %max3A_500, %max3A_502 : vector<128x128xbf16>
    %min3A_507 = arith.minimumf %min3A_505, %max3A_504 : vector<128x128xbf16>
    %max3A_508 = arith.maximumf %min3A_505, %max3A_504 : vector<128x128xbf16>
    %min3A_509 = arith.minimumf %min3A_493, %min3A_503 : vector<128x128xbf16>
    %max3A_510 = arith.maximumf %min3A_493, %min3A_503 : vector<128x128xbf16>
    %min3A_511 = arith.minimumf %max3A_498, %max3A_508 : vector<128x128xbf16>
    %max3A_512 = arith.maximumf %max3A_498, %max3A_508 : vector<128x128xbf16>
    %min3A_513 = arith.minimumf %min3A_511, %max3A_510 : vector<128x128xbf16>
    %max3A_514 = arith.maximumf %min3A_511, %max3A_510 : vector<128x128xbf16>
    %min3A_515 = arith.minimumf %min3A_497, %min3A_507 : vector<128x128xbf16>
    %max3A_516 = arith.maximumf %min3A_497, %min3A_507 : vector<128x128xbf16>
    %min3A_517 = arith.minimumf %max3A_496, %max3A_506 : vector<128x128xbf16>
    %max3A_518 = arith.maximumf %max3A_496, %max3A_506 : vector<128x128xbf16>
    %min3A_519 = arith.minimumf %min3A_517, %max3A_516 : vector<128x128xbf16>
    %max3A_520 = arith.maximumf %min3A_517, %max3A_516 : vector<128x128xbf16>
    %min3A_521 = arith.minimumf %min3A_515, %min3A_513 : vector<128x128xbf16>
    %max3A_522 = arith.maximumf %min3A_515, %min3A_513 : vector<128x128xbf16>
    %min3A_523 = arith.minimumf %min3A_519, %max3A_514 : vector<128x128xbf16>
    %max3A_524 = arith.maximumf %min3A_519, %max3A_514 : vector<128x128xbf16>
    %min3A_525 = arith.minimumf %max3A_520, %max3A_512 : vector<128x128xbf16>
    %max3A_526 = arith.maximumf %max3A_520, %max3A_512 : vector<128x128xbf16>
    %min3A_527 = arith.minimumf %min3A_471, %min3A_509 : vector<128x128xbf16>
    %max3A_528 = arith.maximumf %min3A_471, %min3A_509 : vector<128x128xbf16>
    %min3A_529 = arith.minimumf %max3A_486, %max3A_524 : vector<128x128xbf16>
    %max3A_530 = arith.maximumf %max3A_486, %max3A_524 : vector<128x128xbf16>
    %min3A_531 = arith.minimumf %min3A_529, %max3A_528 : vector<128x128xbf16>
    %max3A_532 = arith.maximumf %min3A_529, %max3A_528 : vector<128x128xbf16>
    %min3A_533 = arith.minimumf %max3A_484, %max3A_522 : vector<128x128xbf16>
    %max3A_534 = arith.maximumf %max3A_484, %max3A_522 : vector<128x128xbf16>
    %min3A_535 = arith.minimumf %max3A_488, %max3A_526 : vector<128x128xbf16>
    %max3A_536 = arith.maximumf %max3A_488, %max3A_526 : vector<128x128xbf16>
    %min3A_537 = arith.minimumf %min3A_535, %max3A_534 : vector<128x128xbf16>
    %max3A_538 = arith.maximumf %min3A_535, %max3A_534 : vector<128x128xbf16>
    %min3A_539 = arith.minimumf %min3A_533, %min3A_531 : vector<128x128xbf16>
    %max3A_540 = arith.maximumf %min3A_533, %min3A_531 : vector<128x128xbf16>
    %min3A_541 = arith.minimumf %min3A_537, %max3A_532 : vector<128x128xbf16>
    %max3A_542 = arith.maximumf %min3A_537, %max3A_532 : vector<128x128xbf16>
    %min3A_543 = arith.minimumf %max3A_538, %max3A_530 : vector<128x128xbf16>
    %max3A_544 = arith.maximumf %max3A_538, %max3A_530 : vector<128x128xbf16>
    %min3A_545 = arith.minimumf %min3A_483, %min3A_521 : vector<128x128xbf16>
    %max3A_546 = arith.maximumf %min3A_483, %min3A_521 : vector<128x128xbf16>
    %min3A_547 = arith.minimumf %min3A_487, %min3A_525 : vector<128x128xbf16>
    %max3A_548 = arith.maximumf %min3A_487, %min3A_525 : vector<128x128xbf16>
    %min3A_549 = arith.minimumf %min3A_547, %max3A_546 : vector<128x128xbf16>
    %max3A_550 = arith.maximumf %min3A_547, %max3A_546 : vector<128x128xbf16>
    %min3A_551 = arith.minimumf %min3A_485, %min3A_523 : vector<128x128xbf16>
    %max3A_552 = arith.maximumf %min3A_485, %min3A_523 : vector<128x128xbf16>
    %min3A_553 = arith.minimumf %max3A_480, %max3A_518 : vector<128x128xbf16>
    %max3A_554 = arith.maximumf %max3A_480, %max3A_518 : vector<128x128xbf16>
    %min3A_555 = arith.minimumf %min3A_553, %max3A_552 : vector<128x128xbf16>
    %max3A_556 = arith.maximumf %min3A_553, %max3A_552 : vector<128x128xbf16>
    %min3A_557 = arith.minimumf %min3A_551, %min3A_549 : vector<128x128xbf16>
    %max3A_558 = arith.maximumf %min3A_551, %min3A_549 : vector<128x128xbf16>
    %min3A_559 = arith.minimumf %min3A_555, %max3A_550 : vector<128x128xbf16>
    %max3A_560 = arith.maximumf %min3A_555, %max3A_550 : vector<128x128xbf16>
    %min3A_561 = arith.minimumf %max3A_556, %max3A_548 : vector<128x128xbf16>
    %max3A_562 = arith.maximumf %max3A_556, %max3A_548 : vector<128x128xbf16>
    %min3A_563 = arith.minimumf %min3A_545, %min3A_539 : vector<128x128xbf16>
    %max3A_564 = arith.maximumf %min3A_545, %min3A_539 : vector<128x128xbf16>
    %min3A_565 = arith.minimumf %min3A_557, %max3A_540 : vector<128x128xbf16>
    %max3A_566 = arith.maximumf %min3A_557, %max3A_540 : vector<128x128xbf16>
    %min3A_567 = arith.minimumf %max3A_558, %min3A_541 : vector<128x128xbf16>
    %max3A_568 = arith.maximumf %max3A_558, %min3A_541 : vector<128x128xbf16>
    %min3A_569 = arith.minimumf %min3A_559, %max3A_542 : vector<128x128xbf16>
    %max3A_570 = arith.maximumf %min3A_559, %max3A_542 : vector<128x128xbf16>
    %min3A_571 = arith.minimumf %max3A_560, %min3A_543 : vector<128x128xbf16>
    %max3A_572 = arith.maximumf %max3A_560, %min3A_543 : vector<128x128xbf16>
    %min3A_573 = arith.minimumf %min3A_561, %max3A_544 : vector<128x128xbf16>
    %max3A_574 = arith.maximumf %min3A_561, %max3A_544 : vector<128x128xbf16>
    %min3A_575 = arith.minimumf %max3A_562, %max3A_536 : vector<128x128xbf16>
    %max3A_576 = arith.maximumf %max3A_562, %max3A_536 : vector<128x128xbf16>
    %min3A_577 = arith.minimumf %bitcast3A_116, %bitcast3A_123 : vector<128x128xbf16>
    %max3A_578 = arith.maximumf %bitcast3A_116, %bitcast3A_123 : vector<128x128xbf16>
    %min3A_579 = arith.minimumf %bitcast3A_130, %bitcast3A_137 : vector<128x128xbf16>
    %max3A_580 = arith.maximumf %bitcast3A_130, %bitcast3A_137 : vector<128x128xbf16>
    %min3A_581 = arith.minimumf %min3A_577, %min3A_579 : vector<128x128xbf16>
    %max3A_582 = arith.maximumf %min3A_577, %min3A_579 : vector<128x128xbf16>
    %min3A_583 = arith.minimumf %max3A_578, %max3A_580 : vector<128x128xbf16>
    %max3A_584 = arith.maximumf %max3A_578, %max3A_580 : vector<128x128xbf16>
    %min3A_585 = arith.minimumf %min3A_583, %max3A_582 : vector<128x128xbf16>
    %max3A_586 = arith.maximumf %min3A_583, %max3A_582 : vector<128x128xbf16>
    %min3A_587 = arith.minimumf %bitcast3A_144, %bitcast3A_151 : vector<128x128xbf16>
    %max3A_588 = arith.maximumf %bitcast3A_144, %bitcast3A_151 : vector<128x128xbf16>
    %min3A_589 = arith.minimumf %bitcast3A_158, %bitcast3A_165 : vector<128x128xbf16>
    %max3A_590 = arith.maximumf %bitcast3A_158, %bitcast3A_165 : vector<128x128xbf16>
    %min3A_591 = arith.minimumf %min3A_587, %min3A_589 : vector<128x128xbf16>
    %max3A_592 = arith.maximumf %min3A_587, %min3A_589 : vector<128x128xbf16>
    %min3A_593 = arith.minimumf %max3A_588, %max3A_590 : vector<128x128xbf16>
    %max3A_594 = arith.maximumf %max3A_588, %max3A_590 : vector<128x128xbf16>
    %min3A_595 = arith.minimumf %min3A_593, %max3A_592 : vector<128x128xbf16>
    %max3A_596 = arith.maximumf %min3A_593, %max3A_592 : vector<128x128xbf16>
    %min3A_597 = arith.minimumf %min3A_581, %min3A_591 : vector<128x128xbf16>
    %max3A_598 = arith.maximumf %min3A_581, %min3A_591 : vector<128x128xbf16>
    %min3A_599 = arith.minimumf %max3A_586, %max3A_596 : vector<128x128xbf16>
    %max3A_600 = arith.maximumf %max3A_586, %max3A_596 : vector<128x128xbf16>
    %min3A_601 = arith.minimumf %min3A_599, %max3A_598 : vector<128x128xbf16>
    %max3A_602 = arith.maximumf %min3A_599, %max3A_598 : vector<128x128xbf16>
    %min3A_603 = arith.minimumf %min3A_585, %min3A_595 : vector<128x128xbf16>
    %max3A_604 = arith.maximumf %min3A_585, %min3A_595 : vector<128x128xbf16>
    %min3A_605 = arith.minimumf %max3A_584, %max3A_594 : vector<128x128xbf16>
    %max3A_606 = arith.maximumf %max3A_584, %max3A_594 : vector<128x128xbf16>
    %min3A_607 = arith.minimumf %min3A_605, %max3A_604 : vector<128x128xbf16>
    %max3A_608 = arith.maximumf %min3A_605, %max3A_604 : vector<128x128xbf16>
    %min3A_609 = arith.minimumf %min3A_603, %min3A_601 : vector<128x128xbf16>
    %max3A_610 = arith.maximumf %min3A_603, %min3A_601 : vector<128x128xbf16>
    %min3A_611 = arith.minimumf %min3A_607, %max3A_602 : vector<128x128xbf16>
    %max3A_612 = arith.maximumf %min3A_607, %max3A_602 : vector<128x128xbf16>
    %min3A_613 = arith.minimumf %max3A_608, %max3A_600 : vector<128x128xbf16>
    %max3A_614 = arith.maximumf %max3A_608, %max3A_600 : vector<128x128xbf16>
    %min3A_615 = arith.minimumf %bitcast3A_172, %bitcast3A_179 : vector<128x128xbf16>
    %max3A_616 = arith.maximumf %bitcast3A_172, %bitcast3A_179 : vector<128x128xbf16>
    %min3A_617 = arith.minimumf %bitcast3A_186, %bitcast3A_193 : vector<128x128xbf16>
    %max3A_618 = arith.maximumf %bitcast3A_186, %bitcast3A_193 : vector<128x128xbf16>
    %min3A_619 = arith.minimumf %min3A_615, %min3A_617 : vector<128x128xbf16>
    %max3A_620 = arith.maximumf %min3A_615, %min3A_617 : vector<128x128xbf16>
    %min3A_621 = arith.minimumf %max3A_616, %max3A_618 : vector<128x128xbf16>
    %max3A_622 = arith.maximumf %max3A_616, %max3A_618 : vector<128x128xbf16>
    %min3A_623 = arith.minimumf %min3A_621, %max3A_620 : vector<128x128xbf16>
    %max3A_624 = arith.maximumf %min3A_621, %max3A_620 : vector<128x128xbf16>
    %min3A_625 = arith.minimumf %bitcast3A_200, %bitcast3A_207 : vector<128x128xbf16>
    %max3A_626 = arith.maximumf %bitcast3A_200, %bitcast3A_207 : vector<128x128xbf16>
    %min3A_627 = arith.minimumf %bitcast3A_214, %bitcast3A_221 : vector<128x128xbf16>
    %max3A_628 = arith.maximumf %bitcast3A_214, %bitcast3A_221 : vector<128x128xbf16>
    %min3A_629 = arith.minimumf %min3A_625, %min3A_627 : vector<128x128xbf16>
    %max3A_630 = arith.maximumf %min3A_625, %min3A_627 : vector<128x128xbf16>
    %min3A_631 = arith.minimumf %max3A_626, %max3A_628 : vector<128x128xbf16>
    %max3A_632 = arith.maximumf %max3A_626, %max3A_628 : vector<128x128xbf16>
    %min3A_633 = arith.minimumf %min3A_631, %max3A_630 : vector<128x128xbf16>
    %max3A_634 = arith.maximumf %min3A_631, %max3A_630 : vector<128x128xbf16>
    %min3A_635 = arith.minimumf %min3A_619, %min3A_629 : vector<128x128xbf16>
    %max3A_636 = arith.maximumf %min3A_619, %min3A_629 : vector<128x128xbf16>
    %min3A_637 = arith.minimumf %max3A_624, %max3A_634 : vector<128x128xbf16>
    %max3A_638 = arith.maximumf %max3A_624, %max3A_634 : vector<128x128xbf16>
    %min3A_639 = arith.minimumf %min3A_637, %max3A_636 : vector<128x128xbf16>
    %max3A_640 = arith.maximumf %min3A_637, %max3A_636 : vector<128x128xbf16>
    %min3A_641 = arith.minimumf %min3A_623, %min3A_633 : vector<128x128xbf16>
    %max3A_642 = arith.maximumf %min3A_623, %min3A_633 : vector<128x128xbf16>
    %min3A_643 = arith.minimumf %max3A_622, %max3A_632 : vector<128x128xbf16>
    %max3A_644 = arith.maximumf %max3A_622, %max3A_632 : vector<128x128xbf16>
    %min3A_645 = arith.minimumf %min3A_643, %max3A_642 : vector<128x128xbf16>
    %max3A_646 = arith.maximumf %min3A_643, %max3A_642 : vector<128x128xbf16>
    %min3A_647 = arith.minimumf %min3A_641, %min3A_639 : vector<128x128xbf16>
    %max3A_648 = arith.maximumf %min3A_641, %min3A_639 : vector<128x128xbf16>
    %min3A_649 = arith.minimumf %min3A_645, %max3A_640 : vector<128x128xbf16>
    %max3A_650 = arith.maximumf %min3A_645, %max3A_640 : vector<128x128xbf16>
    %min3A_651 = arith.minimumf %max3A_646, %max3A_638 : vector<128x128xbf16>
    %max3A_652 = arith.maximumf %max3A_646, %max3A_638 : vector<128x128xbf16>
    %min3A_653 = arith.minimumf %min3A_597, %min3A_635 : vector<128x128xbf16>
    %max3A_654 = arith.maximumf %min3A_597, %min3A_635 : vector<128x128xbf16>
    %min3A_655 = arith.minimumf %max3A_612, %max3A_650 : vector<128x128xbf16>
    %max3A_656 = arith.maximumf %max3A_612, %max3A_650 : vector<128x128xbf16>
    %min3A_657 = arith.minimumf %min3A_655, %max3A_654 : vector<128x128xbf16>
    %max3A_658 = arith.maximumf %min3A_655, %max3A_654 : vector<128x128xbf16>
    %min3A_659 = arith.minimumf %max3A_610, %max3A_648 : vector<128x128xbf16>
    %max3A_660 = arith.maximumf %max3A_610, %max3A_648 : vector<128x128xbf16>
    %min3A_661 = arith.minimumf %max3A_614, %max3A_652 : vector<128x128xbf16>
    %max3A_662 = arith.maximumf %max3A_614, %max3A_652 : vector<128x128xbf16>
    %min3A_663 = arith.minimumf %min3A_661, %max3A_660 : vector<128x128xbf16>
    %max3A_664 = arith.maximumf %min3A_661, %max3A_660 : vector<128x128xbf16>
    %min3A_665 = arith.minimumf %min3A_659, %min3A_657 : vector<128x128xbf16>
    %max3A_666 = arith.maximumf %min3A_659, %min3A_657 : vector<128x128xbf16>
    %min3A_667 = arith.minimumf %min3A_663, %max3A_658 : vector<128x128xbf16>
    %max3A_668 = arith.maximumf %min3A_663, %max3A_658 : vector<128x128xbf16>
    %min3A_669 = arith.minimumf %max3A_664, %max3A_656 : vector<128x128xbf16>
    %max3A_670 = arith.maximumf %max3A_664, %max3A_656 : vector<128x128xbf16>
    %min3A_671 = arith.minimumf %min3A_609, %min3A_647 : vector<128x128xbf16>
    %max3A_672 = arith.maximumf %min3A_609, %min3A_647 : vector<128x128xbf16>
    %min3A_673 = arith.minimumf %min3A_613, %min3A_651 : vector<128x128xbf16>
    %max3A_674 = arith.maximumf %min3A_613, %min3A_651 : vector<128x128xbf16>
    %min3A_675 = arith.minimumf %min3A_673, %max3A_672 : vector<128x128xbf16>
    %max3A_676 = arith.maximumf %min3A_673, %max3A_672 : vector<128x128xbf16>
    %min3A_677 = arith.minimumf %min3A_611, %min3A_649 : vector<128x128xbf16>
    %max3A_678 = arith.maximumf %min3A_611, %min3A_649 : vector<128x128xbf16>
    %min3A_679 = arith.minimumf %max3A_606, %max3A_644 : vector<128x128xbf16>
    %max3A_680 = arith.maximumf %max3A_606, %max3A_644 : vector<128x128xbf16>
    %min3A_681 = arith.minimumf %min3A_679, %max3A_678 : vector<128x128xbf16>
    %max3A_682 = arith.maximumf %min3A_679, %max3A_678 : vector<128x128xbf16>
    %min3A_683 = arith.minimumf %min3A_677, %min3A_675 : vector<128x128xbf16>
    %max3A_684 = arith.maximumf %min3A_677, %min3A_675 : vector<128x128xbf16>
    %min3A_685 = arith.minimumf %min3A_681, %max3A_676 : vector<128x128xbf16>
    %max3A_686 = arith.maximumf %min3A_681, %max3A_676 : vector<128x128xbf16>
    %min3A_687 = arith.minimumf %max3A_682, %max3A_674 : vector<128x128xbf16>
    %max3A_688 = arith.maximumf %max3A_682, %max3A_674 : vector<128x128xbf16>
    %min3A_689 = arith.minimumf %min3A_671, %min3A_665 : vector<128x128xbf16>
    %max3A_690 = arith.maximumf %min3A_671, %min3A_665 : vector<128x128xbf16>
    %min3A_691 = arith.minimumf %min3A_683, %max3A_666 : vector<128x128xbf16>
    %max3A_692 = arith.maximumf %min3A_683, %max3A_666 : vector<128x128xbf16>
    %min3A_693 = arith.minimumf %max3A_684, %min3A_667 : vector<128x128xbf16>
    %max3A_694 = arith.maximumf %max3A_684, %min3A_667 : vector<128x128xbf16>
    %min3A_695 = arith.minimumf %min3A_685, %max3A_668 : vector<128x128xbf16>
    %max3A_696 = arith.maximumf %min3A_685, %max3A_668 : vector<128x128xbf16>
    %min3A_697 = arith.minimumf %max3A_686, %min3A_669 : vector<128x128xbf16>
    %max3A_698 = arith.maximumf %max3A_686, %min3A_669 : vector<128x128xbf16>
    %min3A_699 = arith.minimumf %min3A_687, %max3A_670 : vector<128x128xbf16>
    %max3A_700 = arith.maximumf %min3A_687, %max3A_670 : vector<128x128xbf16>
    %min3A_701 = arith.minimumf %max3A_688, %max3A_662 : vector<128x128xbf16>
    %max3A_702 = arith.maximumf %max3A_688, %max3A_662 : vector<128x128xbf16>
    %min3A_703 = arith.minimumf %min3A_527, %min3A_653 : vector<128x128xbf16>
    %max3A_704 = arith.maximumf %min3A_527, %min3A_653 : vector<128x128xbf16>
    %min3A_705 = arith.minimumf %max3A_570, %max3A_696 : vector<128x128xbf16>
    %max3A_706 = arith.maximumf %max3A_570, %max3A_696 : vector<128x128xbf16>
    %min3A_707 = arith.minimumf %min3A_705, %max3A_704 : vector<128x128xbf16>
    %max3A_708 = arith.maximumf %min3A_705, %max3A_704 : vector<128x128xbf16>
    %min3A_709 = arith.minimumf %max3A_566, %max3A_692 : vector<128x128xbf16>
    %max3A_710 = arith.maximumf %max3A_566, %max3A_692 : vector<128x128xbf16>
    %min3A_711 = arith.minimumf %max3A_574, %max3A_700 : vector<128x128xbf16>
    %max3A_712 = arith.maximumf %max3A_574, %max3A_700 : vector<128x128xbf16>
    %min3A_713 = arith.minimumf %min3A_711, %max3A_710 : vector<128x128xbf16>
    %max3A_714 = arith.maximumf %min3A_711, %max3A_710 : vector<128x128xbf16>
    %min3A_715 = arith.minimumf %min3A_709, %min3A_707 : vector<128x128xbf16>
    %max3A_716 = arith.maximumf %min3A_709, %min3A_707 : vector<128x128xbf16>
    %min3A_717 = arith.minimumf %min3A_713, %max3A_708 : vector<128x128xbf16>
    %max3A_718 = arith.maximumf %min3A_713, %max3A_708 : vector<128x128xbf16>
    %min3A_719 = arith.minimumf %max3A_714, %max3A_706 : vector<128x128xbf16>
    %max3A_720 = arith.maximumf %max3A_714, %max3A_706 : vector<128x128xbf16>
    %min3A_721 = arith.minimumf %max3A_564, %max3A_690 : vector<128x128xbf16>
    %max3A_722 = arith.maximumf %max3A_564, %max3A_690 : vector<128x128xbf16>
    %min3A_723 = arith.minimumf %max3A_572, %max3A_698 : vector<128x128xbf16>
    %max3A_724 = arith.maximumf %max3A_572, %max3A_698 : vector<128x128xbf16>
    %min3A_725 = arith.minimumf %min3A_723, %max3A_722 : vector<128x128xbf16>
    %max3A_726 = arith.maximumf %min3A_723, %max3A_722 : vector<128x128xbf16>
    %min3A_727 = arith.minimumf %max3A_568, %max3A_694 : vector<128x128xbf16>
    %max3A_728 = arith.maximumf %max3A_568, %max3A_694 : vector<128x128xbf16>
    %min3A_729 = arith.minimumf %max3A_576, %max3A_702 : vector<128x128xbf16>
    %max3A_730 = arith.maximumf %max3A_576, %max3A_702 : vector<128x128xbf16>
    %min3A_731 = arith.minimumf %min3A_729, %max3A_728 : vector<128x128xbf16>
    %max3A_732 = arith.maximumf %min3A_729, %max3A_728 : vector<128x128xbf16>
    %min3A_733 = arith.minimumf %min3A_727, %min3A_725 : vector<128x128xbf16>
    %max3A_734 = arith.maximumf %min3A_727, %min3A_725 : vector<128x128xbf16>
    %min3A_735 = arith.minimumf %min3A_731, %max3A_726 : vector<128x128xbf16>
    %max3A_736 = arith.maximumf %min3A_731, %max3A_726 : vector<128x128xbf16>
    %min3A_737 = arith.minimumf %max3A_732, %max3A_724 : vector<128x128xbf16>
    %max3A_738 = arith.maximumf %max3A_732, %max3A_724 : vector<128x128xbf16>
    %min3A_739 = arith.minimumf %min3A_721, %min3A_715 : vector<128x128xbf16>
    %max3A_740 = arith.maximumf %min3A_721, %min3A_715 : vector<128x128xbf16>
    %min3A_741 = arith.minimumf %min3A_733, %max3A_716 : vector<128x128xbf16>
    %max3A_742 = arith.maximumf %min3A_733, %max3A_716 : vector<128x128xbf16>
    %min3A_743 = arith.minimumf %max3A_734, %min3A_717 : vector<128x128xbf16>
    %max3A_744 = arith.maximumf %max3A_734, %min3A_717 : vector<128x128xbf16>
    %min3A_745 = arith.minimumf %min3A_735, %max3A_718 : vector<128x128xbf16>
    %max3A_746 = arith.maximumf %min3A_735, %max3A_718 : vector<128x128xbf16>
    %min3A_747 = arith.minimumf %max3A_736, %min3A_719 : vector<128x128xbf16>
    %max3A_748 = arith.maximumf %max3A_736, %min3A_719 : vector<128x128xbf16>
    %min3A_749 = arith.minimumf %min3A_737, %max3A_720 : vector<128x128xbf16>
    %max3A_750 = arith.maximumf %min3A_737, %max3A_720 : vector<128x128xbf16>
    %min3A_751 = arith.minimumf %max3A_738, %max3A_712 : vector<128x128xbf16>
    %max3A_752 = arith.maximumf %max3A_738, %max3A_712 : vector<128x128xbf16>
    %min3A_753 = arith.minimumf %min3A_563, %min3A_689 : vector<128x128xbf16>
    %max3A_754 = arith.maximumf %min3A_563, %min3A_689 : vector<128x128xbf16>
    %min3A_755 = arith.minimumf %min3A_571, %min3A_697 : vector<128x128xbf16>
    %max3A_756 = arith.maximumf %min3A_571, %min3A_697 : vector<128x128xbf16>
    %min3A_757 = arith.minimumf %min3A_755, %max3A_754 : vector<128x128xbf16>
    %max3A_758 = arith.maximumf %min3A_755, %max3A_754 : vector<128x128xbf16>
    %min3A_759 = arith.minimumf %min3A_567, %min3A_693 : vector<128x128xbf16>
    %max3A_760 = arith.maximumf %min3A_567, %min3A_693 : vector<128x128xbf16>
    %min3A_761 = arith.minimumf %min3A_575, %min3A_701 : vector<128x128xbf16>
    %max3A_762 = arith.maximumf %min3A_575, %min3A_701 : vector<128x128xbf16>
    %min3A_763 = arith.minimumf %min3A_761, %max3A_760 : vector<128x128xbf16>
    %max3A_764 = arith.maximumf %min3A_761, %max3A_760 : vector<128x128xbf16>
    %min3A_765 = arith.minimumf %min3A_759, %min3A_757 : vector<128x128xbf16>
    %max3A_766 = arith.maximumf %min3A_759, %min3A_757 : vector<128x128xbf16>
    %min3A_767 = arith.minimumf %min3A_763, %max3A_758 : vector<128x128xbf16>
    %max3A_768 = arith.maximumf %min3A_763, %max3A_758 : vector<128x128xbf16>
    %min3A_769 = arith.minimumf %max3A_764, %max3A_756 : vector<128x128xbf16>
    %max3A_770 = arith.maximumf %max3A_764, %max3A_756 : vector<128x128xbf16>
    %min3A_771 = arith.minimumf %min3A_565, %min3A_691 : vector<128x128xbf16>
    %max3A_772 = arith.maximumf %min3A_565, %min3A_691 : vector<128x128xbf16>
    %min3A_773 = arith.minimumf %min3A_573, %min3A_699 : vector<128x128xbf16>
    %max3A_774 = arith.maximumf %min3A_573, %min3A_699 : vector<128x128xbf16>
    %min3A_775 = arith.minimumf %min3A_773, %max3A_772 : vector<128x128xbf16>
    %max3A_776 = arith.maximumf %min3A_773, %max3A_772 : vector<128x128xbf16>
    %min3A_777 = arith.minimumf %min3A_569, %min3A_695 : vector<128x128xbf16>
    %max3A_778 = arith.maximumf %min3A_569, %min3A_695 : vector<128x128xbf16>
    %min3A_779 = arith.minimumf %max3A_554, %max3A_680 : vector<128x128xbf16>
    %max3A_780 = arith.maximumf %max3A_554, %max3A_680 : vector<128x128xbf16>
    %min3A_781 = arith.minimumf %min3A_779, %max3A_778 : vector<128x128xbf16>
    %max3A_782 = arith.maximumf %min3A_779, %max3A_778 : vector<128x128xbf16>
    %min3A_783 = arith.minimumf %min3A_777, %min3A_775 : vector<128x128xbf16>
    %max3A_784 = arith.maximumf %min3A_777, %min3A_775 : vector<128x128xbf16>
    %min3A_785 = arith.minimumf %min3A_781, %max3A_776 : vector<128x128xbf16>
    %max3A_786 = arith.maximumf %min3A_781, %max3A_776 : vector<128x128xbf16>
    %min3A_787 = arith.minimumf %max3A_782, %max3A_774 : vector<128x128xbf16>
    %max3A_788 = arith.maximumf %max3A_782, %max3A_774 : vector<128x128xbf16>
    %min3A_789 = arith.minimumf %min3A_771, %min3A_765 : vector<128x128xbf16>
    %max3A_790 = arith.maximumf %min3A_771, %min3A_765 : vector<128x128xbf16>
    %min3A_791 = arith.minimumf %min3A_783, %max3A_766 : vector<128x128xbf16>
    %max3A_792 = arith.maximumf %min3A_783, %max3A_766 : vector<128x128xbf16>
    %min3A_793 = arith.minimumf %max3A_784, %min3A_767 : vector<128x128xbf16>
    %max3A_794 = arith.maximumf %max3A_784, %min3A_767 : vector<128x128xbf16>
    %min3A_795 = arith.minimumf %min3A_785, %max3A_768 : vector<128x128xbf16>
    %max3A_796 = arith.maximumf %min3A_785, %max3A_768 : vector<128x128xbf16>
    %min3A_797 = arith.minimumf %max3A_786, %min3A_769 : vector<128x128xbf16>
    %max3A_798 = arith.maximumf %max3A_786, %min3A_769 : vector<128x128xbf16>
    %min3A_799 = arith.minimumf %min3A_787, %max3A_770 : vector<128x128xbf16>
    %max3A_800 = arith.maximumf %min3A_787, %max3A_770 : vector<128x128xbf16>
    %min3A_801 = arith.minimumf %max3A_788, %max3A_762 : vector<128x128xbf16>
    %max3A_802 = arith.maximumf %max3A_788, %max3A_762 : vector<128x128xbf16>
    %min3A_803 = arith.minimumf %min3A_753, %min3A_739 : vector<128x128xbf16>
    %max3A_804 = arith.maximumf %min3A_753, %min3A_739 : vector<128x128xbf16>
    %min3A_805 = arith.minimumf %min3A_789, %max3A_740 : vector<128x128xbf16>
    %max3A_806 = arith.maximumf %min3A_789, %max3A_740 : vector<128x128xbf16>
    %min3A_807 = arith.minimumf %max3A_790, %min3A_741 : vector<128x128xbf16>
    %max3A_808 = arith.maximumf %max3A_790, %min3A_741 : vector<128x128xbf16>
    %min3A_809 = arith.minimumf %min3A_791, %max3A_742 : vector<128x128xbf16>
    %max3A_810 = arith.maximumf %min3A_791, %max3A_742 : vector<128x128xbf16>
    %min3A_811 = arith.minimumf %max3A_792, %min3A_743 : vector<128x128xbf16>
    %max3A_812 = arith.maximumf %max3A_792, %min3A_743 : vector<128x128xbf16>
    %min3A_813 = arith.minimumf %min3A_793, %max3A_744 : vector<128x128xbf16>
    %max3A_814 = arith.maximumf %min3A_793, %max3A_744 : vector<128x128xbf16>
    %min3A_815 = arith.minimumf %max3A_794, %min3A_745 : vector<128x128xbf16>
    %max3A_816 = arith.maximumf %max3A_794, %min3A_745 : vector<128x128xbf16>
    %min3A_817 = arith.minimumf %min3A_795, %max3A_746 : vector<128x128xbf16>
    %max3A_818 = arith.maximumf %min3A_795, %max3A_746 : vector<128x128xbf16>
    %min3A_819 = arith.minimumf %max3A_796, %min3A_747 : vector<128x128xbf16>
    %max3A_820 = arith.maximumf %max3A_796, %min3A_747 : vector<128x128xbf16>
    %min3A_821 = arith.minimumf %min3A_797, %max3A_748 : vector<128x128xbf16>
    %max3A_822 = arith.maximumf %min3A_797, %max3A_748 : vector<128x128xbf16>
    %min3A_823 = arith.minimumf %max3A_798, %min3A_749 : vector<128x128xbf16>
    %max3A_824 = arith.maximumf %max3A_798, %min3A_749 : vector<128x128xbf16>
    %min3A_825 = arith.minimumf %min3A_799, %max3A_750 : vector<128x128xbf16>
    %max3A_826 = arith.maximumf %min3A_799, %max3A_750 : vector<128x128xbf16>
    %min3A_827 = arith.minimumf %max3A_800, %min3A_751 : vector<128x128xbf16>
    %max3A_828 = arith.maximumf %max3A_800, %min3A_751 : vector<128x128xbf16>
    %min3A_829 = arith.minimumf %min3A_801, %max3A_752 : vector<128x128xbf16>
    %max3A_830 = arith.maximumf %min3A_801, %max3A_752 : vector<128x128xbf16>
    %min3A_831 = arith.minimumf %max3A_802, %max3A_730 : vector<128x128xbf16>
    %max3A_832 = arith.maximumf %max3A_802, %max3A_730 : vector<128x128xbf16>
    %min3A_833 = arith.minimumf %bitcast3A_228, %bitcast3A_235 : vector<128x128xbf16>
    %max3A_834 = arith.maximumf %bitcast3A_228, %bitcast3A_235 : vector<128x128xbf16>
    %min3A_835 = arith.minimumf %bitcast3A_242, %bitcast3A_249 : vector<128x128xbf16>
    %max3A_836 = arith.maximumf %bitcast3A_242, %bitcast3A_249 : vector<128x128xbf16>
    %min3A_837 = arith.minimumf %min3A_833, %min3A_835 : vector<128x128xbf16>
    %max3A_838 = arith.maximumf %min3A_833, %min3A_835 : vector<128x128xbf16>
    %min3A_839 = arith.minimumf %max3A_834, %max3A_836 : vector<128x128xbf16>
    %max3A_840 = arith.maximumf %max3A_834, %max3A_836 : vector<128x128xbf16>
    %min3A_841 = arith.minimumf %min3A_839, %max3A_838 : vector<128x128xbf16>
    %max3A_842 = arith.maximumf %min3A_839, %max3A_838 : vector<128x128xbf16>
    %min3A_843 = arith.minimumf %bitcast3A_256, %bitcast3A_263 : vector<128x128xbf16>
    %max3A_844 = arith.maximumf %bitcast3A_256, %bitcast3A_263 : vector<128x128xbf16>
    %min3A_845 = arith.minimumf %bitcast3A_270, %bitcast3A_277 : vector<128x128xbf16>
    %max3A_846 = arith.maximumf %bitcast3A_270, %bitcast3A_277 : vector<128x128xbf16>
    %min3A_847 = arith.minimumf %min3A_843, %min3A_845 : vector<128x128xbf16>
    %max3A_848 = arith.maximumf %min3A_843, %min3A_845 : vector<128x128xbf16>
    %min3A_849 = arith.minimumf %max3A_844, %max3A_846 : vector<128x128xbf16>
    %max3A_850 = arith.maximumf %max3A_844, %max3A_846 : vector<128x128xbf16>
    %min3A_851 = arith.minimumf %min3A_849, %max3A_848 : vector<128x128xbf16>
    %max3A_852 = arith.maximumf %min3A_849, %max3A_848 : vector<128x128xbf16>
    %min3A_853 = arith.minimumf %min3A_837, %min3A_847 : vector<128x128xbf16>
    %max3A_854 = arith.maximumf %min3A_837, %min3A_847 : vector<128x128xbf16>
    %min3A_855 = arith.minimumf %max3A_842, %max3A_852 : vector<128x128xbf16>
    %max3A_856 = arith.maximumf %max3A_842, %max3A_852 : vector<128x128xbf16>
    %min3A_857 = arith.minimumf %min3A_855, %max3A_854 : vector<128x128xbf16>
    %max3A_858 = arith.maximumf %min3A_855, %max3A_854 : vector<128x128xbf16>
    %min3A_859 = arith.minimumf %min3A_841, %min3A_851 : vector<128x128xbf16>
    %max3A_860 = arith.maximumf %min3A_841, %min3A_851 : vector<128x128xbf16>
    %min3A_861 = arith.minimumf %max3A_840, %max3A_850 : vector<128x128xbf16>
    %max3A_862 = arith.maximumf %max3A_840, %max3A_850 : vector<128x128xbf16>
    %min3A_863 = arith.minimumf %min3A_861, %max3A_860 : vector<128x128xbf16>
    %max3A_864 = arith.maximumf %min3A_861, %max3A_860 : vector<128x128xbf16>
    %min3A_865 = arith.minimumf %min3A_859, %min3A_857 : vector<128x128xbf16>
    %max3A_866 = arith.maximumf %min3A_859, %min3A_857 : vector<128x128xbf16>
    %min3A_867 = arith.minimumf %min3A_863, %max3A_858 : vector<128x128xbf16>
    %max3A_868 = arith.maximumf %min3A_863, %max3A_858 : vector<128x128xbf16>
    %min3A_869 = arith.minimumf %max3A_864, %max3A_856 : vector<128x128xbf16>
    %max3A_870 = arith.maximumf %max3A_864, %max3A_856 : vector<128x128xbf16>
    %min3A_871 = arith.minimumf %bitcast3A_284, %bitcast3A_291 : vector<128x128xbf16>
    %max3A_872 = arith.maximumf %bitcast3A_284, %bitcast3A_291 : vector<128x128xbf16>
    %min3A_873 = arith.minimumf %bitcast3A_298, %bitcast3A_305 : vector<128x128xbf16>
    %max3A_874 = arith.maximumf %bitcast3A_298, %bitcast3A_305 : vector<128x128xbf16>
    %min3A_875 = arith.minimumf %min3A_871, %min3A_873 : vector<128x128xbf16>
    %max3A_876 = arith.maximumf %min3A_871, %min3A_873 : vector<128x128xbf16>
    %min3A_877 = arith.minimumf %max3A_872, %max3A_874 : vector<128x128xbf16>
    %max3A_878 = arith.maximumf %max3A_872, %max3A_874 : vector<128x128xbf16>
    %min3A_879 = arith.minimumf %min3A_877, %max3A_876 : vector<128x128xbf16>
    %max3A_880 = arith.maximumf %min3A_877, %max3A_876 : vector<128x128xbf16>
    %min3A_881 = arith.minimumf %bitcast3A_312, %bitcast3A_319 : vector<128x128xbf16>
    %max3A_882 = arith.maximumf %bitcast3A_312, %bitcast3A_319 : vector<128x128xbf16>
    %min3A_883 = arith.minimumf %bitcast3A_326, %bitcast3A_333 : vector<128x128xbf16>
    %max3A_884 = arith.maximumf %bitcast3A_326, %bitcast3A_333 : vector<128x128xbf16>
    %min3A_885 = arith.minimumf %min3A_881, %min3A_883 : vector<128x128xbf16>
    %max3A_886 = arith.maximumf %min3A_881, %min3A_883 : vector<128x128xbf16>
    %min3A_887 = arith.minimumf %max3A_882, %max3A_884 : vector<128x128xbf16>
    %max3A_888 = arith.maximumf %max3A_882, %max3A_884 : vector<128x128xbf16>
    %min3A_889 = arith.minimumf %min3A_887, %max3A_886 : vector<128x128xbf16>
    %max3A_890 = arith.maximumf %min3A_887, %max3A_886 : vector<128x128xbf16>
    %min3A_891 = arith.minimumf %min3A_875, %min3A_885 : vector<128x128xbf16>
    %max3A_892 = arith.maximumf %min3A_875, %min3A_885 : vector<128x128xbf16>
    %min3A_893 = arith.minimumf %max3A_880, %max3A_890 : vector<128x128xbf16>
    %max3A_894 = arith.maximumf %max3A_880, %max3A_890 : vector<128x128xbf16>
    %min3A_895 = arith.minimumf %min3A_893, %max3A_892 : vector<128x128xbf16>
    %max3A_896 = arith.maximumf %min3A_893, %max3A_892 : vector<128x128xbf16>
    %min3A_897 = arith.minimumf %min3A_879, %min3A_889 : vector<128x128xbf16>
    %max3A_898 = arith.maximumf %min3A_879, %min3A_889 : vector<128x128xbf16>
    %min3A_899 = arith.minimumf %max3A_878, %max3A_888 : vector<128x128xbf16>
    %max3A_900 = arith.maximumf %max3A_878, %max3A_888 : vector<128x128xbf16>
    %min3A_901 = arith.minimumf %min3A_899, %max3A_898 : vector<128x128xbf16>
    %max3A_902 = arith.maximumf %min3A_899, %max3A_898 : vector<128x128xbf16>
    %min3A_903 = arith.minimumf %min3A_897, %min3A_895 : vector<128x128xbf16>
    %max3A_904 = arith.maximumf %min3A_897, %min3A_895 : vector<128x128xbf16>
    %min3A_905 = arith.minimumf %min3A_901, %max3A_896 : vector<128x128xbf16>
    %max3A_906 = arith.maximumf %min3A_901, %max3A_896 : vector<128x128xbf16>
    %min3A_907 = arith.minimumf %max3A_902, %max3A_894 : vector<128x128xbf16>
    %max3A_908 = arith.maximumf %max3A_902, %max3A_894 : vector<128x128xbf16>
    %min3A_909 = arith.minimumf %min3A_853, %min3A_891 : vector<128x128xbf16>
    %max3A_910 = arith.maximumf %min3A_853, %min3A_891 : vector<128x128xbf16>
    %min3A_911 = arith.minimumf %max3A_868, %max3A_906 : vector<128x128xbf16>
    %max3A_912 = arith.maximumf %max3A_868, %max3A_906 : vector<128x128xbf16>
    %min3A_913 = arith.minimumf %min3A_911, %max3A_910 : vector<128x128xbf16>
    %max3A_914 = arith.maximumf %min3A_911, %max3A_910 : vector<128x128xbf16>
    %min3A_915 = arith.minimumf %max3A_866, %max3A_904 : vector<128x128xbf16>
    %max3A_916 = arith.maximumf %max3A_866, %max3A_904 : vector<128x128xbf16>
    %min3A_917 = arith.minimumf %max3A_870, %max3A_908 : vector<128x128xbf16>
    %max3A_918 = arith.maximumf %max3A_870, %max3A_908 : vector<128x128xbf16>
    %min3A_919 = arith.minimumf %min3A_917, %max3A_916 : vector<128x128xbf16>
    %max3A_920 = arith.maximumf %min3A_917, %max3A_916 : vector<128x128xbf16>
    %min3A_921 = arith.minimumf %min3A_915, %min3A_913 : vector<128x128xbf16>
    %max3A_922 = arith.maximumf %min3A_915, %min3A_913 : vector<128x128xbf16>
    %min3A_923 = arith.minimumf %min3A_919, %max3A_914 : vector<128x128xbf16>
    %max3A_924 = arith.maximumf %min3A_919, %max3A_914 : vector<128x128xbf16>
    %min3A_925 = arith.minimumf %max3A_920, %max3A_912 : vector<128x128xbf16>
    %max3A_926 = arith.maximumf %max3A_920, %max3A_912 : vector<128x128xbf16>
    %min3A_927 = arith.minimumf %min3A_865, %min3A_903 : vector<128x128xbf16>
    %max3A_928 = arith.maximumf %min3A_865, %min3A_903 : vector<128x128xbf16>
    %min3A_929 = arith.minimumf %min3A_869, %min3A_907 : vector<128x128xbf16>
    %max3A_930 = arith.maximumf %min3A_869, %min3A_907 : vector<128x128xbf16>
    %min3A_931 = arith.minimumf %min3A_929, %max3A_928 : vector<128x128xbf16>
    %max3A_932 = arith.maximumf %min3A_929, %max3A_928 : vector<128x128xbf16>
    %min3A_933 = arith.minimumf %min3A_867, %min3A_905 : vector<128x128xbf16>
    %max3A_934 = arith.maximumf %min3A_867, %min3A_905 : vector<128x128xbf16>
    %min3A_935 = arith.minimumf %max3A_862, %max3A_900 : vector<128x128xbf16>
    %max3A_936 = arith.maximumf %max3A_862, %max3A_900 : vector<128x128xbf16>
    %min3A_937 = arith.minimumf %min3A_935, %max3A_934 : vector<128x128xbf16>
    %max3A_938 = arith.maximumf %min3A_935, %max3A_934 : vector<128x128xbf16>
    %min3A_939 = arith.minimumf %min3A_933, %min3A_931 : vector<128x128xbf16>
    %max3A_940 = arith.maximumf %min3A_933, %min3A_931 : vector<128x128xbf16>
    %min3A_941 = arith.minimumf %min3A_937, %max3A_932 : vector<128x128xbf16>
    %max3A_942 = arith.maximumf %min3A_937, %max3A_932 : vector<128x128xbf16>
    %min3A_943 = arith.minimumf %max3A_938, %max3A_930 : vector<128x128xbf16>
    %max3A_944 = arith.maximumf %max3A_938, %max3A_930 : vector<128x128xbf16>
    %min3A_945 = arith.minimumf %min3A_927, %min3A_921 : vector<128x128xbf16>
    %max3A_946 = arith.maximumf %min3A_927, %min3A_921 : vector<128x128xbf16>
    %min3A_947 = arith.minimumf %min3A_939, %max3A_922 : vector<128x128xbf16>
    %max3A_948 = arith.maximumf %min3A_939, %max3A_922 : vector<128x128xbf16>
    %min3A_949 = arith.minimumf %max3A_940, %min3A_923 : vector<128x128xbf16>
    %max3A_950 = arith.maximumf %max3A_940, %min3A_923 : vector<128x128xbf16>
    %min3A_951 = arith.minimumf %min3A_941, %max3A_924 : vector<128x128xbf16>
    %max3A_952 = arith.maximumf %min3A_941, %max3A_924 : vector<128x128xbf16>
    %min3A_953 = arith.minimumf %max3A_942, %min3A_925 : vector<128x128xbf16>
    %max3A_954 = arith.maximumf %max3A_942, %min3A_925 : vector<128x128xbf16>
    %min3A_955 = arith.minimumf %min3A_943, %max3A_926 : vector<128x128xbf16>
    %max3A_956 = arith.maximumf %min3A_943, %max3A_926 : vector<128x128xbf16>
    %min3A_957 = arith.minimumf %max3A_944, %max3A_918 : vector<128x128xbf16>
    %max3A_958 = arith.maximumf %max3A_944, %max3A_918 : vector<128x128xbf16>
    %min3A_959 = arith.minimumf %bitcast3A_340, %bitcast3A_347 : vector<128x128xbf16>
    %max3A_960 = arith.maximumf %bitcast3A_340, %bitcast3A_347 : vector<128x128xbf16>
    %min3A_961 = arith.minimumf %bitcast3A_354, %bitcast3A_361 : vector<128x128xbf16>
    %max3A_962 = arith.maximumf %bitcast3A_354, %bitcast3A_361 : vector<128x128xbf16>
    %min3A_963 = arith.minimumf %min3A_959, %min3A_961 : vector<128x128xbf16>
    %max3A_964 = arith.maximumf %min3A_959, %min3A_961 : vector<128x128xbf16>
    %min3A_965 = arith.minimumf %max3A_960, %max3A_962 : vector<128x128xbf16>
    %max3A_966 = arith.maximumf %max3A_960, %max3A_962 : vector<128x128xbf16>
    %min3A_967 = arith.minimumf %min3A_965, %max3A_964 : vector<128x128xbf16>
    %max3A_968 = arith.maximumf %min3A_965, %max3A_964 : vector<128x128xbf16>
    %min3A_969 = arith.minimumf %bitcast3A_368, %bitcast3A_375 : vector<128x128xbf16>
    %max3A_970 = arith.maximumf %bitcast3A_368, %bitcast3A_375 : vector<128x128xbf16>
    %min3A_971 = arith.minimumf %bitcast3A_382, %bitcast3A_389 : vector<128x128xbf16>
    %max3A_972 = arith.maximumf %bitcast3A_382, %bitcast3A_389 : vector<128x128xbf16>
    %min3A_973 = arith.minimumf %min3A_969, %min3A_971 : vector<128x128xbf16>
    %max3A_974 = arith.maximumf %min3A_969, %min3A_971 : vector<128x128xbf16>
    %min3A_975 = arith.minimumf %max3A_970, %max3A_972 : vector<128x128xbf16>
    %max3A_976 = arith.maximumf %max3A_970, %max3A_972 : vector<128x128xbf16>
    %min3A_977 = arith.minimumf %min3A_975, %max3A_974 : vector<128x128xbf16>
    %max3A_978 = arith.maximumf %min3A_975, %max3A_974 : vector<128x128xbf16>
    %min3A_979 = arith.minimumf %min3A_963, %min3A_973 : vector<128x128xbf16>
    %max3A_980 = arith.maximumf %min3A_963, %min3A_973 : vector<128x128xbf16>
    %min3A_981 = arith.minimumf %max3A_968, %max3A_978 : vector<128x128xbf16>
    %max3A_982 = arith.maximumf %max3A_968, %max3A_978 : vector<128x128xbf16>
    %min3A_983 = arith.minimumf %min3A_981, %max3A_980 : vector<128x128xbf16>
    %max3A_984 = arith.maximumf %min3A_981, %max3A_980 : vector<128x128xbf16>
    %min3A_985 = arith.minimumf %min3A_967, %min3A_977 : vector<128x128xbf16>
    %max3A_986 = arith.maximumf %min3A_967, %min3A_977 : vector<128x128xbf16>
    %min3A_987 = arith.minimumf %max3A_966, %max3A_976 : vector<128x128xbf16>
    %max3A_988 = arith.maximumf %max3A_966, %max3A_976 : vector<128x128xbf16>
    %min3A_989 = arith.minimumf %min3A_987, %max3A_986 : vector<128x128xbf16>
    %max3A_990 = arith.maximumf %min3A_987, %max3A_986 : vector<128x128xbf16>
    %min3A_991 = arith.minimumf %min3A_985, %min3A_983 : vector<128x128xbf16>
    %max3A_992 = arith.maximumf %min3A_985, %min3A_983 : vector<128x128xbf16>
    %min3A_993 = arith.minimumf %min3A_989, %max3A_984 : vector<128x128xbf16>
    %max3A_994 = arith.maximumf %min3A_989, %max3A_984 : vector<128x128xbf16>
    %min3A_995 = arith.minimumf %max3A_990, %max3A_982 : vector<128x128xbf16>
    %max3A_996 = arith.maximumf %max3A_990, %max3A_982 : vector<128x128xbf16>
    %min3A_997 = arith.minimumf %bitcast3A_396, %bitcast3A_403 : vector<128x128xbf16>
    %max3A_998 = arith.maximumf %bitcast3A_396, %bitcast3A_403 : vector<128x128xbf16>
    %min3A_999 = arith.minimumf %bitcast3A_410, %bitcast3A_417 : vector<128x128xbf16>
    %max3A_1000 = arith.maximumf %bitcast3A_410, %bitcast3A_417 : vector<128x128xbf16>
    %min3A_1001 = arith.minimumf %min3A_997, %min3A_999 : vector<128x128xbf16>
    %max3A_1002 = arith.maximumf %min3A_997, %min3A_999 : vector<128x128xbf16>
    %min3A_1003 = arith.minimumf %max3A_998, %max3A_1000 : vector<128x128xbf16>
    %max3A_1004 = arith.maximumf %max3A_998, %max3A_1000 : vector<128x128xbf16>
    %min3A_1005 = arith.minimumf %min3A_1003, %max3A_1002 : vector<128x128xbf16>
    %max3A_1006 = arith.maximumf %min3A_1003, %max3A_1002 : vector<128x128xbf16>
    %min3A_1007 = arith.minimumf %bitcast3A_424, %bitcast3A_431 : vector<128x128xbf16>
    %max3A_1008 = arith.maximumf %bitcast3A_424, %bitcast3A_431 : vector<128x128xbf16>
    %min3A_1009 = arith.minimumf %bitcast3A_438, %bitcast3A_445 : vector<128x128xbf16>
    %max3A_1010 = arith.maximumf %bitcast3A_438, %bitcast3A_445 : vector<128x128xbf16>
    %min3A_1011 = arith.minimumf %min3A_1007, %min3A_1009 : vector<128x128xbf16>
    %max3A_1012 = arith.maximumf %min3A_1007, %min3A_1009 : vector<128x128xbf16>
    %min3A_1013 = arith.minimumf %max3A_1008, %max3A_1010 : vector<128x128xbf16>
    %max3A_1014 = arith.maximumf %max3A_1008, %max3A_1010 : vector<128x128xbf16>
    %min3A_1015 = arith.minimumf %min3A_1013, %max3A_1012 : vector<128x128xbf16>
    %max3A_1016 = arith.maximumf %min3A_1013, %max3A_1012 : vector<128x128xbf16>
    %min3A_1017 = arith.minimumf %min3A_1001, %min3A_1011 : vector<128x128xbf16>
    %max3A_1018 = arith.maximumf %min3A_1001, %min3A_1011 : vector<128x128xbf16>
    %min3A_1019 = arith.minimumf %max3A_1006, %max3A_1016 : vector<128x128xbf16>
    %max3A_1020 = arith.maximumf %max3A_1006, %max3A_1016 : vector<128x128xbf16>
    %min3A_1021 = arith.minimumf %min3A_1019, %max3A_1018 : vector<128x128xbf16>
    %max3A_1022 = arith.maximumf %min3A_1019, %max3A_1018 : vector<128x128xbf16>
    %min3A_1023 = arith.minimumf %min3A_1005, %min3A_1015 : vector<128x128xbf16>
    %max3A_1024 = arith.maximumf %min3A_1005, %min3A_1015 : vector<128x128xbf16>
    %min3A_1025 = arith.minimumf %max3A_1004, %max3A_1014 : vector<128x128xbf16>
    %max3A_1026 = arith.maximumf %max3A_1004, %max3A_1014 : vector<128x128xbf16>
    %min3A_1027 = arith.minimumf %min3A_1025, %max3A_1024 : vector<128x128xbf16>
    %max3A_1028 = arith.maximumf %min3A_1025, %max3A_1024 : vector<128x128xbf16>
    %min3A_1029 = arith.minimumf %min3A_1023, %min3A_1021 : vector<128x128xbf16>
    %max3A_1030 = arith.maximumf %min3A_1023, %min3A_1021 : vector<128x128xbf16>
    %min3A_1031 = arith.minimumf %min3A_1027, %max3A_1022 : vector<128x128xbf16>
    %max3A_1032 = arith.maximumf %min3A_1027, %max3A_1022 : vector<128x128xbf16>
    %min3A_1033 = arith.minimumf %max3A_1028, %max3A_1020 : vector<128x128xbf16>
    %max3A_1034 = arith.maximumf %max3A_1028, %max3A_1020 : vector<128x128xbf16>
    %min3A_1035 = arith.minimumf %min3A_979, %min3A_1017 : vector<128x128xbf16>
    %max3A_1036 = arith.maximumf %min3A_979, %min3A_1017 : vector<128x128xbf16>
    %min3A_1037 = arith.minimumf %max3A_994, %max3A_1032 : vector<128x128xbf16>
    %max3A_1038 = arith.maximumf %max3A_994, %max3A_1032 : vector<128x128xbf16>
    %min3A_1039 = arith.minimumf %min3A_1037, %max3A_1036 : vector<128x128xbf16>
    %max3A_1040 = arith.maximumf %min3A_1037, %max3A_1036 : vector<128x128xbf16>
    %min3A_1041 = arith.minimumf %max3A_992, %max3A_1030 : vector<128x128xbf16>
    %max3A_1042 = arith.maximumf %max3A_992, %max3A_1030 : vector<128x128xbf16>
    %min3A_1043 = arith.minimumf %max3A_996, %max3A_1034 : vector<128x128xbf16>
    %max3A_1044 = arith.maximumf %max3A_996, %max3A_1034 : vector<128x128xbf16>
    %min3A_1045 = arith.minimumf %min3A_1043, %max3A_1042 : vector<128x128xbf16>
    %max3A_1046 = arith.maximumf %min3A_1043, %max3A_1042 : vector<128x128xbf16>
    %min3A_1047 = arith.minimumf %min3A_1041, %min3A_1039 : vector<128x128xbf16>
    %max3A_1048 = arith.maximumf %min3A_1041, %min3A_1039 : vector<128x128xbf16>
    %min3A_1049 = arith.minimumf %min3A_1045, %max3A_1040 : vector<128x128xbf16>
    %max3A_1050 = arith.maximumf %min3A_1045, %max3A_1040 : vector<128x128xbf16>
    %min3A_1051 = arith.minimumf %max3A_1046, %max3A_1038 : vector<128x128xbf16>
    %max3A_1052 = arith.maximumf %max3A_1046, %max3A_1038 : vector<128x128xbf16>
    %min3A_1053 = arith.minimumf %min3A_991, %min3A_1029 : vector<128x128xbf16>
    %max3A_1054 = arith.maximumf %min3A_991, %min3A_1029 : vector<128x128xbf16>
    %min3A_1055 = arith.minimumf %min3A_995, %min3A_1033 : vector<128x128xbf16>
    %max3A_1056 = arith.maximumf %min3A_995, %min3A_1033 : vector<128x128xbf16>
    %min3A_1057 = arith.minimumf %min3A_1055, %max3A_1054 : vector<128x128xbf16>
    %max3A_1058 = arith.maximumf %min3A_1055, %max3A_1054 : vector<128x128xbf16>
    %min3A_1059 = arith.minimumf %min3A_993, %min3A_1031 : vector<128x128xbf16>
    %max3A_1060 = arith.maximumf %min3A_993, %min3A_1031 : vector<128x128xbf16>
    %min3A_1061 = arith.minimumf %max3A_988, %max3A_1026 : vector<128x128xbf16>
    %max3A_1062 = arith.maximumf %max3A_988, %max3A_1026 : vector<128x128xbf16>
    %min3A_1063 = arith.minimumf %min3A_1061, %max3A_1060 : vector<128x128xbf16>
    %max3A_1064 = arith.maximumf %min3A_1061, %max3A_1060 : vector<128x128xbf16>
    %min3A_1065 = arith.minimumf %min3A_1059, %min3A_1057 : vector<128x128xbf16>
    %max3A_1066 = arith.maximumf %min3A_1059, %min3A_1057 : vector<128x128xbf16>
    %min3A_1067 = arith.minimumf %min3A_1063, %max3A_1058 : vector<128x128xbf16>
    %max3A_1068 = arith.maximumf %min3A_1063, %max3A_1058 : vector<128x128xbf16>
    %min3A_1069 = arith.minimumf %max3A_1064, %max3A_1056 : vector<128x128xbf16>
    %max3A_1070 = arith.maximumf %max3A_1064, %max3A_1056 : vector<128x128xbf16>
    %min3A_1071 = arith.minimumf %min3A_1053, %min3A_1047 : vector<128x128xbf16>
    %max3A_1072 = arith.maximumf %min3A_1053, %min3A_1047 : vector<128x128xbf16>
    %min3A_1073 = arith.minimumf %min3A_1065, %max3A_1048 : vector<128x128xbf16>
    %max3A_1074 = arith.maximumf %min3A_1065, %max3A_1048 : vector<128x128xbf16>
    %min3A_1075 = arith.minimumf %max3A_1066, %min3A_1049 : vector<128x128xbf16>
    %max3A_1076 = arith.maximumf %max3A_1066, %min3A_1049 : vector<128x128xbf16>
    %min3A_1077 = arith.minimumf %min3A_1067, %max3A_1050 : vector<128x128xbf16>
    %max3A_1078 = arith.maximumf %min3A_1067, %max3A_1050 : vector<128x128xbf16>
    %min3A_1079 = arith.minimumf %max3A_1068, %min3A_1051 : vector<128x128xbf16>
    %max3A_1080 = arith.maximumf %max3A_1068, %min3A_1051 : vector<128x128xbf16>
    %min3A_1081 = arith.minimumf %min3A_1069, %max3A_1052 : vector<128x128xbf16>
    %max3A_1082 = arith.maximumf %min3A_1069, %max3A_1052 : vector<128x128xbf16>
    %min3A_1083 = arith.minimumf %max3A_1070, %max3A_1044 : vector<128x128xbf16>
    %max3A_1084 = arith.maximumf %max3A_1070, %max3A_1044 : vector<128x128xbf16>
    %min3A_1085 = arith.minimumf %min3A_909, %min3A_1035 : vector<128x128xbf16>
    %max3A_1086 = arith.maximumf %min3A_909, %min3A_1035 : vector<128x128xbf16>
    %min3A_1087 = arith.minimumf %max3A_952, %max3A_1078 : vector<128x128xbf16>
    %max3A_1088 = arith.maximumf %max3A_952, %max3A_1078 : vector<128x128xbf16>
    %min3A_1089 = arith.minimumf %min3A_1087, %max3A_1086 : vector<128x128xbf16>
    %max3A_1090 = arith.maximumf %min3A_1087, %max3A_1086 : vector<128x128xbf16>
    %min3A_1091 = arith.minimumf %max3A_948, %max3A_1074 : vector<128x128xbf16>
    %max3A_1092 = arith.maximumf %max3A_948, %max3A_1074 : vector<128x128xbf16>
    %min3A_1093 = arith.minimumf %max3A_956, %max3A_1082 : vector<128x128xbf16>
    %max3A_1094 = arith.maximumf %max3A_956, %max3A_1082 : vector<128x128xbf16>
    %min3A_1095 = arith.minimumf %min3A_1093, %max3A_1092 : vector<128x128xbf16>
    %max3A_1096 = arith.maximumf %min3A_1093, %max3A_1092 : vector<128x128xbf16>
    %min3A_1097 = arith.minimumf %min3A_1091, %min3A_1089 : vector<128x128xbf16>
    %max3A_1098 = arith.maximumf %min3A_1091, %min3A_1089 : vector<128x128xbf16>
    %min3A_1099 = arith.minimumf %min3A_1095, %max3A_1090 : vector<128x128xbf16>
    %max3A_1100 = arith.maximumf %min3A_1095, %max3A_1090 : vector<128x128xbf16>
    %min3A_1101 = arith.minimumf %max3A_1096, %max3A_1088 : vector<128x128xbf16>
    %max3A_1102 = arith.maximumf %max3A_1096, %max3A_1088 : vector<128x128xbf16>
    %min3A_1103 = arith.minimumf %max3A_946, %max3A_1072 : vector<128x128xbf16>
    %max3A_1104 = arith.maximumf %max3A_946, %max3A_1072 : vector<128x128xbf16>
    %min3A_1105 = arith.minimumf %max3A_954, %max3A_1080 : vector<128x128xbf16>
    %max3A_1106 = arith.maximumf %max3A_954, %max3A_1080 : vector<128x128xbf16>
    %min3A_1107 = arith.minimumf %min3A_1105, %max3A_1104 : vector<128x128xbf16>
    %max3A_1108 = arith.maximumf %min3A_1105, %max3A_1104 : vector<128x128xbf16>
    %min3A_1109 = arith.minimumf %max3A_950, %max3A_1076 : vector<128x128xbf16>
    %max3A_1110 = arith.maximumf %max3A_950, %max3A_1076 : vector<128x128xbf16>
    %min3A_1111 = arith.minimumf %max3A_958, %max3A_1084 : vector<128x128xbf16>
    %max3A_1112 = arith.maximumf %max3A_958, %max3A_1084 : vector<128x128xbf16>
    %min3A_1113 = arith.minimumf %min3A_1111, %max3A_1110 : vector<128x128xbf16>
    %max3A_1114 = arith.maximumf %min3A_1111, %max3A_1110 : vector<128x128xbf16>
    %min3A_1115 = arith.minimumf %min3A_1109, %min3A_1107 : vector<128x128xbf16>
    %max3A_1116 = arith.maximumf %min3A_1109, %min3A_1107 : vector<128x128xbf16>
    %min3A_1117 = arith.minimumf %min3A_1113, %max3A_1108 : vector<128x128xbf16>
    %max3A_1118 = arith.maximumf %min3A_1113, %max3A_1108 : vector<128x128xbf16>
    %min3A_1119 = arith.minimumf %max3A_1114, %max3A_1106 : vector<128x128xbf16>
    %max3A_1120 = arith.maximumf %max3A_1114, %max3A_1106 : vector<128x128xbf16>
    %min3A_1121 = arith.minimumf %min3A_1103, %min3A_1097 : vector<128x128xbf16>
    %max3A_1122 = arith.maximumf %min3A_1103, %min3A_1097 : vector<128x128xbf16>
    %min3A_1123 = arith.minimumf %min3A_1115, %max3A_1098 : vector<128x128xbf16>
    %max3A_1124 = arith.maximumf %min3A_1115, %max3A_1098 : vector<128x128xbf16>
    %min3A_1125 = arith.minimumf %max3A_1116, %min3A_1099 : vector<128x128xbf16>
    %max3A_1126 = arith.maximumf %max3A_1116, %min3A_1099 : vector<128x128xbf16>
    %min3A_1127 = arith.minimumf %min3A_1117, %max3A_1100 : vector<128x128xbf16>
    %max3A_1128 = arith.maximumf %min3A_1117, %max3A_1100 : vector<128x128xbf16>
    %min3A_1129 = arith.minimumf %max3A_1118, %min3A_1101 : vector<128x128xbf16>
    %max3A_1130 = arith.maximumf %max3A_1118, %min3A_1101 : vector<128x128xbf16>
    %min3A_1131 = arith.minimumf %min3A_1119, %max3A_1102 : vector<128x128xbf16>
    %max3A_1132 = arith.maximumf %min3A_1119, %max3A_1102 : vector<128x128xbf16>
    %min3A_1133 = arith.minimumf %max3A_1120, %max3A_1094 : vector<128x128xbf16>
    %max3A_1134 = arith.maximumf %max3A_1120, %max3A_1094 : vector<128x128xbf16>
    %min3A_1135 = arith.minimumf %min3A_945, %min3A_1071 : vector<128x128xbf16>
    %max3A_1136 = arith.maximumf %min3A_945, %min3A_1071 : vector<128x128xbf16>
    %min3A_1137 = arith.minimumf %min3A_953, %min3A_1079 : vector<128x128xbf16>
    %max3A_1138 = arith.maximumf %min3A_953, %min3A_1079 : vector<128x128xbf16>
    %min3A_1139 = arith.minimumf %min3A_1137, %max3A_1136 : vector<128x128xbf16>
    %max3A_1140 = arith.maximumf %min3A_1137, %max3A_1136 : vector<128x128xbf16>
    %min3A_1141 = arith.minimumf %min3A_949, %min3A_1075 : vector<128x128xbf16>
    %max3A_1142 = arith.maximumf %min3A_949, %min3A_1075 : vector<128x128xbf16>
    %min3A_1143 = arith.minimumf %min3A_957, %min3A_1083 : vector<128x128xbf16>
    %max3A_1144 = arith.maximumf %min3A_957, %min3A_1083 : vector<128x128xbf16>
    %min3A_1145 = arith.minimumf %min3A_1143, %max3A_1142 : vector<128x128xbf16>
    %max3A_1146 = arith.maximumf %min3A_1143, %max3A_1142 : vector<128x128xbf16>
    %min3A_1147 = arith.minimumf %min3A_1141, %min3A_1139 : vector<128x128xbf16>
    %max3A_1148 = arith.maximumf %min3A_1141, %min3A_1139 : vector<128x128xbf16>
    %min3A_1149 = arith.minimumf %min3A_1145, %max3A_1140 : vector<128x128xbf16>
    %max3A_1150 = arith.maximumf %min3A_1145, %max3A_1140 : vector<128x128xbf16>
    %min3A_1151 = arith.minimumf %max3A_1146, %max3A_1138 : vector<128x128xbf16>
    %max3A_1152 = arith.maximumf %max3A_1146, %max3A_1138 : vector<128x128xbf16>
    %min3A_1153 = arith.minimumf %min3A_947, %min3A_1073 : vector<128x128xbf16>
    %max3A_1154 = arith.maximumf %min3A_947, %min3A_1073 : vector<128x128xbf16>
    %min3A_1155 = arith.minimumf %min3A_955, %min3A_1081 : vector<128x128xbf16>
    %max3A_1156 = arith.maximumf %min3A_955, %min3A_1081 : vector<128x128xbf16>
    %min3A_1157 = arith.minimumf %min3A_1155, %max3A_1154 : vector<128x128xbf16>
    %max3A_1158 = arith.maximumf %min3A_1155, %max3A_1154 : vector<128x128xbf16>
    %min3A_1159 = arith.minimumf %min3A_951, %min3A_1077 : vector<128x128xbf16>
    %max3A_1160 = arith.maximumf %min3A_951, %min3A_1077 : vector<128x128xbf16>
    %min3A_1161 = arith.minimumf %max3A_936, %max3A_1062 : vector<128x128xbf16>
    %max3A_1162 = arith.maximumf %max3A_936, %max3A_1062 : vector<128x128xbf16>
    %min3A_1163 = arith.minimumf %min3A_1161, %max3A_1160 : vector<128x128xbf16>
    %max3A_1164 = arith.maximumf %min3A_1161, %max3A_1160 : vector<128x128xbf16>
    %min3A_1165 = arith.minimumf %min3A_1159, %min3A_1157 : vector<128x128xbf16>
    %max3A_1166 = arith.maximumf %min3A_1159, %min3A_1157 : vector<128x128xbf16>
    %min3A_1167 = arith.minimumf %min3A_1163, %max3A_1158 : vector<128x128xbf16>
    %max3A_1168 = arith.maximumf %min3A_1163, %max3A_1158 : vector<128x128xbf16>
    %min3A_1169 = arith.minimumf %max3A_1164, %max3A_1156 : vector<128x128xbf16>
    %max3A_1170 = arith.maximumf %max3A_1164, %max3A_1156 : vector<128x128xbf16>
    %min3A_1171 = arith.minimumf %min3A_1153, %min3A_1147 : vector<128x128xbf16>
    %max3A_1172 = arith.maximumf %min3A_1153, %min3A_1147 : vector<128x128xbf16>
    %min3A_1173 = arith.minimumf %min3A_1165, %max3A_1148 : vector<128x128xbf16>
    %max3A_1174 = arith.maximumf %min3A_1165, %max3A_1148 : vector<128x128xbf16>
    %min3A_1175 = arith.minimumf %max3A_1166, %min3A_1149 : vector<128x128xbf16>
    %max3A_1176 = arith.maximumf %max3A_1166, %min3A_1149 : vector<128x128xbf16>
    %min3A_1177 = arith.minimumf %min3A_1167, %max3A_1150 : vector<128x128xbf16>
    %max3A_1178 = arith.maximumf %min3A_1167, %max3A_1150 : vector<128x128xbf16>
    %min3A_1179 = arith.minimumf %max3A_1168, %min3A_1151 : vector<128x128xbf16>
    %max3A_1180 = arith.maximumf %max3A_1168, %min3A_1151 : vector<128x128xbf16>
    %min3A_1181 = arith.minimumf %min3A_1169, %max3A_1152 : vector<128x128xbf16>
    %max3A_1182 = arith.maximumf %min3A_1169, %max3A_1152 : vector<128x128xbf16>
    %min3A_1183 = arith.minimumf %max3A_1170, %max3A_1144 : vector<128x128xbf16>
    %max3A_1184 = arith.maximumf %max3A_1170, %max3A_1144 : vector<128x128xbf16>
    %min3A_1185 = arith.minimumf %min3A_1135, %min3A_1121 : vector<128x128xbf16>
    %max3A_1186 = arith.maximumf %min3A_1135, %min3A_1121 : vector<128x128xbf16>
    %min3A_1187 = arith.minimumf %min3A_1171, %max3A_1122 : vector<128x128xbf16>
    %max3A_1188 = arith.maximumf %min3A_1171, %max3A_1122 : vector<128x128xbf16>
    %min3A_1189 = arith.minimumf %max3A_1172, %min3A_1123 : vector<128x128xbf16>
    %max3A_1190 = arith.maximumf %max3A_1172, %min3A_1123 : vector<128x128xbf16>
    %min3A_1191 = arith.minimumf %min3A_1173, %max3A_1124 : vector<128x128xbf16>
    %max3A_1192 = arith.maximumf %min3A_1173, %max3A_1124 : vector<128x128xbf16>
    %min3A_1193 = arith.minimumf %max3A_1174, %min3A_1125 : vector<128x128xbf16>
    %max3A_1194 = arith.maximumf %max3A_1174, %min3A_1125 : vector<128x128xbf16>
    %min3A_1195 = arith.minimumf %min3A_1175, %max3A_1126 : vector<128x128xbf16>
    %max3A_1196 = arith.maximumf %min3A_1175, %max3A_1126 : vector<128x128xbf16>
    %min3A_1197 = arith.minimumf %max3A_1176, %min3A_1127 : vector<128x128xbf16>
    %max3A_1198 = arith.maximumf %max3A_1176, %min3A_1127 : vector<128x128xbf16>
    %min3A_1199 = arith.minimumf %min3A_1177, %max3A_1128 : vector<128x128xbf16>
    %max3A_1200 = arith.maximumf %min3A_1177, %max3A_1128 : vector<128x128xbf16>
    %min3A_1201 = arith.minimumf %max3A_1178, %min3A_1129 : vector<128x128xbf16>
    %max3A_1202 = arith.maximumf %max3A_1178, %min3A_1129 : vector<128x128xbf16>
    %min3A_1203 = arith.minimumf %min3A_1179, %max3A_1130 : vector<128x128xbf16>
    %max3A_1204 = arith.maximumf %min3A_1179, %max3A_1130 : vector<128x128xbf16>
    %min3A_1205 = arith.minimumf %max3A_1180, %min3A_1131 : vector<128x128xbf16>
    %max3A_1206 = arith.maximumf %max3A_1180, %min3A_1131 : vector<128x128xbf16>
    %min3A_1207 = arith.minimumf %min3A_1181, %max3A_1132 : vector<128x128xbf16>
    %max3A_1208 = arith.maximumf %min3A_1181, %max3A_1132 : vector<128x128xbf16>
    %min3A_1209 = arith.minimumf %max3A_1182, %min3A_1133 : vector<128x128xbf16>
    %max3A_1210 = arith.maximumf %max3A_1182, %min3A_1133 : vector<128x128xbf16>
    %min3A_1211 = arith.minimumf %min3A_1183, %max3A_1134 : vector<128x128xbf16>
    %max3A_1212 = arith.maximumf %min3A_1183, %max3A_1134 : vector<128x128xbf16>
    %min3A_1213 = arith.minimumf %max3A_1184, %max3A_1112 : vector<128x128xbf16>
    %max3A_1214 = arith.maximumf %max3A_1184, %max3A_1112 : vector<128x128xbf16>
    %min3A_1215 = arith.minimumf %max3A_1162, %max3A_780 : vector<128x128xbf16>
    %max3A_1216 = arith.maximumf %min3A_703, %max3A_1214 : vector<128x128xbf16>
    %min3A_1217 = arith.minimumf %min3A_1215, %max3A_1216 : vector<128x128xbf16>
    %max3A_1218 = arith.maximumf %min3A_803, %min3A_1213 : vector<128x128xbf16>
    %min3A_1219 = arith.minimumf %min3A_1217, %max3A_1218 : vector<128x128xbf16>
    %max3A_1220 = arith.maximumf %max3A_804, %max3A_1212 : vector<128x128xbf16>
    %min3A_1221 = arith.minimumf %min3A_1219, %max3A_1220 : vector<128x128xbf16>
    %max3A_1222 = arith.maximumf %min3A_805, %min3A_1211 : vector<128x128xbf16>
    %min3A_1223 = arith.minimumf %min3A_1221, %max3A_1222 : vector<128x128xbf16>
    %max3A_1224 = arith.maximumf %max3A_806, %max3A_1210 : vector<128x128xbf16>
    %min3A_1225 = arith.minimumf %min3A_1223, %max3A_1224 : vector<128x128xbf16>
    %max3A_1226 = arith.maximumf %min3A_807, %min3A_1209 : vector<128x128xbf16>
    %min3A_1227 = arith.minimumf %min3A_1225, %max3A_1226 : vector<128x128xbf16>
    %max3A_1228 = arith.maximumf %max3A_808, %max3A_1208 : vector<128x128xbf16>
    %min3A_1229 = arith.minimumf %min3A_1227, %max3A_1228 : vector<128x128xbf16>
    %max3A_1230 = arith.maximumf %min3A_809, %min3A_1207 : vector<128x128xbf16>
    %min3A_1231 = arith.minimumf %min3A_1229, %max3A_1230 : vector<128x128xbf16>
    %max3A_1232 = arith.maximumf %max3A_810, %max3A_1206 : vector<128x128xbf16>
    %min3A_1233 = arith.minimumf %min3A_1231, %max3A_1232 : vector<128x128xbf16>
    %max3A_1234 = arith.maximumf %min3A_811, %min3A_1205 : vector<128x128xbf16>
    %min3A_1235 = arith.minimumf %min3A_1233, %max3A_1234 : vector<128x128xbf16>
    %max3A_1236 = arith.maximumf %max3A_812, %max3A_1204 : vector<128x128xbf16>
    %min3A_1237 = arith.minimumf %min3A_1235, %max3A_1236 : vector<128x128xbf16>
    %max3A_1238 = arith.maximumf %min3A_813, %min3A_1203 : vector<128x128xbf16>
    %min3A_1239 = arith.minimumf %min3A_1237, %max3A_1238 : vector<128x128xbf16>
    %max3A_1240 = arith.maximumf %max3A_814, %max3A_1202 : vector<128x128xbf16>
    %min3A_1241 = arith.minimumf %min3A_1239, %max3A_1240 : vector<128x128xbf16>
    %max3A_1242 = arith.maximumf %min3A_815, %min3A_1201 : vector<128x128xbf16>
    %min3A_1243 = arith.minimumf %min3A_1241, %max3A_1242 : vector<128x128xbf16>
    %max3A_1244 = arith.maximumf %max3A_816, %max3A_1200 : vector<128x128xbf16>
    %min3A_1245 = arith.minimumf %min3A_1243, %max3A_1244 : vector<128x128xbf16>
    %max3A_1246 = arith.maximumf %min3A_817, %min3A_1199 : vector<128x128xbf16>
    %min3A_1247 = arith.minimumf %min3A_1245, %max3A_1246 : vector<128x128xbf16>
    %max3A_1248 = arith.maximumf %max3A_818, %max3A_1198 : vector<128x128xbf16>
    %min3A_1249 = arith.minimumf %min3A_1247, %max3A_1248 : vector<128x128xbf16>
    %max3A_1250 = arith.maximumf %min3A_819, %min3A_1197 : vector<128x128xbf16>
    %min3A_1251 = arith.minimumf %min3A_1249, %max3A_1250 : vector<128x128xbf16>
    %max3A_1252 = arith.maximumf %max3A_820, %max3A_1196 : vector<128x128xbf16>
    %min3A_1253 = arith.minimumf %min3A_1251, %max3A_1252 : vector<128x128xbf16>
    %max3A_1254 = arith.maximumf %min3A_821, %min3A_1195 : vector<128x128xbf16>
    %min3A_1255 = arith.minimumf %min3A_1253, %max3A_1254 : vector<128x128xbf16>
    %max3A_1256 = arith.maximumf %max3A_822, %max3A_1194 : vector<128x128xbf16>
    %min3A_1257 = arith.minimumf %min3A_1255, %max3A_1256 : vector<128x128xbf16>
    %max3A_1258 = arith.maximumf %min3A_823, %min3A_1193 : vector<128x128xbf16>
    %min3A_1259 = arith.minimumf %min3A_1257, %max3A_1258 : vector<128x128xbf16>
    %max3A_1260 = arith.maximumf %max3A_824, %max3A_1192 : vector<128x128xbf16>
    %min3A_1261 = arith.minimumf %min3A_1259, %max3A_1260 : vector<128x128xbf16>
    %max3A_1262 = arith.maximumf %min3A_825, %min3A_1191 : vector<128x128xbf16>
    %min3A_1263 = arith.minimumf %min3A_1261, %max3A_1262 : vector<128x128xbf16>
    %max3A_1264 = arith.maximumf %max3A_826, %max3A_1190 : vector<128x128xbf16>
    %min3A_1265 = arith.minimumf %min3A_1263, %max3A_1264 : vector<128x128xbf16>
    %max3A_1266 = arith.maximumf %min3A_827, %min3A_1189 : vector<128x128xbf16>
    %min3A_1267 = arith.minimumf %min3A_1265, %max3A_1266 : vector<128x128xbf16>
    %max3A_1268 = arith.maximumf %max3A_828, %max3A_1188 : vector<128x128xbf16>
    %min3A_1269 = arith.minimumf %min3A_1267, %max3A_1268 : vector<128x128xbf16>
    %max3A_1270 = arith.maximumf %min3A_829, %min3A_1187 : vector<128x128xbf16>
    %min3A_1271 = arith.minimumf %min3A_1269, %max3A_1270 : vector<128x128xbf16>
    %max3A_1272 = arith.maximumf %max3A_830, %max3A_1186 : vector<128x128xbf16>
    %min3A_1273 = arith.minimumf %min3A_1271, %max3A_1272 : vector<128x128xbf16>
    %max3A_1274 = arith.maximumf %min3A_831, %min3A_1185 : vector<128x128xbf16>
    %min3A_1275 = arith.minimumf %min3A_1273, %max3A_1274 : vector<128x128xbf16>
    %max3A_1276 = arith.maximumf %max3A_832, %min3A_1085 : vector<128x128xbf16>
    %min3A_1277 = arith.minimumf %min3A_1275, %max3A_1276 : vector<128x128xbf16>
    %max3A_1278 = arith.maximumf %min3A_703, %max3A_1162 : vector<128x128xbf16>
    %max3A_1279 = arith.maximumf %min3A_803, %max3A_1214 : vector<128x128xbf16>
    %min3A_1280 = arith.minimumf %max3A_1278, %max3A_1279 : vector<128x128xbf16>
    %max3A_1281 = arith.maximumf %max3A_804, %min3A_1213 : vector<128x128xbf16>
    %min3A_1282 = arith.minimumf %min3A_1280, %max3A_1281 : vector<128x128xbf16>
    %max3A_1283 = arith.maximumf %min3A_805, %max3A_1212 : vector<128x128xbf16>
    %min3A_1284 = arith.minimumf %min3A_1282, %max3A_1283 : vector<128x128xbf16>
    %max3A_1285 = arith.maximumf %max3A_806, %min3A_1211 : vector<128x128xbf16>
    %min3A_1286 = arith.minimumf %min3A_1284, %max3A_1285 : vector<128x128xbf16>
    %max3A_1287 = arith.maximumf %min3A_807, %max3A_1210 : vector<128x128xbf16>
    %min3A_1288 = arith.minimumf %min3A_1286, %max3A_1287 : vector<128x128xbf16>
    %max3A_1289 = arith.maximumf %max3A_808, %min3A_1209 : vector<128x128xbf16>
    %min3A_1290 = arith.minimumf %min3A_1288, %max3A_1289 : vector<128x128xbf16>
    %max3A_1291 = arith.maximumf %min3A_809, %max3A_1208 : vector<128x128xbf16>
    %min3A_1292 = arith.minimumf %min3A_1290, %max3A_1291 : vector<128x128xbf16>
    %max3A_1293 = arith.maximumf %max3A_810, %min3A_1207 : vector<128x128xbf16>
    %min3A_1294 = arith.minimumf %min3A_1292, %max3A_1293 : vector<128x128xbf16>
    %max3A_1295 = arith.maximumf %min3A_811, %max3A_1206 : vector<128x128xbf16>
    %min3A_1296 = arith.minimumf %min3A_1294, %max3A_1295 : vector<128x128xbf16>
    %max3A_1297 = arith.maximumf %max3A_812, %min3A_1205 : vector<128x128xbf16>
    %min3A_1298 = arith.minimumf %min3A_1296, %max3A_1297 : vector<128x128xbf16>
    %max3A_1299 = arith.maximumf %min3A_813, %max3A_1204 : vector<128x128xbf16>
    %min3A_1300 = arith.minimumf %min3A_1298, %max3A_1299 : vector<128x128xbf16>
    %max3A_1301 = arith.maximumf %max3A_814, %min3A_1203 : vector<128x128xbf16>
    %min3A_1302 = arith.minimumf %min3A_1300, %max3A_1301 : vector<128x128xbf16>
    %max3A_1303 = arith.maximumf %min3A_815, %max3A_1202 : vector<128x128xbf16>
    %min3A_1304 = arith.minimumf %min3A_1302, %max3A_1303 : vector<128x128xbf16>
    %max3A_1305 = arith.maximumf %max3A_816, %min3A_1201 : vector<128x128xbf16>
    %min3A_1306 = arith.minimumf %min3A_1304, %max3A_1305 : vector<128x128xbf16>
    %max3A_1307 = arith.maximumf %min3A_817, %max3A_1200 : vector<128x128xbf16>
    %min3A_1308 = arith.minimumf %min3A_1306, %max3A_1307 : vector<128x128xbf16>
    %max3A_1309 = arith.maximumf %max3A_818, %min3A_1199 : vector<128x128xbf16>
    %min3A_1310 = arith.minimumf %min3A_1308, %max3A_1309 : vector<128x128xbf16>
    %max3A_1311 = arith.maximumf %min3A_819, %max3A_1198 : vector<128x128xbf16>
    %min3A_1312 = arith.minimumf %min3A_1310, %max3A_1311 : vector<128x128xbf16>
    %max3A_1313 = arith.maximumf %max3A_820, %min3A_1197 : vector<128x128xbf16>
    %min3A_1314 = arith.minimumf %min3A_1312, %max3A_1313 : vector<128x128xbf16>
    %max3A_1315 = arith.maximumf %min3A_821, %max3A_1196 : vector<128x128xbf16>
    %min3A_1316 = arith.minimumf %min3A_1314, %max3A_1315 : vector<128x128xbf16>
    %max3A_1317 = arith.maximumf %max3A_822, %min3A_1195 : vector<128x128xbf16>
    %min3A_1318 = arith.minimumf %min3A_1316, %max3A_1317 : vector<128x128xbf16>
    %max3A_1319 = arith.maximumf %min3A_823, %max3A_1194 : vector<128x128xbf16>
    %min3A_1320 = arith.minimumf %min3A_1318, %max3A_1319 : vector<128x128xbf16>
    %max3A_1321 = arith.maximumf %max3A_824, %min3A_1193 : vector<128x128xbf16>
    %min3A_1322 = arith.minimumf %min3A_1320, %max3A_1321 : vector<128x128xbf16>
    %max3A_1323 = arith.maximumf %min3A_825, %max3A_1192 : vector<128x128xbf16>
    %min3A_1324 = arith.minimumf %min3A_1322, %max3A_1323 : vector<128x128xbf16>
    %max3A_1325 = arith.maximumf %max3A_826, %min3A_1191 : vector<128x128xbf16>
    %min3A_1326 = arith.minimumf %min3A_1324, %max3A_1325 : vector<128x128xbf16>
    %max3A_1327 = arith.maximumf %min3A_827, %max3A_1190 : vector<128x128xbf16>
    %min3A_1328 = arith.minimumf %min3A_1326, %max3A_1327 : vector<128x128xbf16>
    %max3A_1329 = arith.maximumf %max3A_828, %min3A_1189 : vector<128x128xbf16>
    %min3A_1330 = arith.minimumf %min3A_1328, %max3A_1329 : vector<128x128xbf16>
    %max3A_1331 = arith.maximumf %min3A_829, %max3A_1188 : vector<128x128xbf16>
    %min3A_1332 = arith.minimumf %min3A_1330, %max3A_1331 : vector<128x128xbf16>
    %max3A_1333 = arith.maximumf %max3A_830, %min3A_1187 : vector<128x128xbf16>
    %min3A_1334 = arith.minimumf %min3A_1332, %max3A_1333 : vector<128x128xbf16>
    %max3A_1335 = arith.maximumf %min3A_831, %max3A_1186 : vector<128x128xbf16>
    %min3A_1336 = arith.minimumf %min3A_1334, %max3A_1335 : vector<128x128xbf16>
    %max3A_1337 = arith.maximumf %max3A_832, %min3A_1185 : vector<128x128xbf16>
    %min3A_1338 = arith.minimumf %min3A_1336, %max3A_1337 : vector<128x128xbf16>
    %max3A_1339 = arith.maximumf %max3A_780, %min3A_1085 : vector<128x128xbf16>
    %min3A_1340 = arith.minimumf %min3A_1338, %max3A_1339 : vector<128x128xbf16>
    %max3A_1341 = arith.maximumf %min3A_1277, %bitcast3A_452 : vector<128x128xbf16>
    %min3A_1342 = arith.minimumf %max3A_1341, %min3A_1340 : vector<128x128xbf16>
    %bitcast3A_1343 = tpu.bitcast %min3A_1342 : vector<128x128xbf16> -> vector<64x128xi32>
    %mul3A = arith.constant 64 : i32
    %mul3A_1344 = arith.muli %arg1, %mul3A : i32
    %swap3A = arith.index_cast %mul3A_1344 : i32 to index
    %swap3A_1345 = arith.constant 0 : index
    %swap3A_1346 = vector.load %arg6[%swap3A, %swap3A_1345] : memref<128x128xi32, #tpu.memory_space<vmem>>, vector<64x128xi32>
    tpu.vector_store %arg6[%swap3A, %swap3A_1345], %bitcast3A_1343 {strides = array<i32>} : memref<128x128xi32, #tpu.memory_space<vmem>>, vector<64x128xi32>,
    %eq3A = arith.constant 1 : i32
    %eq3A_1347 = arith.cmpi eq, %arg1, %eq3A : i32
    %convert_element_type3A = arith.extui %eq3A_1347 : i1 to i32
    %cond3A = arith.constant 0 : i32
    %cond3A_1348 = arith.cmpi ne, %convert_element_type3A, %cond3A : i32
    scf.if %cond3A_1348 {
      %get3A_1349 = arith.constant 0 : index
      %get3A_1350 = arith.constant 0 : index
      %get3A_1351 = vector.load %arg2[%get3A_1349, %get3A_1350] : memref<1x2xf32, #tpu.memory_space<vmem>>, vector<1x1xf32>
      %get3A_1352 = vector.extract %get3A_1351[0, 0] : f32 from vector<1x1xf32>
      %get3A_1353 = arith.constant 0 : index
      %get3A_1354 = arith.constant 1 : index
      %get3A_1355 = vector.load %arg2[%get3A_1353, %get3A_1354] : memref<1x2xf32, #tpu.memory_space<vmem>>, vector<1x1xf32>
      %get3A_1356 = vector.extract %get3A_1355[0, 0] : f32 from vector<1x1xf32>
      %get3A_1357 = arith.constant 0 : index
      %get3A_1358 = arith.constant 0 : index
      %get3A_1359 = vector.load %arg6[%get3A_1357, %get3A_1358] : memref<128x128xi32, #tpu.memory_space<vmem>>, vector<128x128xi32>
      %shift_left3A = arith.constant 16 : i32
      %shift_left3A_1360 = vector.broadcast %shift_left3A : i32 to vector<128x128xi32>
      %shift_left3A_1361 = arith.shli %get3A_1359, %shift_left3A_1360 : vector<128x128xi32>
      %bitcast_convert_type3A = tpu.bitcast %shift_left3A_1361 : vector<128x128xi32> -> vector<128x128xf32>
      %and3A = arith.constant -65536 : i32
      %and3A_1362 = vector.broadcast %and3A : i32 to vector<128x128xi32>
      %and3A_1363 = arith.andi %get3A_1359, %and3A_1362 : vector<128x128xi32>
      %bitcast_convert_type3A_1364 = tpu.bitcast %and3A_1363 : vector<128x128xi32> -> vector<128x128xf32>
      %get3A_1365 = arith.constant 0 : index
      %get3A_1366 = arith.constant 0 : index
      %get3A_1367 = vector.load %arg4[%get3A_1365, %get3A_1366] : memref<256x128xf32, #tpu.memory_space<vmem>>, vector<128x128xf32>
      %max3A_1368 = arith.constant 0.000000e+00 : f32
      %max3A_1369 = vector.broadcast %max3A_1368 : f32 to vector<128x128xf32>
      %max3A_1370 = arith.maximumf %get3A_1367, %max3A_1369 : vector<128x128xf32>
      %mul3A_1371 = vector.broadcast %get3A_1352 : f32 to vector<128x128xf32>
      %mul3A_1372 = arith.mulf %mul3A_1371, %max3A_1370 : vector<128x128xf32>
      %transpose3A = tpu.transpose %bitcast_convert_type3A, [1, 0] : vector<128x128xf32> -> vector<128x128xf32>
      %mul3A_1373 = vector.broadcast %get3A_1356 : f32 to vector<128x128xf32>
      %mul3A_1374 = arith.mulf %mul3A_1373, %transpose3A : vector<128x128xf32>
      %add3A = arith.addf %mul3A_1372, %mul3A_1374 : vector<128x128xf32>
      %swap3A_1375 = arith.constant 0 : index
      %swap3A_1376 = arith.constant 0 : index
      %swap3A_1377 = vector.load %arg5[%swap3A_1375, %swap3A_1376] : memref<256x128xf32, #tpu.memory_space<vmem>>, vector<128x128xf32>
      tpu.vector_store %arg5[%swap3A_1375, %swap3A_1376], %add3A {strides = array<i32>} : memref<256x128xf32, #tpu.memory_space<vmem>>, vector<128x128xf32>,
      %get3A_1378 = arith.constant 128 : index
      %get3A_1379 = arith.constant 0 : index
      %get3A_1380 = vector.load %arg4[%get3A_1378, %get3A_1379] : memref<256x128xf32, #tpu.memory_space<vmem>>, vector<128x128xf32>
      %max3A_1381 = arith.constant 0.000000e+00 : f32
      %max3A_1382 = vector.broadcast %max3A_1381 : f32 to vector<128x128xf32>
      %max3A_1383 = arith.maximumf %get3A_1380, %max3A_1382 : vector<128x128xf32>
      %mul3A_1384 = vector.broadcast %get3A_1352 : f32 to vector<128x128xf32>
      %mul3A_1385 = arith.mulf %mul3A_1384, %max3A_1383 : vector<128x128xf32>
      %transpose3A_1386 = tpu.transpose %bitcast_convert_type3A_1364, [1, 0] : vector<128x128xf32> -> vector<128x128xf32>
      %mul3A_1387 = vector.broadcast %get3A_1356 : f32 to vector<128x128xf32>
      %mul3A_1388 = arith.mulf %mul3A_1387, %transpose3A_1386 : vector<128x128xf32>
      %add3A_1389 = arith.addf %mul3A_1385, %mul3A_1388 : vector<128x128xf32>
      %swap3A_1390 = arith.constant 128 : index
      %swap3A_1391 = arith.constant 0 : index
      %swap3A_1392 = vector.load %arg5[%swap3A_1390, %swap3A_1391] : memref<256x128xf32, #tpu.memory_space<vmem>>, vector<128x128xf32>
      tpu.vector_store %arg5[%swap3A_1390, %swap3A_1391], %add3A_1389 {strides = array<i32>} : memref<256x128xf32, #tpu.memory_space<vmem>>, vector<128x128xf32>,
    } else {
    }
    return
  }
  func.func @transform_0(%arg0: i32, %arg1: i32) -> (i32, i32) {
    %c0_i32 = arith.constant 0 : i32
    %c0_i32_0 = arith.constant 0 : i32
    %c0_i32_1 = arith.constant 0 : i32
    return %c0_i32, %c0_i32_0 : i32, i32
  }
  func.func @transform_1(%arg0: i32, %arg1: i32) -> (i32, i32, i32, i32) {
    %mul3A = arith.constant 2 : i32
    %mul3A_0 = arith.muli %arg0, %mul3A : i32
    %add3A = arith.addi %mul3A_0, %arg1 : i32
    %c0_i32 = arith.constant 0 : i32
    %c0_i32_1 = arith.constant 0 : i32
    %c0_i32_2 = arith.constant 0 : i32
    %c0_i32_3 = arith.constant 0 : i32
    return %add3A, %c0_i32, %c0_i32_1, %c0_i32_2 : i32, i32, i32, i32
  }
  func.func @transform_2(%arg0: i32, %arg1: i32) -> (i32, i32) {
    %c0_i32 = arith.constant 0 : i32
    %c0_i32_0 = arith.constant 0 : i32
    return %c0_i32, %arg0 : i32, i32
  }
  func.func @transform_3(%arg0: i32, %arg1: i32) -> (i32, i32) {
    %c0_i32 = arith.constant 0 : i32
    %c0_i32_0 = arith.constant 0 : i32
    return %c0_i32, %arg0 : i32, i32
  }
}

</mosaic_0001>

<sc_bundles>
// kernel: kernel.10.cloned.1.call-start
scs
__scs_entry_jumppad:
0x0: {  	(pc) =	sbr.rel $0x88, $3  }
0x1: {  	(tag) =	ssettag $0x0;
	lr =	simm.s32 $0x1  }
0x2: {  	[smem:$0x3F9D] =	sst lr;
	_ =	strace $0xD0000000  }
0x3: {  	_ = 	snop  }
0x4: {  	_ = 	snop  }
0x5: {  	_ = 	snop  }
0x6: {  	_ = 	snop  }
0x7: {  	_ = 	snop  }
__scs_overlays_trampoline_lowered:
0x8: {  	[smem:$0x3FAC] =	sst s0  }
0x9: {  	[smem:$0x3FAD] =	sst s1  }
0xa: {  	[smem:$0x3FAE] =	sst s2  }
0xb: {  	[smem:$0x3FAF] =	sst s3  }
0xc: {  	[smem:$0x3FB0] =	sst s4  }
0xd: {  	[smem:$0x3FB1] =	sst s5  }
0xe: {  	[smem:$0x3FB2] =	sst s6  }
0xf: {  	[smem:$0x3FB3] =	sst s7  }
0x10: {  	[smem:$0x3FB4] =	sst s8  }
0x11: {  	[smem:$0x3FB5] =	sst s9;
	s0 =	simm.s32 @!p0 $0x0  }
0x12: {  	s1 =	sld [smem:$0x3F9B];
	s0 =	simm.s32 @p0 $0x1  }
0x13: {  	[smem:$0x3FB6] =	sst s0;
	s0 =	simm.s32 @!p1 $0x0  }
0x14: {  	s2 =	sld [smem:$0x3F9A];
	s0 =	simm.s32 @p1 $0x1  }
0x15: {  	[smem:$0x3FB7] =	sst s0;
	s0 =	simm.s32 @!p2 $0x0  }
0x16: {  	s3 =	sld [smem:$0x3FDB];
	s0 =	simm.s32 @p2 $0x1  }
0x17: {  	s4 =	simm.s32 $0x1BF5;
	[smem:$0x3FB9] =	sst s0  }
0x18: {  	s0 =	sld [smem:$0x3F9C];
	_ =	swait.ge [sflag:s4], $0x0  }
0x19: {  	s7 =	sld [smem:$0x3F9D]  }
0x1a: {  	s8 =	sadd.s32 $0xFFFFE003, lr  }
0x1b: {  	s9 =	sadd.s32 $0xFFFFFEF7, lr;
	s5 =	simm.s32 $0xFFFFFFFF;
	p2 =	slt.u32 s8, $0xFFFFF086  }
0x1c: {  	p1 =	slt.u32 s9, $0xF7A;
	s5 =	simm.s32 @!p2 $0x0  }
0x1d: {  	s5 =	simm.s32 @p1 $0x1;
	p0 =	seq.s32 s7, s2  }
0x1e: {  	s7 =	smul.u32 @!p0 $0xF7A, s2;
	p2 =	seq.s32 @!p0 s5, $0x0  }
0x1f: {  	s9 =	smul.u32 $0xF7A, s1;
	s8 =	simm.s32 @!p0 $0x1BF5;
	p2 =	por !p2, p0  }
0x20: {  	[sflag:s8] =	ssyncset.s32 @!p0 $0xFFFFF086;
	s6 =	sadd.s32 @!p0 s3, s7;
	s7 =	simm.s32 @!p0 $0x108  }
0x21: {  	s3 =	sadd.s32 s3, s9;
	s6 =	sadd.s32 @!p0 $0x88, s6;
	s7 =	simm.s32 @p2 $0x1082  }
0x22: {  	[simem:s7], [sflag:s8] =	dma.local @!p0 [hbm:s6], $0xF7A  }
0x23: {  	s9 =	sor.u32 $0xD0000000, s2;
	s6 =	simm.s32 $0x108;
	_ =	swait.ge @!p0 [sflag:s8], $0x0  }
0x24: {  	s3 =	sadd.s32 $0x88, s3;
	s6 =	simm.s32 @!p1 $0x1082;
	[sflag:s4] =	ssyncset.s32 $0xFFFFF086  }
0x25: {  	[simem:s6], [sflag:s4] =	dma.local [hbm:s3], $0xF7A  }
0x26: {  	[smem:$0x3F9D] =	sst s1;
	(tag) =	ssettag s2;
	_ =	strace s9  }
0x27: {  	s1 =	sld [smem:$0x3FAD]  }
0x28: {  	s2 =	sld [smem:$0x3FAE]  }
0x29: {  	s4 =	sld [smem:$0x3FB0]  }
0x2a: {  	p0 =	seq.s32 s5, $0x0;
	s5 =	sld [smem:$0x3FB1]  }
0x2b: {  	s6 =	sld [smem:$0x3FB2]  }
0x2c: {  	s7 =	sld [smem:$0x3FB3]  }
0x2d: {  	s3 =	simm.s32 $0x108;
	s8 =	sld [smem:$0x3FB4]  }
0x2e: {  	s3 =	simm.s32 @!p0 $0x1082;
	s9 =	sld [smem:$0x3FB5]  }
0x2f: {  	lr =	sadd.s32 s0, s3;
	s0 =	sld [smem:$0x3FAC]  }
0x30: {  	s3 =	sld [smem:$0x3FAF]  }
0x31: {  	[smem:$0x3FB8] =	sst s10  }
0x32: {  	s10 =	sld [smem:$0x3FB6];
	_ =	sdelay $0x3  }
0x33: {  	p0 =	seq.s32 s10, $0x1;
	s10 =	sld [smem:$0x3FB8];
	_ =	sdelay $0x3  }
0x34: {  	[smem:$0x3FB8] =	sst s10  }
0x35: {  	s10 =	sld [smem:$0x3FB7];
	_ =	sdelay $0x3  }
0x36: {  	p1 =	seq.s32 s10, $0x1;
	s10 =	sld [smem:$0x3FB8];
	_ =	sdelay $0x3  }
0x37: {  	[smem:$0x3FB8] =	sst s10  }
0x38: {  	s10 =	sld [smem:$0x3FB9]  }
0x39: {  	_ = 	snop;
	(pc) =	sbr.ind lr, $3  }
0x3a: {  	_ = 	snop  }
0x3b: {  	_ = 	snop  }
0x3c: {  	p2 =	seq.s32 s10, $0x1;
	s10 =	sld [smem:$0x3FB8]  }
0x3d: {  	_ =	shalt  }
0x3e: {  	_ =	shalt  }
0x3f: {  	_ =	shalt  }
0x40: {  	_ =	shalt  }
0x41: {  	_ =	shalt  }
0x42: {  	_ =	shalt  }
0x43: {  	_ =	shalt  }
0x44: {  	_ =	shalt  }
0x45: {  	_ =	shalt  }
0x46: {  	_ =	shalt  }
0x47: {  	_ =	shalt  }
0x48: {  	_ =	shalt  }
0x49: {  	_ =	shalt  }
0x4a: {  	_ =	shalt  }
0x4b: {  	_ =	shalt  }
0x4c: {  	_ =	shalt  }
0x4d: {  	_ =	shalt  }
0x4e: {  	_ =	shalt  }
0x4f: {  	_ =	shalt  }
0x50: {  	_ =	shalt  }
0x51: {  	_ =	shalt  }
0x52: {  	_ =	shalt  }
0x53: {  	_ =	shalt  }
0x54: {  	_ =	shalt  }
0x55: {  	_ =	shalt  }
0x56: {  	_ =	shalt  }
0x57: {  	_ =	shalt  }
0x58: {  	_ =	shalt  }
0x59: {  	_ =	shalt  }
0x5a: {  	_ =	shalt  }
0x5b: {  	_ =	shalt  }
0x5c: {  	_ =	shalt  }
0x5d: {  	_ =	shalt  }
0x5e: {  	_ =	shalt  }
0x5f: {  	_ =	shalt  }
0x60: {  	_ =	shalt  }
0x61: {  	_ =	shalt  }
0x62: {  	_ =	shalt  }
0x63: {  	_ =	shalt  }
0x64: {  	_ =	shalt  }
0x65: {  	_ =	shalt  }
0x66: {  	_ =	shalt  }
0x67: {  	_ =	shalt  }
0x68: {  	_ =	shalt  }
0x69: {  	_ =	shalt  }
0x6a: {  	_ =	shalt  }
0x6b: {  	_ =	shalt  }
0x6c: {  	_ =	shalt  }
0x6d: {  	_ =	shalt  }
0x6e: {  	_ =	shalt  }
0x6f: {  	_ =	shalt  }
0x70: {  	_ =	shalt  }
0x71: {  	_ =	shalt  }
0x72: {  	_ =	shalt  }
0x73: {  	_ =	shalt  }
0x74: {  	_ =	shalt  }
0x75: {  	_ =	shalt  }
0x76: {  	_ =	shalt  }
0x77: {  	_ =	shalt  }
0x78: {  	_ =	shalt  }
0x79: {  	_ =	shalt  }
0x7a: {  	_ =	shalt  }
0x7b: {  	_ =	shalt  }
0x7c: {  	_ =	shalt  }
0x7d: {  	_ =	shalt  }
0x7e: {  	_ =	shalt  }
0x7f: {  	_ =	shalt  }
0x80: {  	_ =	shalt  }
0x81: {  	_ =	shalt  }
0x82: {  	_ =	shalt  }
0x83: {  	_ =	shalt  }
0x84: {  	_ =	shalt  }
0x85: {  	_ =	shalt  }
0x86: {  	_ =	shalt  }
0x87: {  	_ =	shalt  }
.Lfunc_end0:
.L_simem_size_0:
called_computation.1_lowered:
.L_overlay_start_0:
0x88: {  	s2 =	sld [smem:$0x3FD9]  }
0x89: {  	s3 =	sld [smem:$0x3FFE];
	_ =	sdelay $0x1  }
0x8a: {  	s1 =	srdreg.scid  }
0x8b: {  	s0 =	sand.u32 $0x1, s1  }
0x8c: {  	s17 =	sshll.u32 s0, $0xA;
	s2 =	sadd.s32 s3, s2  }
0x8d: {  	s2 =	sadd.s32 s2, s17  }
0x8e: {  	[smem:$0x3FC4] =	sst s2  }
0x8f: {  	_ = 	snop  }
0x90: {  	s2 =	sld [smem:$0x3FD0];
	(tm) =	ssettm $0x1  }
0x91: {  	s18 =	sld [smem:$0x3FFB];
	_ =	sdelay $0x3  }
0x92: {  	_ =	strace s18  }
0x93: {  	s3 =	sld [smem:$0x3FFC];
	_ =	sdelay $0x3  }
0x94: {  	_ =	strace s3  }
0x95: {  	s3 =	sld [smem:$0x3FFD];
	_ =	sdelay $0x3  }
0x96: {  	_ =	strace s3  }
0x97: {  	_ =	strace $0x8FFFFFFF  }
0x98: {  	s19 =	sld [smem:$0x3FDB];
	_ =	sdelay $0x1  }
0x99: {  	s4 =	simm.s32 $_scs_section_size  }
0x9a: {  	s5 =	simm.s32 $_size__tile_overlayer_lowered;
	s6 =	simm.s32 $_tile_overlayer_lowered  }
0x9b: {  	s22 =	simm.s32 $0x1BFF;
	s21 =	sshll.u32 s6, $0x1;
	s3 =	sadd.s32 s4, s19  }
0x9c: {  	s7 =	simm.s32 $0x0;
	s20 =	sshll.u32 s5, $0x1;
	s5 =	sadd.s32 s21, s3  }
0x9d: {  	[timem:s7], [sflag:s22] =	dma.local [hbm:s5], s20  }
0x9e: {  	_ =	swait.ge [sflag:s22], s20  }
0x9f: {  	s4 =	ssub.s32 $0x0, s20;
	[sflag:s22] =	ssyncset.done $0x0  }
0xa0: {  	[sflag:s22] =	ssyncadd.s32 s4;
	_ =	sdelay $0x1  }
0xa1: {  	s23 =	simm.s32 $0x1B8B  }
0xa2: {  	_ =	swait.ge [sflag:s23], $0x1  }
0xa3: {  	[sflag:s23] =	ssyncset.done $0x0  }
0xa4: {  	s25 =	simm.s32 $0x1B8E;
	s24 =	sld [smem:$0x3FFE];
	[sflag:s23] =	ssyncadd.s32 $0xFFFFFFFF  }
0xa5: {  	s26 =	simm.s32 $execute0_lowered;
	[smem:$0x3FD2] =	sst s25  }
0xa6: {  	s5 =	sshll.u32 s26, $0x1;
	_ =	strace $0x80000046;
	[dreg:$0x1] =	wrdreg $0xFFFFFFFF  }
0xa7: {  	s28 =	simm.s32 $_size_execute0_lowered;
	s3 =	sadd.s32 s3, s5;
	[dreg:$0x0] =	wrdreg $0x0  }
0xa8: {  	s5 =	sshll.u32 s28, $0x1;
	[dreg:$0x2] =	wrdreg s3  }
0xa9: {  	[dreg:$0x3] =	wrdreg s5  }
0xaa: {  	[dreg:$0x4] =	wrdreg $0xC0  }
0xab: {  	_ =	task [dreg:s7], $0x5FFFF  }
0xac: {  	[dreg:$0x1] =	wrdreg $0xFFFFFFFF  }
0xad: {  	[dreg:$0x0] =	wrdreg $0x60  }
0xae: {  	[dreg:$0x2] =	wrdreg s2  }
0xaf: {  	[dreg:$0x3] =	wrdreg s24  }
0xb0: {  	[dreg:$0x4] =	wrdreg $0xA  }
0xb1: {  	_ =	task.clear_ibuf [dreg:s7], $0x5FFFF;
	_ =	strace $0x90000046  }
0xb2: {  	s29 =	simm.s32 $0xA;
	_ =	strace $0x80000048  }
0xb3: {  	_ =	swait.ge [sflag:s29], $0x1  }
0xb4: {  	[sflag:s29] =	ssyncadd.s32 $0xFFFFFFFF  }
0xb5: {  	_ =	strace $0x90000048  }
0xb6: {  	_ =	sfence  }
0xb7: {  	s30 =	sld [smem:$0x0];
	_ =	sdelay $0x2  }
0xb8: {  	s31 =	sshll.u32 s1, $0xD;
	s1 =	sshrl.u32 s1, $0x2  }
0xb9: {  	s3 =	sand.u32 $0x4000, s31;
	s1 =	sadd.s32 s1, s30  }
0xba: {  	s0 =	sor.u32 s3, s0;
	s1 =	sshll.u32 s1, $0x11  }
0xbb: {  	s0 =	sor.u32 s1, s0  }
0xbc: {  	s0 =	sadd.s32 $0x8F2B, s0  }
0xbd: {  	[sflag:s0] =	ssyncadd.remote.s32 $0x1  }
0xbe: {  	_ =	sfence.sel $0xFFFF  }
0xbf: {  	[dreg:$0x0] =	wrdreg $0xFFFFFFFF;
	(pc) =	sbr.abs _section_cstart, $3  }
0xc0: {  	[dreg:$0x1] =	wrdreg $0xFFFFFFFF  }
0xc1: {  	_ =	task.clear_ibuf [dreg:s7], $0x2FFFF;
	_ =	strace $0x9FFFFFFF  }
0xc2: {  	(tm) =	ssettm $0x7FFFFFFF  }
0xc3: {  	_ =	shalt  }
tec
execute0_lowered:
.L_overlay_start_1:
0x0: {  	(tag) =	ssettag $0x1  }
0x1: {  	s1 =	srdreg.scid;
	s2 =	rddreg [dreg:$0x0]  }
0x2: {  	s0 =	stileid.u32;
	s4 =	rddreg [dreg:$0x1]  }
0x3: {  	s3 =	simm.s32 $0x0;
	s13 =	simm.s32 $0x880;
	s14 =	simm.s32 $0x3C80  }
0x4: {  	s15 =	simm.s32 $0xD0;
	s16 =	simm.s32 $0x7080;
	s17 =	simm.s32 $0x138  }
0x5: {  	s18 =	simm.s32 $0xA480;
	s19 =	simm.s32 $0x1;
	s20 =	simm.s32 $0x2  }
0x6: {  	s21 =	simm.s32 $0x3;
	s22 =	simm.s32 $0x4;
	s23 =	simm.s32 $0x5  }
0x7: {  	s24 =	simm.s32 $0x6;
	s25 =	simm.s32 $0x7;
	s28 =	simm.s32 $0x0  }
0x8: {  	s8 =	sand.u32 $0x1, s1;
	s26 =	sshll.u32 s0, $0x1;
	s31 =	smul.u32 $0x10400, s0  }
0x9: {  	[smem:$0x7FF] =	sst s3;
	s5 =	sor.u32 s8, s26;
	s12 =	smul.u32 $0x8200, s8  }
0xa: {  	s11 =	sadd.s32 $0x3400, s4;
	s7 =	ssub.s32 $0x2, s8;
	s6 =	smul.u32 $0x820, s5  }
0xb: {  	_ =	strace $0x80000047;
	s9 =	sshrl.u32 s7, $0x1;
	s10 =	smul.u32 $0x8200, s5  }
0xc: {  	s26 =	simm.s32 $0x8;
	s29 =	ssub.s32 s7, s9;
	s6 =	sshrl.u32 s6, $0x3  }
0xd: {  	s5 =	smax.u32 s29, $0x1;
	s30 =	sadd.s32 s11, s10;
	s10 =	sadd.s32 s31, s11  }
0xe: {  	s11 =	simm.s32 $0x9;
	s6 =	sadd.s32 s6, s4;
	s7 =	sadd.s32 $0x6E80, s30  }
0xf: {  	s8 =	sadd.s32 $0x7500, s30;
	s9 =	sadd.s32 $0x7B80, s30;
	s10 =	sadd.s32 s12, s10  }
0x10: {  	s12 =	simm.s32 $0x68;
	s4 =	sadd.s32 $0x1200, s6;
	s6 =	sadd.s32 $0x6800, s30  }
.LBB2_1:
0x11: {  	[tilespmem:s3], [sflag:$0x9] =	stream.linear.gather [hbm4b:s4+s3], $0x820, $0x38;
	[tilespmem:$0xD880] =	vst v63  }
0x12: {  	_ =	swait.ge [sflag:s11], $0x820  }
0x13: {  	[sflag:s11] =	ssyncset.done $0x0  }
0x14: {  	[sflag:s11] =	ssyncadd.s32 $0xFFFFF7E0  }
0x15: {  	[tilespmem:s13], [sflag:$0x1] =	stream.indirect.gather [hbm4b:s2+s12], $0x80, s3, s12, $0xb8;
	[tilespmem:$0xD880] =	vst v63  }
0x16: {  	_ = 	snop  }
0x17: {  	[tilespmem:s14], [sflag:$0x2] =	stream.indirect.gather [hbm4b:s2+s12], $0x80, s12, s12, $0xb8;
	[tilespmem:$0xD880] =	vst v63  }
0x18: {  	_ = 	snop  }
0x19: {  	[tilespmem:s16], [sflag:$0x3] =	stream.indirect.gather [hbm4b:s2+s12], $0x80, s15, s12, $0xb8;
	[tilespmem:$0xD880] =	vst v63  }
0x1a: {  	_ = 	snop  }
0x1b: {  	[tilespmem:s18], [sflag:$0x4] =	stream.indirect.gather [hbm4b:s2+s12], $0x80, s17, s12, $0xb8;
	[tilespmem:$0xD880] =	vst v63  }
0x1c: {  	_ =	swait.ge [sflag:s19], $0x3400  }
0x1d: {  	[sflag:s19] =	ssyncset.done $0x0  }
0x1e: {  	s29 =	sadd.s32 $0x0, s10;
	[sflag:s19] =	ssyncadd.s32 $0xFFFFCC00  }
0x1f: {  	[hbm4b:s29+s3] =	stream.linear.scatter [tilespmem:s13], [sflag:$0x5], $0x3400, $0x38;
	[tilespmem:$0xD880] =	vst v63  }
0x20: {  	_ =	swait.ge [sflag:s20], $0x3400  }
0x21: {  	[sflag:s20] =	ssyncset.done $0x0  }
0x22: {  	s30 =	sadd.s32 $0x680, s29;
	[sflag:s20] =	ssyncadd.s32 $0xFFFFCC00  }
0x23: {  	[hbm4b:s30+s3] =	stream.linear.scatter [tilespmem:s14], [sflag:$0x6], $0x3400, $0x38;
	[tilespmem:$0xD880] =	vst v63  }
0x24: {  	_ =	swait.ge [sflag:s21], $0x3400  }
0x25: {  	[sflag:s21] =	ssyncset.done $0x0  }
0x26: {  	s30 =	sadd.s32 $0xD00, s29;
	[sflag:s21] =	ssyncadd.s32 $0xFFFFCC00  }
0x27: {  	[hbm4b:s30+s3] =	stream.linear.scatter [tilespmem:s16], [sflag:$0x7], $0x3400, $0x38;
	[tilespmem:$0xD880] =	vst v63  }
0x28: {  	_ =	swait.ge [sflag:s22], $0x3400  }
0x29: {  	[sflag:s22] =	ssyncset.done $0x0  }
0x2a: {  	s29 =	sadd.s32 $0x1380, s29;
	[sflag:s22] =	ssyncadd.s32 $0xFFFFCC00  }
0x2b: {  	[hbm4b:s29+s3] =	stream.linear.scatter [tilespmem:s18], [sflag:$0x8], $0x3400, $0x38;
	[tilespmem:$0xD880] =	vst v63  }
0x2c: {  	_ =	swait.ge [sflag:s23], $0x3400  }
0x2d: {  	[sflag:s23] =	ssyncset.done $0x0  }
0x2e: {  	s29 =	simm.s32 $0x1A0;
	[sflag:s23] =	ssyncadd.s32 $0xFFFFCC00  }
0x2f: {  	[tilespmem:s13], [sflag:$0x1] =	stream.indirect.gather [hbm4b:s2+s12], $0x80, s29, s12, $0xb8;
	[tilespmem:$0xD880] =	vst v63  }
0x30: {  	_ =	swait.ge [sflag:s24], $0x3400  }
0x31: {  	[sflag:s24] =	ssyncset.done $0x0  }
0x32: {  	s29 =	simm.s32 $0x208;
	[sflag:s24] =	ssyncadd.s32 $0xFFFFCC00  }
0x33: {  	[tilespmem:s14], [sflag:$0x2] =	stream.indirect.gather [hbm4b:s2+s12], $0x80, s29, s12, $0xb8;
	[tilespmem:$0xD880] =	vst v63  }
0x34: {  	_ =	swait.ge [sflag:s25], $0x3400  }
0x35: {  	[sflag:s25] =	ssyncset.done $0x0  }
0x36: {  	s29 =	simm.s32 $0x270;
	[sflag:s25] =	ssyncadd.s32 $0xFFFFCC00  }
0x37: {  	[tilespmem:s16], [sflag:$0x3] =	stream.indirect.gather [hbm4b:s2+s12], $0x80, s29, s12, $0xb8;
	[tilespmem:$0xD880] =	vst v63  }
0x38: {  	_ =	swait.ge [sflag:s26], $0x3400  }
0x39: {  	s31 =	simm.s32 $0x478;
	[sflag:s26] =	ssyncset.done $0x0  }
0x3a: {  	s30 =	simm.s32 $0x1A00;
	s29 =	simm.s32 $0x2D8;
	[sflag:s26] =	ssyncadd.s32 $0xFFFFCC00  }
.LBB2_2:
0x3b: {  	[tilespmem:s18], [sflag:$0x4] =	stream.indirect.gather [hbm4b:s2+s12], $0x80, s29, s12, $0xb8;
	[tilespmem:$0xD880] =	vst v63  }
0x3c: {  	s1 =	smov.u32 s30;
	s29 =	smov.u32 s31  }
0x3d: {  	p0 =	sne.s32 s30, $0x4E00;
	s30 =	sadd.s32 $0x1A00, s30;
	_ =	swait.ge [sflag:s19], $0x3400  }
0x3e: {  	[sflag:s19] =	ssyncset.done $0x0  }
0x3f: {  	s1 =	sadd.s32 s1, s10;
	[sflag:s19] =	ssyncadd.s32 $0xFFFFCC00  }
0x40: {  	[hbm4b:s1+s3] =	stream.linear.scatter [tilespmem:s13], [sflag:$0x5], $0x3400, $0x38;
	[tilespmem:$0xD880] =	vst v63  }
0x41: {  	_ =	swait.ge [sflag:s20], $0x3400  }
0x42: {  	[sflag:s20] =	ssyncset.done $0x0  }
0x43: {  	s0 =	sadd.s32 $0x680, s1;
	[sflag:s20] =	ssyncadd.s32 $0xFFFFCC00  }
0x44: {  	[hbm4b:s0+s3] =	stream.linear.scatter [tilespmem:s14], [sflag:$0x6], $0x3400, $0x38;
	[tilespmem:$0xD880] =	vst v63  }
0x45: {  	_ =	swait.ge [sflag:s21], $0x3400  }
0x46: {  	[sflag:s21] =	ssyncset.done $0x0  }
0x47: {  	s0 =	sadd.s32 $0xD00, s1;
	[sflag:s21] =	ssyncadd.s32 $0xFFFFCC00  }
0x48: {  	[hbm4b:s0+s3] =	stream.linear.scatter [tilespmem:s16], [sflag:$0x7], $0x3400, $0x38;
	[tilespmem:$0xD880] =	vst v63  }
0x49: {  	_ =	swait.ge [sflag:s22], $0x3400  }
0x4a: {  	[sflag:s22] =	ssyncset.done $0x0  }
0x4b: {  	s0 =	sadd.s32 $0x1380, s1;
	[sflag:s22] =	ssyncadd.s32 $0xFFFFCC00  }
0x4c: {  	[hbm4b:s0+s3] =	stream.linear.scatter [tilespmem:s18], [sflag:$0x8], $0x3400, $0x38;
	[tilespmem:$0xD880] =	vst v63  }
0x4d: {  	_ =	swait.ge [sflag:s23], $0x3400  }
0x4e: {  	[sflag:s23] =	ssyncset.done $0x0  }
0x4f: {  	s0 =	sadd.s32 $0xFFFFFEC8, s31;
	[sflag:s23] =	ssyncadd.s32 $0xFFFFCC00  }
0x50: {  	[tilespmem:s13], [sflag:$0x1] =	stream.indirect.gather [hbm4b:s2+s12], $0x80, s0, s12, $0xb8;
	[tilespmem:$0xD880] =	vst v63  }
0x51: {  	_ =	swait.ge [sflag:s24], $0x3400  }
0x52: {  	[sflag:s24] =	ssyncset.done $0x0  }
0x53: {  	s0 =	sadd.s32 $0xFFFFFF30, s31;
	[sflag:s24] =	ssyncadd.s32 $0xFFFFCC00  }
0x54: {  	[tilespmem:s14], [sflag:$0x2] =	stream.indirect.gather [hbm4b:s2+s12], $0x80, s0, s12, $0xb8;
	[tilespmem:$0xD880] =	vst v63  }
0x55: {  	_ =	swait.ge [sflag:s25], $0x3400  }
0x56: {  	[sflag:s25] =	ssyncset.done $0x0  }
.Ltmp0:
0x57: {  	s0 =	sadd.s32 $0xFFFFFF98, s31;
	[sflag:s25] =	ssyncadd.s32 $0xFFFFCC00;
	(pc) =	sbr.rel @p0 .LBB2_2-.Ltmp0, $4  }
0x58: {  	[tilespmem:s16], [sflag:$0x3] =	stream.indirect.gather [hbm4b:s2+s12], $0x80, s0, s12, $0xb8;
	[tilespmem:$0xD880] =	vst v63  }
0x59: {  	_ =	swait.ge [sflag:s26], $0x3400  }
0x5a: {  	[sflag:s26] =	ssyncset.done $0x0  }
0x5b: {  	s31 =	sadd.s32 $0x1A0, s31;
	[sflag:s26] =	ssyncadd.s32 $0xFFFFCC00  }
0x5c: {  	[tilespmem:s18], [sflag:$0x4] =	stream.indirect.gather [hbm4b:s2+s12], $0x80, s29, s12, $0xb8;
	[tilespmem:$0xD880] =	vst v63  }
0x5d: {  	_ =	swait.ge [sflag:s19], $0x3400  }
0x5e: {  	[sflag:s19] =	ssyncset.done $0x0  }
0x5f: {  	[sflag:s19] =	ssyncadd.s32 $0xFFFFCC00  }
0x60: {  	[hbm4b:s6+s3] =	stream.linear.scatter [tilespmem:s13], [sflag:$0x5], $0x3400, $0x38;
	[tilespmem:$0xD880] =	vst v63  }
0x61: {  	_ =	swait.ge [sflag:s20], $0x3400  }
0x62: {  	[sflag:s20] =	ssyncset.done $0x0  }
0x63: {  	[sflag:s20] =	ssyncadd.s32 $0xFFFFCC00  }
0x64: {  	[hbm4b:s7+s3] =	stream.linear.scatter [tilespmem:s14], [sflag:$0x6], $0x3400, $0x38;
	[tilespmem:$0xD880] =	vst v63  }
0x65: {  	_ =	swait.ge [sflag:s21], $0x3400  }
0x66: {  	[sflag:s21] =	ssyncset.done $0x0  }
0x67: {  	[sflag:s21] =	ssyncadd.s32 $0xFFFFCC00  }
0x68: {  	[hbm4b:s8+s3] =	stream.linear.scatter [tilespmem:s16], [sflag:$0x7], $0x3400, $0x38;
	[tilespmem:$0xD880] =	vst v63  }
0x69: {  	_ =	swait.ge [sflag:s22], $0x3400  }
0x6a: {  	[sflag:s22] =	ssyncset.done $0x0  }
0x6b: {  	[sflag:s22] =	ssyncadd.s32 $0xFFFFCC00  }
0x6c: {  	[hbm4b:s9+s3] =	stream.linear.scatter [tilespmem:s18], [sflag:$0x8], $0x3400, $0x38;
	[tilespmem:$0xD880] =	vst v63  }
0x6d: {  	_ =	swait.ge [sflag:s23], $0x3400  }
0x6e: {  	[sflag:s23] =	ssyncset.done $0x0  }
0x6f: {  	[sflag:s23] =	ssyncadd.s32 $0xFFFFCC00  }
0x70: {  	_ =	swait.ge [sflag:s24], $0x3400  }
0x71: {  	[sflag:s24] =	ssyncset.done $0x0  }
0x72: {  	s28 =	sadd.s32 $0x1, s28;
	[sflag:s24] =	ssyncadd.s32 $0xFFFFCC00  }
0x73: {  	p0 =	sne.s32 s28, s5;
	_ =	swait.ge [sflag:s25], $0x3400  }
.Ltmp1:
0x74: {  	[sflag:s25] =	ssyncset.done $0x0;
	(pc) =	sbr.rel @p0 .LBB2_1-.Ltmp1, $4  }
0x75: {  	[sflag:s25] =	ssyncadd.s32 $0xFFFFCC00  }
0x76: {  	_ =	swait.ge [sflag:s26], $0x3400  }
0x77: {  	[sflag:s26] =	ssyncset.done $0x0  }
0x78: {  	[sflag:s26] =	ssyncadd.s32 $0xFFFFCC00  }
0x79: {  	_ =	sfence.sel $0x180000  }
0x7a: {  	[bflag:$0x0] =	sbarrier.arrive $0xFFFF  }
0x7b: {  	_ =	strace $0x90000047  }
0x7c: {  	s0 =	stileid.u32;
	[bflag:$0x2] =	sbarrier.arrive $0xFFFF  }
0x7d: {  	p0 =	sne.s32 s0, $0x0;
	s0 =	rddreg [dreg:$0x2]  }
0x7e: {  	s0 =	sadd.s32 @!p0 $0x100000, s0  }
0x7f: {  	[sflag:s0] =	ssyncadd.tile.s32 @!p0 $0x1;
	_ =	shalt  }
.Lfunc_end2:
_tile_overlayer_lowered:
.L_overlay_start_2:
0x80: {  	(tag) =	ssettag $0x2  }
0x81: {  	s0 =	rddreg [dreg:$0x0];
	s2 =	stileid.u32  }
0x82: {  	s1 =	rddreg [dreg:$0x1];
	p0 =	sne.s32 s2, $0x0  }
0x83: {  	s3 =	rddreg [dreg:$0x2];
	[bflag:$0x3] =	sbarrier.arrive $0xFFFF;
	s2 =	simm.s32 @!p0 $0x1C09  }
0x84: {  	[timem:s3], [sflag:s2] =	dma.local @!p0 [hbm:s0], s1  }
0x85: {  	s0 =	simm.s32 @!p0 $0x9  }
0x86: {  	_ =	swait.ge @!p0 [sflag:s0], s1  }
0x87: {  	s1 =	ssub.s32 @!p0 $0x0, s1;
	[sflag:s0] =	ssyncset.done @!p0 $0x0  }
0x88: {  	[sflag:s0] =	ssyncadd.s32 @!p0 s1  }
0x89: {  	[bflag:$0x3] =	sbarrier.arrive $0xFFFF  }
0x8a: {  	_ =	shalt  }

// kernel: kernel.7.cloned.1.call-start
scs
__scs_entry_jumppad:
0x0: {  	(pc) =	sbr.rel $0x88, $3  }
0x1: {  	(tag) =	ssettag $0x0;
	lr =	simm.s32 $0x1  }
0x2: {  	[smem:$0x3F9D] =	sst lr;
	_ =	strace $0xD0000000  }
0x3: {  	_ = 	snop  }
0x4: {  	_ = 	snop  }
0x5: {  	_ = 	snop  }
0x6: {  	_ = 	snop  }
0x7: {  	_ = 	snop  }
__scs_overlays_trampoline_lowered:
0x8: {  	[smem:$0x3FAC] =	sst s0  }
0x9: {  	[smem:$0x3FAD] =	sst s1  }
0xa: {  	[smem:$0x3FAE] =	sst s2  }
0xb: {  	[smem:$0x3FAF] =	sst s3  }
0xc: {  	[smem:$0x3FB0] =	sst s4  }
0xd: {  	[smem:$0x3FB1] =	sst s5  }
0xe: {  	[smem:$0x3FB2] =	sst s6  }
0xf: {  	[smem:$0x3FB3] =	sst s7  }
0x10: {  	[smem:$0x3FB4] =	sst s8  }
0x11: {  	[smem:$0x3FB5] =	sst s9;
	s0 =	simm.s32 @!p0 $0x0  }
0x12: {  	s1 =	sld [smem:$0x3F9B];
	s0 =	simm.s32 @p0 $0x1  }
0x13: {  	[smem:$0x3FB6] =	sst s0;
	s0 =	simm.s32 @!p1 $0x0  }
0x14: {  	s2 =	sld [smem:$0x3F9A];
	s0 =	simm.s32 @p1 $0x1  }
0x15: {  	[smem:$0x3FB7] =	sst s0;
	s0 =	simm.s32 @!p2 $0x0  }
0x16: {  	s3 =	sld [smem:$0x3FDB];
	s0 =	simm.s32 @p2 $0x1  }
0x17: {  	s4 =	simm.s32 $0x1BF5;
	[smem:$0x3FB9] =	sst s0  }
0x18: {  	s0 =	sld [smem:$0x3F9C];
	_ =	swait.ge [sflag:s4], $0x0  }
0x19: {  	s7 =	sld [smem:$0x3F9D]  }
0x1a: {  	s8 =	sadd.s32 $0xFFFFE003, lr  }
0x1b: {  	s9 =	sadd.s32 $0xFFFFFEF7, lr;
	s5 =	simm.s32 $0xFFFFFFFF;
	p2 =	slt.u32 s8, $0xFFFFF086  }
0x1c: {  	p1 =	slt.u32 s9, $0xF7A;
	s5 =	simm.s32 @!p2 $0x0  }
0x1d: {  	s5 =	simm.s32 @p1 $0x1;
	p0 =	seq.s32 s7, s2  }
0x1e: {  	s7 =	smul.u32 @!p0 $0xF7A, s2;
	p2 =	seq.s32 @!p0 s5, $0x0  }
0x1f: {  	s9 =	smul.u32 $0xF7A, s1;
	s8 =	simm.s32 @!p0 $0x1BF5;
	p2 =	por !p2, p0  }
0x20: {  	[sflag:s8] =	ssyncset.s32 @!p0 $0xFFFFF086;
	s6 =	sadd.s32 @!p0 s3, s7;
	s7 =	simm.s32 @!p0 $0x108  }
0x21: {  	s3 =	sadd.s32 s3, s9;
	s6 =	sadd.s32 @!p0 $0x88, s6;
	s7 =	simm.s32 @p2 $0x1082  }
0x22: {  	[simem:s7], [sflag:s8] =	dma.local @!p0 [hbm:s6], $0xF7A  }
0x23: {  	s9 =	sor.u32 $0xD0000000, s2;
	s6 =	simm.s32 $0x108;
	_ =	swait.ge @!p0 [sflag:s8], $0x0  }
0x24: {  	s3 =	sadd.s32 $0x88, s3;
	s6 =	simm.s32 @!p1 $0x1082;
	[sflag:s4] =	ssyncset.s32 $0xFFFFF086  }
0x25: {  	[simem:s6], [sflag:s4] =	dma.local [hbm:s3], $0xF7A  }
0x26: {  	[smem:$0x3F9D] =	sst s1;
	(tag) =	ssettag s2;
	_ =	strace s9  }
0x27: {  	s1 =	sld [smem:$0x3FAD]  }
0x28: {  	s2 =	sld [smem:$0x3FAE]  }
0x29: {  	s4 =	sld [smem:$0x3FB0]  }
0x2a: {  	p0 =	seq.s32 s5, $0x0;
	s5 =	sld [smem:$0x3FB1]  }
0x2b: {  	s6 =	sld [smem:$0x3FB2]  }
0x2c: {  	s7 =	sld [smem:$0x3FB3]  }
0x2d: {  	s3 =	simm.s32 $0x108;
	s8 =	sld [smem:$0x3FB4]  }
0x2e: {  	s3 =	simm.s32 @!p0 $0x1082;
	s9 =	sld [smem:$0x3FB5]  }
0x2f: {  	lr =	sadd.s32 s0, s3;
	s0 =	sld [smem:$0x3FAC]  }
0x30: {  	s3 =	sld [smem:$0x3FAF]  }
0x31: {  	[smem:$0x3FB8] =	sst s10  }
0x32: {  	s10 =	sld [smem:$0x3FB6];
	_ =	sdelay $0x3  }
0x33: {  	p0 =	seq.s32 s10, $0x1;
	s10 =	sld [smem:$0x3FB8];
	_ =	sdelay $0x3  }
0x34: {  	[smem:$0x3FB8] =	sst s10  }
0x35: {  	s10 =	sld [smem:$0x3FB7];
	_ =	sdelay $0x3  }
0x36: {  	p1 =	seq.s32 s10, $0x1;
	s10 =	sld [smem:$0x3FB8];
	_ =	sdelay $0x3  }
0x37: {  	[smem:$0x3FB8] =	sst s10  }
0x38: {  	s10 =	sld [smem:$0x3FB9]  }
0x39: {  	_ = 	snop;
	(pc) =	sbr.ind lr, $3  }
0x3a: {  	_ = 	snop  }
0x3b: {  	_ = 	snop  }
0x3c: {  	p2 =	seq.s32 s10, $0x1;
	s10 =	sld [smem:$0x3FB8]  }
0x3d: {  	_ =	shalt  }
0x3e: {  	_ =	shalt  }
0x3f: {  	_ =	shalt  }
0x40: {  	_ =	shalt  }
0x41: {  	_ =	shalt  }
0x42: {  	_ =	shalt  }
0x43: {  	_ =	shalt  }
0x44: {  	_ =	shalt  }
0x45: {  	_ =	shalt  }
0x46: {  	_ =	shalt  }
0x47: {  	_ =	shalt  }
0x48: {  	_ =	shalt  }
0x49: {  	_ =	shalt  }
0x4a: {  	_ =	shalt  }
0x4b: {  	_ =	shalt  }
0x4c: {  	_ =	shalt  }
0x4d: {  	_ =	shalt  }
0x4e: {  	_ =	shalt  }
0x4f: {  	_ =	shalt  }
0x50: {  	_ =	shalt  }
0x51: {  	_ =	shalt  }
0x52: {  	_ =	shalt  }
0x53: {  	_ =	shalt  }
0x54: {  	_ =	shalt  }
0x55: {  	_ =	shalt  }
0x56: {  	_ =	shalt  }
0x57: {  	_ =	shalt  }
0x58: {  	_ =	shalt  }
0x59: {  	_ =	shalt  }
0x5a: {  	_ =	shalt  }
0x5b: {  	_ =	shalt  }
0x5c: {  	_ =	shalt  }
0x5d: {  	_ =	shalt  }
0x5e: {  	_ =	shalt  }
0x5f: {  	_ =	shalt  }
0x60: {  	_ =	shalt  }
0x61: {  	_ =	shalt  }
0x62: {  	_ =	shalt  }
0x63: {  	_ =	shalt  }
0x64: {  	_ =	shalt  }
0x65: {  	_ =	shalt  }
0x66: {  	_ =	shalt  }
0x67: {  	_ =	shalt  }
0x68: {  	_ =	shalt  }
0x69: {  	_ =	shalt  }
0x6a: {  	_ =	shalt  }
0x6b: {  	_ =	shalt  }
0x6c: {  	_ =	shalt  }
0x6d: {  	_ =	shalt  }
0x6e: {  	_ =	shalt  }
0x6f: {  	_ =	shalt  }
0x70: {  	_ =	shalt  }
0x71: {  	_ =	shalt  }
0x72: {  	_ =	shalt  }
0x73: {  	_ =	shalt  }
0x74: {  	_ =	shalt  }
0x75: {  	_ =	shalt  }
0x76: {  	_ =	shalt  }
0x77: {  	_ =	shalt  }
0x78: {  	_ =	shalt  }
0x79: {  	_ =	shalt  }
0x7a: {  	_ =	shalt  }
0x7b: {  	_ =	shalt  }
0x7c: {  	_ =	shalt  }
0x7d: {  	_ =	shalt  }
0x7e: {  	_ =	shalt  }
0x7f: {  	_ =	shalt  }
0x80: {  	_ =	shalt  }
0x81: {  	_ =	shalt  }
0x82: {  	_ =	shalt  }
0x83: {  	_ =	shalt  }
0x84: {  	_ =	shalt  }
0x85: {  	_ =	shalt  }
0x86: {  	_ =	shalt  }
0x87: {  	_ =	shalt  }
.Lfunc_end0:
.L_simem_size_0:
called_computation_lowered:
.L_overlay_start_0:
0x88: {  	s2 =	sld [smem:$0x3FD9]  }
0x89: {  	s3 =	sld [smem:$0x3FFE];
	_ =	sdelay $0x1  }
0x8a: {  	s1 =	srdreg.scid  }
0x8b: {  	s0 =	sand.u32 $0x1, s1  }
0x8c: {  	s17 =	sshll.u32 s0, $0xA;
	s2 =	sadd.s32 s3, s2  }
0x8d: {  	s2 =	sadd.s32 s2, s17  }
0x8e: {  	[smem:$0x3FC4] =	sst s2  }
0x8f: {  	_ = 	snop  }
0x90: {  	s18 =	sld [smem:$0x3FD0];
	(tm) =	ssettm $0x1  }
0x91: {  	s19 =	sld [smem:$0x3FFB];
	_ =	sdelay $0x3  }
0x92: {  	_ =	strace s19  }
0x93: {  	s2 =	sld [smem:$0x3FFC];
	_ =	sdelay $0x3  }
0x94: {  	_ =	strace s2  }
0x95: {  	s2 =	sld [smem:$0x3FFD];
	_ =	sdelay $0x3  }
0x96: {  	_ =	strace s2  }
0x97: {  	_ =	strace $0x8FFFFFFF  }
0x98: {  	s20 =	sld [smem:$0x3FDB];
	_ =	sdelay $0x1  }
0x99: {  	s4 =	simm.s32 $_scs_section_size  }
0x9a: {  	s5 =	simm.s32 $_size__tile_overlayer_lowered;
	s6 =	simm.s32 $_tile_overlayer_lowered  }
0x9b: {  	s7 =	simm.s32 $0x1BFF;
	s21 =	sshll.u32 s6, $0x1;
	s4 =	sadd.s32 s4, s20  }
0x9c: {  	s22 =	simm.s32 $0x0;
	s5 =	sshll.u32 s5, $0x1;
	s6 =	sadd.s32 s21, s4  }
0x9d: {  	[timem:s22], [sflag:s7] =	dma.local [hbm:s6], s5  }
0x9e: {  	_ =	swait.ge [sflag:s7], s5  }
0x9f: {  	s5 =	ssub.s32 $0x0, s5;
	[sflag:s7] =	ssyncset.done $0x0  }
0xa0: {  	[sflag:s7] =	ssyncadd.s32 s5;
	_ =	sdelay $0x1  }
0xa1: {  	s23 =	simm.s32 $0x1B8B  }
0xa2: {  	_ =	swait.ge [sflag:s23], $0x1  }
0xa3: {  	[sflag:s23] =	ssyncset.done $0x0  }
0xa4: {  	[sflag:s23] =	ssyncadd.s32 $0xFFFFFFFF  }
0xa5: {  	s5 =	sld [smem:$0x0]  }
0xa6: {  	s6 =	sand.u32 $0xFFFFFFFE, s1  }
0xa7: {  	p0 =	sne.s32 s1, s6  }
0xa8: {  	s6 =	sshll.u32 @p0 s6, $0xE  }
0xa9: {  	s6 =	sadd.s32 @p0 $0x11B8D, s6;
	s7 =	sshll.u32 @p0 s5, $0x11  }
0xaa: {  	s6 =	sor.u32 @p0 s7, s6  }
0xab: {  	[sflag:s6] =	ssyncadd.remote.s32 @p0 $0x1;
	_ =	sdelay $0x1  }
0xac: {  	s6 =	simm.s32 @p0 $0x1B8D  }
0xad: {  	_ =	swait.eq @p0 [sflag:s6], $0x1  }
0xae: {  	[sflag:s6] =	ssyncadd.s32 @p0 $0xFFFFFFFF  }
0xaf: {  	s7 =	sshll.u32 @!p0 s1, $0xE  }
0xb0: {  	s7 =	sor.u32 @!p0 $0x4000, s7;
	s6 =	simm.s32 @!p0 $0x1B8D  }
0xb1: {  	s5 =	sshll.u32 @!p0 s5, $0x11;
	s7 =	sadd.s32 @!p0 $0x11B8D, s7;
	_ =	swait.eq @!p0 [sflag:s6], $0x1  }
0xb2: {  	s5 =	sor.u32 @!p0 s5, s7;
	[sflag:s6] =	ssyncadd.s32 @!p0 $0xFFFFFFFF  }
0xb3: {  	s25 =	simm.s32 $0x1B8E;
	s24 =	sld [smem:$0x3FFE];
	[sflag:s5] =	ssyncadd.remote.s32 @!p0 $0x1  }
0xb4: {  	s26 =	simm.s32 $execute0_lowered;
	[smem:$0x3FD2] =	sst s25  }
0xb5: {  	s6 =	sshll.u32 s26, $0x1;
	_ =	strace $0x80000049;
	[dreg:$0x1] =	wrdreg $0xFFFFFFFF  }
0xb6: {  	s28 =	simm.s32 $_size_execute0_lowered;
	s4 =	sadd.s32 s4, s6;
	[dreg:$0x0] =	wrdreg $0x0  }
0xb7: {  	s6 =	sshll.u32 s28, $0x1;
	[dreg:$0x2] =	wrdreg s4  }
0xb8: {  	[dreg:$0x3] =	wrdreg s6  }
0xb9: {  	[dreg:$0x4] =	wrdreg $0xC0  }
0xba: {  	_ =	task [dreg:s22], $0x5FFFF  }
0xbb: {  	[dreg:$0x1] =	wrdreg $0xFFFFFFFF  }
0xbc: {  	[dreg:$0x0] =	wrdreg $0x60  }
0xbd: {  	[dreg:$0x2] =	wrdreg s18  }
0xbe: {  	[dreg:$0x3] =	wrdreg s24  }
0xbf: {  	[dreg:$0x4] =	wrdreg $0x9  }
0xc0: {  	_ =	task.clear_ibuf [dreg:s22], $0x5FFFF;
	_ =	strace $0x90000049  }
0xc1: {  	s29 =	simm.s32 $0x9;
	_ =	strace $0x8000004B  }
0xc2: {  	_ =	swait.ge [sflag:s29], $0x1  }
0xc3: {  	[sflag:s29] =	ssyncadd.s32 $0xFFFFFFFF  }
0xc4: {  	_ =	strace $0x9000004B  }
0xc5: {  	_ =	sfence  }
0xc6: {  	s30 =	sld [smem:$0x0];
	_ =	sdelay $0x2  }
0xc7: {  	s31 =	sshll.u32 s1, $0xD;
	s1 =	sshrl.u32 s1, $0x2  }
0xc8: {  	s4 =	sand.u32 $0x4000, s31;
	s1 =	sadd.s32 s1, s30  }
0xc9: {  	s0 =	sor.u32 s4, s0;
	s1 =	sshll.u32 s1, $0x11  }
0xca: {  	s0 =	sor.u32 s1, s0  }
0xcb: {  	s0 =	sadd.s32 $0x8F2B, s0  }
0xcc: {  	[sflag:s0] =	ssyncadd.remote.s32 $0x1  }
0xcd: {  	_ =	sfence.sel $0xFFFF  }
0xce: {  	[dreg:$0x0] =	wrdreg $0xFFFFFFFF;
	(pc) =	sbr.abs _section_cstart, $3  }
0xcf: {  	[dreg:$0x1] =	wrdreg $0xFFFFFFFF  }
0xd0: {  	_ =	task.clear_ibuf [dreg:s22], $0x2FFFF;
	_ =	strace $0x9FFFFFFF  }
0xd1: {  	(tm) =	ssettm $0x7FFFFFFF  }
tec
execute0_lowered:
.L_overlay_start_1:
0x0: {  	(tag) =	ssettag $0x1  }
0x1: {  	s1 =	srdreg.scid;
	s2 =	rddreg [dreg:$0x0]  }
0x2: {  	s0 =	stileid.u32;
	s4 =	rddreg [dreg:$0x1]  }
0x3: {  	s3 =	simm.s32 $0x0;
	s13 =	simm.s32 $0x880;
	s14 =	simm.s32 $0x3C80  }
0x4: {  	s15 =	simm.s32 $0xD0;
	s16 =	simm.s32 $0x7080;
	s17 =	simm.s32 $0x138  }
0x5: {  	s18 =	simm.s32 $0xA480;
	s19 =	simm.s32 $0x1;
	s20 =	simm.s32 $0x2  }
0x6: {  	s21 =	simm.s32 $0x3;
	s22 =	simm.s32 $0x4;
	s23 =	simm.s32 $0x5  }
0x7: {  	s24 =	simm.s32 $0x6;
	s25 =	simm.s32 $0x7;
	s28 =	simm.s32 $0x0  }
0x8: {  	s8 =	sand.u32 $0x1, s1;
	s26 =	sshll.u32 s0, $0x1;
	s31 =	smul.u32 $0x10400, s0  }
0x9: {  	[smem:$0x7FF] =	sst s3;
	s5 =	sor.u32 s8, s26;
	s12 =	smul.u32 $0x8200, s8  }
0xa: {  	s11 =	sadd.s32 $0x109600, s4;
	s7 =	ssub.s32 $0x2, s8;
	s6 =	smul.u32 $0x820, s5  }
0xb: {  	_ =	strace $0x8000004A;
	s9 =	sshrl.u32 s7, $0x1;
	s10 =	smul.u32 $0x8200, s5  }
0xc: {  	s26 =	simm.s32 $0x8;
	s29 =	ssub.s32 s7, s9;
	s6 =	sshrl.u32 s6, $0x3  }
0xd: {  	s5 =	smax.u32 s29, $0x1;
	s30 =	sadd.s32 s11, s10;
	s10 =	sadd.s32 s31, s11  }
0xe: {  	s11 =	simm.s32 $0x9;
	s6 =	sadd.s32 s6, s4;
	s7 =	sadd.s32 $0x6E80, s30  }
0xf: {  	s8 =	sadd.s32 $0x7500, s30;
	s9 =	sadd.s32 $0x7B80, s30;
	s10 =	sadd.s32 s12, s10  }
0x10: {  	s12 =	simm.s32 $0x68;
	s4 =	sadd.s32 $0x107400, s6;
	s6 =	sadd.s32 $0x6800, s30  }
.LBB2_1:
0x11: {  	[tilespmem:s3], [sflag:$0x9] =	stream.linear.gather [hbm4b:s4+s3], $0x820, $0x38;
	[tilespmem:$0xD880] =	vst v63  }
0x12: {  	_ =	swait.ge [sflag:s11], $0x820  }
0x13: {  	[sflag:s11] =	ssyncset.done $0x0  }
0x14: {  	[sflag:s11] =	ssyncadd.s32 $0xFFFFF7E0  }
0x15: {  	[tilespmem:s13], [sflag:$0x1] =	stream.indirect.gather [hbm4b:s2+s12], $0x80, s3, s12, $0xb8;
	[tilespmem:$0xD880] =	vst v63  }
0x16: {  	_ = 	snop  }
0x17: {  	[tilespmem:s14], [sflag:$0x2] =	stream.indirect.gather [hbm4b:s2+s12], $0x80, s12, s12, $0xb8;
	[tilespmem:$0xD880] =	vst v63  }
0x18: {  	_ = 	snop  }
0x19: {  	[tilespmem:s16], [sflag:$0x3] =	stream.indirect.gather [hbm4b:s2+s12], $0x80, s15, s12, $0xb8;
	[tilespmem:$0xD880] =	vst v63  }
0x1a: {  	_ = 	snop  }
0x1b: {  	[tilespmem:s18], [sflag:$0x4] =	stream.indirect.gather [hbm4b:s2+s12], $0x80, s17, s12, $0xb8;
	[tilespmem:$0xD880] =	vst v63  }
0x1c: {  	_ =	swait.ge [sflag:s19], $0x3400  }
0x1d: {  	[sflag:s19] =	ssyncset.done $0x0  }
0x1e: {  	s29 =	sadd.s32 $0x0, s10;
	[sflag:s19] =	ssyncadd.s32 $0xFFFFCC00  }
0x1f: {  	[hbm4b:s29+s3] =	stream.linear.scatter [tilespmem:s13], [sflag:$0x5], $0x3400, $0x38;
	[tilespmem:$0xD880] =	vst v63  }
0x20: {  	_ =	swait.ge [sflag:s20], $0x3400  }
0x21: {  	[sflag:s20] =	ssyncset.done $0x0  }
0x22: {  	s30 =	sadd.s32 $0x680, s29;
	[sflag:s20] =	ssyncadd.s32 $0xFFFFCC00  }
0x23: {  	[hbm4b:s30+s3] =	stream.linear.scatter [tilespmem:s14], [sflag:$0x6], $0x3400, $0x38;
	[tilespmem:$0xD880] =	vst v63  }
0x24: {  	_ =	swait.ge [sflag:s21], $0x3400  }
0x25: {  	[sflag:s21] =	ssyncset.done $0x0  }
0x26: {  	s30 =	sadd.s32 $0xD00, s29;
	[sflag:s21] =	ssyncadd.s32 $0xFFFFCC00  }
0x27: {  	[hbm4b:s30+s3] =	stream.linear.scatter [tilespmem:s16], [sflag:$0x7], $0x3400, $0x38;
	[tilespmem:$0xD880] =	vst v63  }
0x28: {  	_ =	swait.ge [sflag:s22], $0x3400  }
0x29: {  	[sflag:s22] =	ssyncset.done $0x0  }
0x2a: {  	s29 =	sadd.s32 $0x1380, s29;
	[sflag:s22] =	ssyncadd.s32 $0xFFFFCC00  }
0x2b: {  	[hbm4b:s29+s3] =	stream.linear.scatter [tilespmem:s18], [sflag:$0x8], $0x3400, $0x38;
	[tilespmem:$0xD880] =	vst v63  }
0x2c: {  	_ =	swait.ge [sflag:s23], $0x3400  }
0x2d: {  	[sflag:s23] =	ssyncset.done $0x0  }
0x2e: {  	s29 =	simm.s32 $0x1A0;
	[sflag:s23] =	ssyncadd.s32 $0xFFFFCC00  }
0x2f: {  	[tilespmem:s13], [sflag:$0x1] =	stream.indirect.gather [hbm4b:s2+s12], $0x80, s29, s12, $0xb8;
	[tilespmem:$0xD880] =	vst v63  }
0x30: {  	_ =	swait.ge [sflag:s24], $0x3400  }
0x31: {  	[sflag:s24] =	ssyncset.done $0x0  }
0x32: {  	s29 =	simm.s32 $0x208;
	[sflag:s24] =	ssyncadd.s32 $0xFFFFCC00  }
0x33: {  	[tilespmem:s14], [sflag:$0x2] =	stream.indirect.gather [hbm4b:s2+s12], $0x80, s29, s12, $0xb8;
	[tilespmem:$0xD880] =	vst v63  }
0x34: {  	_ =	swait.ge [sflag:s25], $0x3400  }
0x35: {  	[sflag:s25] =	ssyncset.done $0x0  }
0x36: {  	s29 =	simm.s32 $0x270;
	[sflag:s25] =	ssyncadd.s32 $0xFFFFCC00  }
0x37: {  	[tilespmem:s16], [sflag:$0x3] =	stream.indirect.gather [hbm4b:s2+s12], $0x80, s29, s12, $0xb8;
	[tilespmem:$0xD880] =	vst v63  }
0x38: {  	_ =	swait.ge [sflag:s26], $0x3400  }
0x39: {  	s31 =	simm.s32 $0x478;
	[sflag:s26] =	ssyncset.done $0x0  }
0x3a: {  	s30 =	simm.s32 $0x1A00;
	s29 =	simm.s32 $0x2D8;
	[sflag:s26] =	ssyncadd.s32 $0xFFFFCC00  }
.LBB2_2:
0x3b: {  	[tilespmem:s18], [sflag:$0x4] =	stream.indirect.gather [hbm4b:s2+s12], $0x80, s29, s12, $0xb8;
	[tilespmem:$0xD880] =	vst v63  }
0x3c: {  	s1 =	smov.u32 s30;
	s29 =	smov.u32 s31  }
0x3d: {  	p0 =	sne.s32 s30, $0x4E00;
	s30 =	sadd.s32 $0x1A00, s30;
	_ =	swait.ge [sflag:s19], $0x3400  }
0x3e: {  	[sflag:s19] =	ssyncset.done $0x0  }
0x3f: {  	s1 =	sadd.s32 s1, s10;
	[sflag:s19] =	ssyncadd.s32 $0xFFFFCC00  }
0x40: {  	[hbm4b:s1+s3] =	stream.linear.scatter [tilespmem:s13], [sflag:$0x5], $0x3400, $0x38;
	[tilespmem:$0xD880] =	vst v63  }
0x41: {  	_ =	swait.ge [sflag:s20], $0x3400  }
0x42: {  	[sflag:s20] =	ssyncset.done $0x0  }
0x43: {  	s0 =	sadd.s32 $0x680, s1;
	[sflag:s20] =	ssyncadd.s32 $0xFFFFCC00  }
0x44: {  	[hbm4b:s0+s3] =	stream.linear.scatter [tilespmem:s14], [sflag:$0x6], $0x3400, $0x38;
	[tilespmem:$0xD880] =	vst v63  }
0x45: {  	_ =	swait.ge [sflag:s21], $0x3400  }
0x46: {  	[sflag:s21] =	ssyncset.done $0x0  }
0x47: {  	s0 =	sadd.s32 $0xD00, s1;
	[sflag:s21] =	ssyncadd.s32 $0xFFFFCC00  }
0x48: {  	[hbm4b:s0+s3] =	stream.linear.scatter [tilespmem:s16], [sflag:$0x7], $0x3400, $0x38;
	[tilespmem:$0xD880] =	vst v63  }
0x49: {  	_ =	swait.ge [sflag:s22], $0x3400  }
0x4a: {  	[sflag:s22] =	ssyncset.done $0x0  }
0x4b: {  	s0 =	sadd.s32 $0x1380, s1;
	[sflag:s22] =	ssyncadd.s32 $0xFFFFCC00  }
0x4c: {  	[hbm4b:s0+s3] =	stream.linear.scatter [tilespmem:s18], [sflag:$0x8], $0x3400, $0x38;
	[tilespmem:$0xD880] =	vst v63  }
0x4d: {  	_ =	swait.ge [sflag:s23], $0x3400  }
0x4e: {  	[sflag:s23] =	ssyncset.done $0x0  }
0x4f: {  	s0 =	sadd.s32 $0xFFFFFEC8, s31;
	[sflag:s23] =	ssyncadd.s32 $0xFFFFCC00  }
0x50: {  	[tilespmem:s13], [sflag:$0x1] =	stream.indirect.gather [hbm4b:s2+s12], $0x80, s0, s12, $0xb8;
	[tilespmem:$0xD880] =	vst v63  }
0x51: {  	_ =	swait.ge [sflag:s24], $0x3400  }
0x52: {  	[sflag:s24] =	ssyncset.done $0x0  }
0x53: {  	s0 =	sadd.s32 $0xFFFFFF30, s31;
	[sflag:s24] =	ssyncadd.s32 $0xFFFFCC00  }
0x54: {  	[tilespmem:s14], [sflag:$0x2] =	stream.indirect.gather [hbm4b:s2+s12], $0x80, s0, s12, $0xb8;
	[tilespmem:$0xD880] =	vst v63  }
0x55: {  	_ =	swait.ge [sflag:s25], $0x3400  }
0x56: {  	[sflag:s25] =	ssyncset.done $0x0  }
.Ltmp0:
0x57: {  	s0 =	sadd.s32 $0xFFFFFF98, s31;
	[sflag:s25] =	ssyncadd.s32 $0xFFFFCC00;
	(pc) =	sbr.rel @p0 .LBB2_2-.Ltmp0, $4  }
0x58: {  	[tilespmem:s16], [sflag:$0x3] =	stream.indirect.gather [hbm4b:s2+s12], $0x80, s0, s12, $0xb8;
	[tilespmem:$0xD880] =	vst v63  }
0x59: {  	_ =	swait.ge [sflag:s26], $0x3400  }
0x5a: {  	[sflag:s26] =	ssyncset.done $0x0  }
0x5b: {  	s31 =	sadd.s32 $0x1A0, s31;
	[sflag:s26] =	ssyncadd.s32 $0xFFFFCC00  }
0x5c: {  	[tilespmem:s18], [sflag:$0x4] =	stream.indirect.gather [hbm4b:s2+s12], $0x80, s29, s12, $0xb8;
	[tilespmem:$0xD880] =	vst v63  }
0x5d: {  	_ =	swait.ge [sflag:s19], $0x3400  }
0x5e: {  	[sflag:s19] =	ssyncset.done $0x0  }
0x5f: {  	[sflag:s19] =	ssyncadd.s32 $0xFFFFCC00  }
0x60: {  	[hbm4b:s6+s3] =	stream.linear.scatter [tilespmem:s13], [sflag:$0x5], $0x3400, $0x38;
	[tilespmem:$0xD880] =	vst v63  }
0x61: {  	_ =	swait.ge [sflag:s20], $0x3400  }
0x62: {  	[sflag:s20] =	ssyncset.done $0x0  }
0x63: {  	[sflag:s20] =	ssyncadd.s32 $0xFFFFCC00  }
0x64: {  	[hbm4b:s7+s3] =	stream.linear.scatter [tilespmem:s14], [sflag:$0x6], $0x3400, $0x38;
	[tilespmem:$0xD880] =	vst v63  }
0x65: {  	_ =	swait.ge [sflag:s21], $0x3400  }
0x66: {  	[sflag:s21] =	ssyncset.done $0x0  }
0x67: {  	[sflag:s21] =	ssyncadd.s32 $0xFFFFCC00  }
0x68: {  	[hbm4b:s8+s3] =	stream.linear.scatter [tilespmem:s16], [sflag:$0x7], $0x3400, $0x38;
	[tilespmem:$0xD880] =	vst v63  }
0x69: {  	_ =	swait.ge [sflag:s22], $0x3400  }
0x6a: {  	[sflag:s22] =	ssyncset.done $0x0  }
0x6b: {  	[sflag:s22] =	ssyncadd.s32 $0xFFFFCC00  }
0x6c: {  	[hbm4b:s9+s3] =	stream.linear.scatter [tilespmem:s18], [sflag:$0x8], $0x3400, $0x38;
	[tilespmem:$0xD880] =	vst v63  }
0x6d: {  	_ =	swait.ge [sflag:s23], $0x3400  }
0x6e: {  	[sflag:s23] =	ssyncset.done $0x0  }
0x6f: {  	[sflag:s23] =	ssyncadd.s32 $0xFFFFCC00  }
0x70: {  	_ =	swait.ge [sflag:s24], $0x3400  }
0x71: {  	[sflag:s24] =	ssyncset.done $0x0  }
0x72: {  	s28 =	sadd.s32 $0x1, s28;
	[sflag:s24] =	ssyncadd.s32 $0xFFFFCC00  }
0x73: {  	p0 =	sne.s32 s28, s5;
	_ =	swait.ge [sflag:s25], $0x3400  }
.Ltmp1:
0x74: {  	[sflag:s25] =	ssyncset.done $0x0;
	(pc) =	sbr.rel @p0 .LBB2_1-.Ltmp1, $4  }
0x75: {  	[sflag:s25] =	ssyncadd.s32 $0xFFFFCC00  }
0x76: {  	_ =	swait.ge [sflag:s26], $0x3400  }
0x77: {  	[sflag:s26] =	ssyncset.done $0x0  }
0x78: {  	[sflag:s26] =	ssyncadd.s32 $0xFFFFCC00  }
0x79: {  	_ =	sfence.sel $0x180000  }
0x7a: {  	[bflag:$0x0] =	sbarrier.arrive $0xFFFF  }
0x7b: {  	_ =	strace $0x9000004A  }
0x7c: {  	s0 =	stileid.u32;
	[bflag:$0x2] =	sbarrier.arrive $0xFFFF  }
0x7d: {  	p0 =	sne.s32 s0, $0x0;
	s0 =	rddreg [dreg:$0x2]  }
0x7e: {  	s0 =	sadd.s32 @!p0 $0x100000, s0  }
0x7f: {  	[sflag:s0] =	ssyncadd.tile.s32 @!p0 $0x1;
	_ =	shalt  }
.Lfunc_end2:
_tile_overlayer_lowered:
.L_overlay_start_2:
0x80: {  	(tag) =	ssettag $0x2  }
0x81: {  	s0 =	rddreg [dreg:$0x0];
	s2 =	stileid.u32  }
0x82: {  	s1 =	rddreg [dreg:$0x1];
	p0 =	sne.s32 s2, $0x0  }
0x83: {  	s3 =	rddreg [dreg:$0x2];
	[bflag:$0x3] =	sbarrier.arrive $0xFFFF;
	s2 =	simm.s32 @!p0 $0x1C09  }
0x84: {  	[timem:s3], [sflag:s2] =	dma.local @!p0 [hbm:s0], s1  }
0x85: {  	s0 =	simm.s32 @!p0 $0x9  }
0x86: {  	_ =	swait.ge @!p0 [sflag:s0], s1  }
0x87: {  	s1 =	ssub.s32 @!p0 $0x0, s1;
	[sflag:s0] =	ssyncset.done @!p0 $0x0  }
0x88: {  	[sflag:s0] =	ssyncadd.s32 @!p0 s1  }
0x89: {  	[bflag:$0x3] =	sbarrier.arrive $0xFFFF  }
0x8a: {  	_ =	shalt  }

</sc_bundles>
